<compile_context>
chip_gen: v7x
topology: tpu7x:2x2x1
jax: 0.10.2.dev20260603
libtpu: 0.0.44.dev20260713+nightly
codegen_flags: <defaults>
</compile_context>

<pallas_src>
import functools

import jax
import jax.numpy as jnp
from jax import lax
from jax.experimental import pallas as pl
from jax.experimental.pallas import tpu as pltpu
from jax.experimental.pallas import tpu_sc as plsc

B, S, D = 16, 2048, 128
NCORE = 2
NS = 16
NW = NCORE * NS
P = S // NW
CHB = 2
CH = CHB * P
RV = D // 16
NBUF = 7
AHEAD = 4
NCHUNK = B // CHB


def _emb_body(x_hbm, tok_hbm, pos_hbm, out_hbm, idx_v, pos_v, *rest):
    bufs, gsems, wsems = rest[:NBUF], rest[NBUF:2 * NBUF], rest[2 * NBUF:]
    wid = lax.axis_index("s") * NCORE + lax.axis_index("c")
    p0 = wid * P
    ih = [pltpu.async_copy(x_hbm.at[b, pl.ds(p0, P)],
                           idx_v.at[pl.ds(b * P, P)], wsems[0])
          for b in range(B)]
    pltpu.sync_copy(pos_hbm.at[pl.ds(p0, P)], pos_v)
    for h in ih:
        h.wait()

    gets, puts = {}, {}

    def start_gather(c):
        gets[c] = pltpu.async_copy(tok_hbm.at[idx_v.at[pl.ds(c * CH, CH)]],
                                   bufs[c % NBUF], gsems[c % NBUF])

    for c in range(min(AHEAD, NCHUNK)):
        start_gather(c)
    for c in range(NCHUNK):
        nc = c + AHEAD
        if nc < NCHUNK:
            if nc >= NBUF:
                for k in range(CHB):
                    puts[(nc - NBUF) * CHB + k].wait()
            start_gather(nc)
        gets[c].wait()
        cur = bufs[c % NBUF]

        def add_row(i, carry, cur=cur):
            for j in range(RV):
                sl = pl.ds(j * 16, 16)
                pv = pos_v[i, sl]
                for k in range(CHB):
                    plsc.addupdate(cur.at[k * P + i, sl], pv)
            return carry

        lax.fori_loop(0, P, add_row, 0)
        for k in range(CHB):
            puts[c * CHB + k] = pltpu.async_copy(
                cur.at[pl.ds(k * P, P)],
                out_hbm.at[c * CHB + k, pl.ds(p0, P)],
                wsems[c % NBUF])
    for c in range(max(0, NCHUNK - NBUF), NCHUNK):
        for k in range(CHB):
            puts[c * CHB + k].wait()


_emb_kernel = functools.partial(
    pl.kernel,
    mesh=plsc.VectorSubcoreMesh(core_axis_name="c", subcore_axis_name="s",
                                num_cores=NCORE),
    out_type=jax.ShapeDtypeStruct((B, S, D), jnp.float32),
    compiler_params=pltpu.CompilerParams(
        skip_device_barrier=True,
        disable_bounds_checks=True,
        disable_semaphore_checks=True,
    ),
    scratch_types=(
        [pltpu.VMEM((B * P,), jnp.int32), pltpu.VMEM((P, D), jnp.float32)]
        + [pltpu.VMEM((CH, D), jnp.float32) for _ in range(NBUF)]
        + [pltpu.SemaphoreType.DMA for _ in range(2 * NBUF)]
    ),
)(_emb_body)


def kernel(x, token_table, pos_table):
    return _emb_kernel(x.astype(jnp.int32), token_table, pos_table)

# --- scband reference (transcript-rebuilt; emitter-appended) ---
"""Pipeline reference for scband-embeddings-12283606466672 (READ-ONLY COPY).

The authoritative reference and input builder live on the scoring server;
editing this copy changes nothing except your own understanding.
"""

import jax, jax.numpy as jnp
import numpy as np

VOCAB = 100000
N_EMBD = 128
MAX_POS = 2048
B, S = 16, 2048

def setup_inputs(seed: int = 0) -> dict:
    key = jax.random.key(seed)
    k1, k2, k3 = jax.random.split(key, 3)
    x = jax.random.randint(k1, (B, S), 0, VOCAB, dtype=jnp.int64) if jax.config.jax_enable_x64 else jax.random.randint(k1, (B, S), 0, VOCAB, dtype=jnp.int32)
    token_table = jax.random.normal(k2, (VOCAB, N_EMBD), dtype=jnp.float32) * 0.02
    pos_table = jax.random.normal(k3, (MAX_POS, N_EMBD), dtype=jnp.float32) * 0.02
    return {"x": x, "token_table": token_table, "pos_table": pos_table}

def reference(x, token_table, pos_table):
    # token embedding: gather rows from token_table
    tokens = jnp.take(token_table, x, axis=0)  # [B, S, N_EMBD]
    # position embedding: arange(S) broadcast over batch
    positions = jnp.arange(x.shape[1])
    pos_emb = jnp.take(pos_table, positions, axis=0)  # [S, N_EMBD]
    out = tokens + pos_emb[None, :, :]
    return out

if __name__ == "__main__":
    import jax
    _d = setup_inputs()
    print(jax.jit(kernel)(*tuple(_d.values())))

</pallas_src>

<mosaic_0001>
#map = affine_map<(d0, d1) -> (0, 0)>
#map1 = affine_map<(d0, d1) -> (0, 0, 0)>
module attributes {stable_mosaic.version = 14 : i64} {
  func.func @_emb_body(%arg0: i32, %arg1: i32, %arg2: memref<16x2048xi32, #tpu.memory_space<hbm>>, %arg3: memref<100000x128xf32, #tpu.memory_space<hbm>>, %arg4: memref<2048x128xf32, #tpu.memory_space<hbm>>, %arg5: memref<16x2048x128xf32, #tpu.memory_space<hbm>>, %arg6: memref<1024xi32, #tpu.memory_space<vmem>>, %arg7: memref<64x128xf32, #tpu.memory_space<vmem>>, %arg8: memref<128x128xf32, #tpu.memory_space<vmem>>, %arg9: memref<128x128xf32, #tpu.memory_space<vmem>>, %arg10: memref<128x128xf32, #tpu.memory_space<vmem>>, %arg11: memref<128x128xf32, #tpu.memory_space<vmem>>, %arg12: memref<128x128xf32, #tpu.memory_space<vmem>>, %arg13: memref<128x128xf32, #tpu.memory_space<vmem>>, %arg14: memref<128x128xf32, #tpu.memory_space<vmem>>, %arg15: memref<!tpu.dma_semaphore, #tpu.memory_space<semaphore_mem>>, %arg16: memref<!tpu.dma_semaphore, #tpu.memory_space<semaphore_mem>>, %arg17: memref<!tpu.dma_semaphore, #tpu.memory_space<semaphore_mem>>, %arg18: memref<!tpu.dma_semaphore, #tpu.memory_space<semaphore_mem>>, %arg19: memref<!tpu.dma_semaphore, #tpu.memory_space<semaphore_mem>>, %arg20: memref<!tpu.dma_semaphore, #tpu.memory_space<semaphore_mem>>, %arg21: memref<!tpu.dma_semaphore, #tpu.memory_space<semaphore_mem>>, %arg22: memref<!tpu.dma_semaphore, #tpu.memory_space<semaphore_mem>>, %arg23: memref<!tpu.dma_semaphore, #tpu.memory_space<semaphore_mem>>, %arg24: memref<!tpu.dma_semaphore, #tpu.memory_space<semaphore_mem>>, %arg25: memref<!tpu.dma_semaphore, #tpu.memory_space<semaphore_mem>>, %arg26: memref<!tpu.dma_semaphore, #tpu.memory_space<semaphore_mem>>, %arg27: memref<!tpu.dma_semaphore, #tpu.memory_space<semaphore_mem>>, %arg28: memref<!tpu.dma_semaphore, #tpu.memory_space<semaphore_mem>>) attributes {dimension_semantics = [#tpu.dimension_semantics<core_parallel>, #tpu.dimension_semantics<subcore_parallel>], iteration_bounds = array<i64: 2, 16>, scalar_prefetch = 0 : i64, scratch_operands = 23 : i64, tpu.core_type = #tpu.core_type<sc_vector_subcore>, window_params = [{transform_indices = #map}, {transform_indices = #map}, {transform_indices = #map}, {transform_indices = #map1}]} {
    %mul3A = arith.constant 2 : i32
    %mul3A_0 = arith.muli %arg1, %mul3A : i32
    %add3A = arith.addi %mul3A_0, %arg0 : i32
    %mul3A_1 = arith.constant 64 : i32
    %mul3A_2 = arith.muli %add3A, %mul3A_1 : i32
    %dma_start3A = arith.constant 0 : i32
    %dma_start3A_3 = arith.constant 0 : i32
    %dma_start3A_4 = tpu.memref_slice %arg6[%dma_start3A_3] : memref<1024xi32, #tpu.memory_space<vmem>> -> memref<64xi32, #tpu.memory_space<vmem>>
    %dma_start3A_5 = tpu.memref_slice %arg2[%dma_start3A, %mul3A_2] : memref<16x2048xi32, #tpu.memory_space<hbm>> -> memref<1x64xi32, #tpu.memory_space<hbm>>
    %dma_start3A_6 = tpu.memref_squeeze %dma_start3A_5 : memref<1x64xi32, #tpu.memory_space<hbm>> -> memref<64xi32, #tpu.memory_space<hbm>>
    %dma_start3A_7 = arith.constant 0 : i32
    %dma_start3A_8 = tpu.memref_slice %arg6[%dma_start3A_7] : memref<1024xi32, #tpu.memory_space<vmem>> -> memref<64xi32, #tpu.memory_space<vmem>>
    %dma_start3A_9 = tpu.memref_slice %arg2[%dma_start3A, %mul3A_2] : memref<16x2048xi32, #tpu.memory_space<hbm>> -> memref<1x64xi32, #tpu.memory_space<hbm>>
    %dma_start3A_10 = tpu.memref_squeeze %dma_start3A_9 : memref<1x64xi32, #tpu.memory_space<hbm>> -> memref<64xi32, #tpu.memory_space<hbm>>
    tpu.enqueue_dma source(%dma_start3A_10 : memref<64xi32, #tpu.memory_space<hbm>>) target(%dma_start3A_8 : memref<64xi32, #tpu.memory_space<vmem>>) target_semaphore(%arg22 : memref<!tpu.dma_semaphore, #tpu.memory_space<semaphore_mem>>)
    %dma_start3A_11 = arith.constant 1 : i32
    %dma_start3A_12 = arith.constant 64 : i32
    %dma_start3A_13 = tpu.memref_slice %arg6[%dma_start3A_12] : memref<1024xi32, #tpu.memory_space<vmem>> -> memref<64xi32, #tpu.memory_space<vmem>>
    %dma_start3A_14 = tpu.memref_slice %arg2[%dma_start3A_11, %mul3A_2] : memref<16x2048xi32, #tpu.memory_space<hbm>> -> memref<1x64xi32, #tpu.memory_space<hbm>>
    %dma_start3A_15 = tpu.memref_squeeze %dma_start3A_14 : memref<1x64xi32, #tpu.memory_space<hbm>> -> memref<64xi32, #tpu.memory_space<hbm>>
    %dma_start3A_16 = arith.constant 64 : i32
    %dma_start3A_17 = tpu.memref_slice %arg6[%dma_start3A_16] : memref<1024xi32, #tpu.memory_space<vmem>> -> memref<64xi32, #tpu.memory_space<vmem>>
    %dma_start3A_18 = tpu.memref_slice %arg2[%dma_start3A_11, %mul3A_2] : memref<16x2048xi32, #tpu.memory_space<hbm>> -> memref<1x64xi32, #tpu.memory_space<hbm>>
    %dma_start3A_19 = tpu.memref_squeeze %dma_start3A_18 : memref<1x64xi32, #tpu.memory_space<hbm>> -> memref<64xi32, #tpu.memory_space<hbm>>
    tpu.enqueue_dma source(%dma_start3A_19 : memref<64xi32, #tpu.memory_space<hbm>>) target(%dma_start3A_17 : memref<64xi32, #tpu.memory_space<vmem>>) target_semaphore(%arg22 : memref<!tpu.dma_semaphore, #tpu.memory_space<semaphore_mem>>)
    %dma_start3A_20 = arith.constant 2 : i32
    %dma_start3A_21 = arith.constant 128 : i32
    %dma_start3A_22 = tpu.memref_slice %arg6[%dma_start3A_21] : memref<1024xi32, #tpu.memory_space<vmem>> -> memref<64xi32, #tpu.memory_space<vmem>>
    %dma_start3A_23 = tpu.memref_slice %arg2[%dma_start3A_20, %mul3A_2] : memref<16x2048xi32, #tpu.memory_space<hbm>> -> memref<1x64xi32, #tpu.memory_space<hbm>>
    %dma_start3A_24 = tpu.memref_squeeze %dma_start3A_23 : memref<1x64xi32, #tpu.memory_space<hbm>> -> memref<64xi32, #tpu.memory_space<hbm>>
    %dma_start3A_25 = arith.constant 128 : i32
    %dma_start3A_26 = tpu.memref_slice %arg6[%dma_start3A_25] : memref<1024xi32, #tpu.memory_space<vmem>> -> memref<64xi32, #tpu.memory_space<vmem>>
    %dma_start3A_27 = tpu.memref_slice %arg2[%dma_start3A_20, %mul3A_2] : memref<16x2048xi32, #tpu.memory_space<hbm>> -> memref<1x64xi32, #tpu.memory_space<hbm>>
    %dma_start3A_28 = tpu.memref_squeeze %dma_start3A_27 : memref<1x64xi32, #tpu.memory_space<hbm>> -> memref<64xi32, #tpu.memory_space<hbm>>
    tpu.enqueue_dma source(%dma_start3A_28 : memref<64xi32, #tpu.memory_space<hbm>>) target(%dma_start3A_26 : memref<64xi32, #tpu.memory_space<vmem>>) target_semaphore(%arg22 : memref<!tpu.dma_semaphore, #tpu.memory_space<semaphore_mem>>)
    %dma_start3A_29 = arith.constant 3 : i32
    %dma_start3A_30 = arith.constant 192 : i32
    %dma_start3A_31 = tpu.memref_slice %arg6[%dma_start3A_30] : memref<1024xi32, #tpu.memory_space<vmem>> -> memref<64xi32, #tpu.memory_space<vmem>>
    %dma_start3A_32 = tpu.memref_slice %arg2[%dma_start3A_29, %mul3A_2] : memref<16x2048xi32, #tpu.memory_space<hbm>> -> memref<1x64xi32, #tpu.memory_space<hbm>>
    %dma_start3A_33 = tpu.memref_squeeze %dma_start3A_32 : memref<1x64xi32, #tpu.memory_space<hbm>> -> memref<64xi32, #tpu.memory_space<hbm>>
    %dma_start3A_34 = arith.constant 192 : i32
    %dma_start3A_35 = tpu.memref_slice %arg6[%dma_start3A_34] : memref<1024xi32, #tpu.memory_space<vmem>> -> memref<64xi32, #tpu.memory_space<vmem>>
    %dma_start3A_36 = tpu.memref_slice %arg2[%dma_start3A_29, %mul3A_2] : memref<16x2048xi32, #tpu.memory_space<hbm>> -> memref<1x64xi32, #tpu.memory_space<hbm>>
    %dma_start3A_37 = tpu.memref_squeeze %dma_start3A_36 : memref<1x64xi32, #tpu.memory_space<hbm>> -> memref<64xi32, #tpu.memory_space<hbm>>
    tpu.enqueue_dma source(%dma_start3A_37 : memref<64xi32, #tpu.memory_space<hbm>>) target(%dma_start3A_35 : memref<64xi32, #tpu.memory_space<vmem>>) target_semaphore(%arg22 : memref<!tpu.dma_semaphore, #tpu.memory_space<semaphore_mem>>)
    %dma_start3A_38 = arith.constant 4 : i32
    %dma_start3A_39 = arith.constant 256 : i32
    %dma_start3A_40 = tpu.memref_slice %arg6[%dma_start3A_39] : memref<1024xi32, #tpu.memory_space<vmem>> -> memref<64xi32, #tpu.memory_space<vmem>>
    %dma_start3A_41 = tpu.memref_slice %arg2[%dma_start3A_38, %mul3A_2] : memref<16x2048xi32, #tpu.memory_space<hbm>> -> memref<1x64xi32, #tpu.memory_space<hbm>>
    %dma_start3A_42 = tpu.memref_squeeze %dma_start3A_41 : memref<1x64xi32, #tpu.memory_space<hbm>> -> memref<64xi32, #tpu.memory_space<hbm>>
    %dma_start3A_43 = arith.constant 256 : i32
    %dma_start3A_44 = tpu.memref_slice %arg6[%dma_start3A_43] : memref<1024xi32, #tpu.memory_space<vmem>> -> memref<64xi32, #tpu.memory_space<vmem>>
    %dma_start3A_45 = tpu.memref_slice %arg2[%dma_start3A_38, %mul3A_2] : memref<16x2048xi32, #tpu.memory_space<hbm>> -> memref<1x64xi32, #tpu.memory_space<hbm>>
    %dma_start3A_46 = tpu.memref_squeeze %dma_start3A_45 : memref<1x64xi32, #tpu.memory_space<hbm>> -> memref<64xi32, #tpu.memory_space<hbm>>
    tpu.enqueue_dma source(%dma_start3A_46 : memref<64xi32, #tpu.memory_space<hbm>>) target(%dma_start3A_44 : memref<64xi32, #tpu.memory_space<vmem>>) target_semaphore(%arg22 : memref<!tpu.dma_semaphore, #tpu.memory_space<semaphore_mem>>)
    %dma_start3A_47 = arith.constant 5 : i32
    %dma_start3A_48 = arith.constant 320 : i32
    %dma_start3A_49 = tpu.memref_slice %arg6[%dma_start3A_48] : memref<1024xi32, #tpu.memory_space<vmem>> -> memref<64xi32, #tpu.memory_space<vmem>>
    %dma_start3A_50 = tpu.memref_slice %arg2[%dma_start3A_47, %mul3A_2] : memref<16x2048xi32, #tpu.memory_space<hbm>> -> memref<1x64xi32, #tpu.memory_space<hbm>>
    %dma_start3A_51 = tpu.memref_squeeze %dma_start3A_50 : memref<1x64xi32, #tpu.memory_space<hbm>> -> memref<64xi32, #tpu.memory_space<hbm>>
    %dma_start3A_52 = arith.constant 320 : i32
    %dma_start3A_53 = tpu.memref_slice %arg6[%dma_start3A_52] : memref<1024xi32, #tpu.memory_space<vmem>> -> memref<64xi32, #tpu.memory_space<vmem>>
    %dma_start3A_54 = tpu.memref_slice %arg2[%dma_start3A_47, %mul3A_2] : memref<16x2048xi32, #tpu.memory_space<hbm>> -> memref<1x64xi32, #tpu.memory_space<hbm>>
    %dma_start3A_55 = tpu.memref_squeeze %dma_start3A_54 : memref<1x64xi32, #tpu.memory_space<hbm>> -> memref<64xi32, #tpu.memory_space<hbm>>
    tpu.enqueue_dma source(%dma_start3A_55 : memref<64xi32, #tpu.memory_space<hbm>>) target(%dma_start3A_53 : memref<64xi32, #tpu.memory_space<vmem>>) target_semaphore(%arg22 : memref<!tpu.dma_semaphore, #tpu.memory_space<semaphore_mem>>)
    %dma_start3A_56 = arith.constant 6 : i32
    %dma_start3A_57 = arith.constant 384 : i32
    %dma_start3A_58 = tpu.memref_slice %arg6[%dma_start3A_57] : memref<1024xi32, #tpu.memory_space<vmem>> -> memref<64xi32, #tpu.memory_space<vmem>>
    %dma_start3A_59 = tpu.memref_slice %arg2[%dma_start3A_56, %mul3A_2] : memref<16x2048xi32, #tpu.memory_space<hbm>> -> memref<1x64xi32, #tpu.memory_space<hbm>>
    %dma_start3A_60 = tpu.memref_squeeze %dma_start3A_59 : memref<1x64xi32, #tpu.memory_space<hbm>> -> memref<64xi32, #tpu.memory_space<hbm>>
    %dma_start3A_61 = arith.constant 384 : i32
    %dma_start3A_62 = tpu.memref_slice %arg6[%dma_start3A_61] : memref<1024xi32, #tpu.memory_space<vmem>> -> memref<64xi32, #tpu.memory_space<vmem>>
    %dma_start3A_63 = tpu.memref_slice %arg2[%dma_start3A_56, %mul3A_2] : memref<16x2048xi32, #tpu.memory_space<hbm>> -> memref<1x64xi32, #tpu.memory_space<hbm>>
    %dma_start3A_64 = tpu.memref_squeeze %dma_start3A_63 : memref<1x64xi32, #tpu.memory_space<hbm>> -> memref<64xi32, #tpu.memory_space<hbm>>
    tpu.enqueue_dma source(%dma_start3A_64 : memref<64xi32, #tpu.memory_space<hbm>>) target(%dma_start3A_62 : memref<64xi32, #tpu.memory_space<vmem>>) target_semaphore(%arg22 : memref<!tpu.dma_semaphore, #tpu.memory_space<semaphore_mem>>)
    %dma_start3A_65 = arith.constant 7 : i32
    %dma_start3A_66 = arith.constant 448 : i32
    %dma_start3A_67 = tpu.memref_slice %arg6[%dma_start3A_66] : memref<1024xi32, #tpu.memory_space<vmem>> -> memref<64xi32, #tpu.memory_space<vmem>>
    %dma_start3A_68 = tpu.memref_slice %arg2[%dma_start3A_65, %mul3A_2] : memref<16x2048xi32, #tpu.memory_space<hbm>> -> memref<1x64xi32, #tpu.memory_space<hbm>>
    %dma_start3A_69 = tpu.memref_squeeze %dma_start3A_68 : memref<1x64xi32, #tpu.memory_space<hbm>> -> memref<64xi32, #tpu.memory_space<hbm>>
    %dma_start3A_70 = arith.constant 448 : i32
    %dma_start3A_71 = tpu.memref_slice %arg6[%dma_start3A_70] : memref<1024xi32, #tpu.memory_space<vmem>> -> memref<64xi32, #tpu.memory_space<vmem>>
    %dma_start3A_72 = tpu.memref_slice %arg2[%dma_start3A_65, %mul3A_2] : memref<16x2048xi32, #tpu.memory_space<hbm>> -> memref<1x64xi32, #tpu.memory_space<hbm>>
    %dma_start3A_73 = tpu.memref_squeeze %dma_start3A_72 : memref<1x64xi32, #tpu.memory_space<hbm>> -> memref<64xi32, #tpu.memory_space<hbm>>
    tpu.enqueue_dma source(%dma_start3A_73 : memref<64xi32, #tpu.memory_space<hbm>>) target(%dma_start3A_71 : memref<64xi32, #tpu.memory_space<vmem>>) target_semaphore(%arg22 : memref<!tpu.dma_semaphore, #tpu.memory_space<semaphore_mem>>)
    %dma_start3A_74 = arith.constant 8 : i32
    %dma_start3A_75 = arith.constant 512 : i32
    %dma_start3A_76 = tpu.memref_slice %arg6[%dma_start3A_75] : memref<1024xi32, #tpu.memory_space<vmem>> -> memref<64xi32, #tpu.memory_space<vmem>>
    %dma_start3A_77 = tpu.memref_slice %arg2[%dma_start3A_74, %mul3A_2] : memref<16x2048xi32, #tpu.memory_space<hbm>> -> memref<1x64xi32, #tpu.memory_space<hbm>>
    %dma_start3A_78 = tpu.memref_squeeze %dma_start3A_77 : memref<1x64xi32, #tpu.memory_space<hbm>> -> memref<64xi32, #tpu.memory_space<hbm>>
    %dma_start3A_79 = arith.constant 512 : i32
    %dma_start3A_80 = tpu.memref_slice %arg6[%dma_start3A_79] : memref<1024xi32, #tpu.memory_space<vmem>> -> memref<64xi32, #tpu.memory_space<vmem>>
    %dma_start3A_81 = tpu.memref_slice %arg2[%dma_start3A_74, %mul3A_2] : memref<16x2048xi32, #tpu.memory_space<hbm>> -> memref<1x64xi32, #tpu.memory_space<hbm>>
    %dma_start3A_82 = tpu.memref_squeeze %dma_start3A_81 : memref<1x64xi32, #tpu.memory_space<hbm>> -> memref<64xi32, #tpu.memory_space<hbm>>
    tpu.enqueue_dma source(%dma_start3A_82 : memref<64xi32, #tpu.memory_space<hbm>>) target(%dma_start3A_80 : memref<64xi32, #tpu.memory_space<vmem>>) target_semaphore(%arg22 : memref<!tpu.dma_semaphore, #tpu.memory_space<semaphore_mem>>)
    %dma_start3A_83 = arith.constant 9 : i32
    %dma_start3A_84 = arith.constant 576 : i32
    %dma_start3A_85 = tpu.memref_slice %arg6[%dma_start3A_84] : memref<1024xi32, #tpu.memory_space<vmem>> -> memref<64xi32, #tpu.memory_space<vmem>>
    %dma_start3A_86 = tpu.memref_slice %arg2[%dma_start3A_83, %mul3A_2] : memref<16x2048xi32, #tpu.memory_space<hbm>> -> memref<1x64xi32, #tpu.memory_space<hbm>>
    %dma_start3A_87 = tpu.memref_squeeze %dma_start3A_86 : memref<1x64xi32, #tpu.memory_space<hbm>> -> memref<64xi32, #tpu.memory_space<hbm>>
    %dma_start3A_88 = arith.constant 576 : i32
    %dma_start3A_89 = tpu.memref_slice %arg6[%dma_start3A_88] : memref<1024xi32, #tpu.memory_space<vmem>> -> memref<64xi32, #tpu.memory_space<vmem>>
    %dma_start3A_90 = tpu.memref_slice %arg2[%dma_start3A_83, %mul3A_2] : memref<16x2048xi32, #tpu.memory_space<hbm>> -> memref<1x64xi32, #tpu.memory_space<hbm>>
    %dma_start3A_91 = tpu.memref_squeeze %dma_start3A_90 : memref<1x64xi32, #tpu.memory_space<hbm>> -> memref<64xi32, #tpu.memory_space<hbm>>
    tpu.enqueue_dma source(%dma_start3A_91 : memref<64xi32, #tpu.memory_space<hbm>>) target(%dma_start3A_89 : memref<64xi32, #tpu.memory_space<vmem>>) target_semaphore(%arg22 : memref<!tpu.dma_semaphore, #tpu.memory_space<semaphore_mem>>)
    %dma_start3A_92 = arith.constant 10 : i32
    %dma_start3A_93 = arith.constant 640 : i32
    %dma_start3A_94 = tpu.memref_slice %arg6[%dma_start3A_93] : memref<1024xi32, #tpu.memory_space<vmem>> -> memref<64xi32, #tpu.memory_space<vmem>>
    %dma_start3A_95 = tpu.memref_slice %arg2[%dma_start3A_92, %mul3A_2] : memref<16x2048xi32, #tpu.memory_space<hbm>> -> memref<1x64xi32, #tpu.memory_space<hbm>>
    %dma_start3A_96 = tpu.memref_squeeze %dma_start3A_95 : memref<1x64xi32, #tpu.memory_space<hbm>> -> memref<64xi32, #tpu.memory_space<hbm>>
    %dma_start3A_97 = arith.constant 640 : i32
    %dma_start3A_98 = tpu.memref_slice %arg6[%dma_start3A_97] : memref<1024xi32, #tpu.memory_space<vmem>> -> memref<64xi32, #tpu.memory_space<vmem>>
    %dma_start3A_99 = tpu.memref_slice %arg2[%dma_start3A_92, %mul3A_2] : memref<16x2048xi32, #tpu.memory_space<hbm>> -> memref<1x64xi32, #tpu.memory_space<hbm>>
    %dma_start3A_100 = tpu.memref_squeeze %dma_start3A_99 : memref<1x64xi32, #tpu.memory_space<hbm>> -> memref<64xi32, #tpu.memory_space<hbm>>
    tpu.enqueue_dma source(%dma_start3A_100 : memref<64xi32, #tpu.memory_space<hbm>>) target(%dma_start3A_98 : memref<64xi32, #tpu.memory_space<vmem>>) target_semaphore(%arg22 : memref<!tpu.dma_semaphore, #tpu.memory_space<semaphore_mem>>)
    %dma_start3A_101 = arith.constant 11 : i32
    %dma_start3A_102 = arith.constant 704 : i32
    %dma_start3A_103 = tpu.memref_slice %arg6[%dma_start3A_102] : memref<1024xi32, #tpu.memory_space<vmem>> -> memref<64xi32, #tpu.memory_space<vmem>>
    %dma_start3A_104 = tpu.memref_slice %arg2[%dma_start3A_101, %mul3A_2] : memref<16x2048xi32, #tpu.memory_space<hbm>> -> memref<1x64xi32, #tpu.memory_space<hbm>>
    %dma_start3A_105 = tpu.memref_squeeze %dma_start3A_104 : memref<1x64xi32, #tpu.memory_space<hbm>> -> memref<64xi32, #tpu.memory_space<hbm>>
    %dma_start3A_106 = arith.constant 704 : i32
    %dma_start3A_107 = tpu.memref_slice %arg6[%dma_start3A_106] : memref<1024xi32, #tpu.memory_space<vmem>> -> memref<64xi32, #tpu.memory_space<vmem>>
    %dma_start3A_108 = tpu.memref_slice %arg2[%dma_start3A_101, %mul3A_2] : memref<16x2048xi32, #tpu.memory_space<hbm>> -> memref<1x64xi32, #tpu.memory_space<hbm>>
    %dma_start3A_109 = tpu.memref_squeeze %dma_start3A_108 : memref<1x64xi32, #tpu.memory_space<hbm>> -> memref<64xi32, #tpu.memory_space<hbm>>
    tpu.enqueue_dma source(%dma_start3A_109 : memref<64xi32, #tpu.memory_space<hbm>>) target(%dma_start3A_107 : memref<64xi32, #tpu.memory_space<vmem>>) target_semaphore(%arg22 : memref<!tpu.dma_semaphore, #tpu.memory_space<semaphore_mem>>)
    %dma_start3A_110 = arith.constant 12 : i32
    %dma_start3A_111 = arith.constant 768 : i32
    %dma_start3A_112 = tpu.memref_slice %arg6[%dma_start3A_111] : memref<1024xi32, #tpu.memory_space<vmem>> -> memref<64xi32, #tpu.memory_space<vmem>>
    %dma_start3A_113 = tpu.memref_slice %arg2[%dma_start3A_110, %mul3A_2] : memref<16x2048xi32, #tpu.memory_space<hbm>> -> memref<1x64xi32, #tpu.memory_space<hbm>>
    %dma_start3A_114 = tpu.memref_squeeze %dma_start3A_113 : memref<1x64xi32, #tpu.memory_space<hbm>> -> memref<64xi32, #tpu.memory_space<hbm>>
    %dma_start3A_115 = arith.constant 768 : i32
    %dma_start3A_116 = tpu.memref_slice %arg6[%dma_start3A_115] : memref<1024xi32, #tpu.memory_space<vmem>> -> memref<64xi32, #tpu.memory_space<vmem>>
    %dma_start3A_117 = tpu.memref_slice %arg2[%dma_start3A_110, %mul3A_2] : memref<16x2048xi32, #tpu.memory_space<hbm>> -> memref<1x64xi32, #tpu.memory_space<hbm>>
    %dma_start3A_118 = tpu.memref_squeeze %dma_start3A_117 : memref<1x64xi32, #tpu.memory_space<hbm>> -> memref<64xi32, #tpu.memory_space<hbm>>
    tpu.enqueue_dma source(%dma_start3A_118 : memref<64xi32, #tpu.memory_space<hbm>>) target(%dma_start3A_116 : memref<64xi32, #tpu.memory_space<vmem>>) target_semaphore(%arg22 : memref<!tpu.dma_semaphore, #tpu.memory_space<semaphore_mem>>)
    %dma_start3A_119 = arith.constant 13 : i32
    %dma_start3A_120 = arith.constant 832 : i32
    %dma_start3A_121 = tpu.memref_slice %arg6[%dma_start3A_120] : memref<1024xi32, #tpu.memory_space<vmem>> -> memref<64xi32, #tpu.memory_space<vmem>>
    %dma_start3A_122 = tpu.memref_slice %arg2[%dma_start3A_119, %mul3A_2] : memref<16x2048xi32, #tpu.memory_space<hbm>> -> memref<1x64xi32, #tpu.memory_space<hbm>>
    %dma_start3A_123 = tpu.memref_squeeze %dma_start3A_122 : memref<1x64xi32, #tpu.memory_space<hbm>> -> memref<64xi32, #tpu.memory_space<hbm>>
    %dma_start3A_124 = arith.constant 832 : i32
    %dma_start3A_125 = tpu.memref_slice %arg6[%dma_start3A_124] : memref<1024xi32, #tpu.memory_space<vmem>> -> memref<64xi32, #tpu.memory_space<vmem>>
    %dma_start3A_126 = tpu.memref_slice %arg2[%dma_start3A_119, %mul3A_2] : memref<16x2048xi32, #tpu.memory_space<hbm>> -> memref<1x64xi32, #tpu.memory_space<hbm>>
    %dma_start3A_127 = tpu.memref_squeeze %dma_start3A_126 : memref<1x64xi32, #tpu.memory_space<hbm>> -> memref<64xi32, #tpu.memory_space<hbm>>
    tpu.enqueue_dma source(%dma_start3A_127 : memref<64xi32, #tpu.memory_space<hbm>>) target(%dma_start3A_125 : memref<64xi32, #tpu.memory_space<vmem>>) target_semaphore(%arg22 : memref<!tpu.dma_semaphore, #tpu.memory_space<semaphore_mem>>)
    %dma_start3A_128 = arith.constant 14 : i32
    %dma_start3A_129 = arith.constant 896 : i32
    %dma_start3A_130 = tpu.memref_slice %arg6[%dma_start3A_129] : memref<1024xi32, #tpu.memory_space<vmem>> -> memref<64xi32, #tpu.memory_space<vmem>>
    %dma_start3A_131 = tpu.memref_slice %arg2[%dma_start3A_128, %mul3A_2] : memref<16x2048xi32, #tpu.memory_space<hbm>> -> memref<1x64xi32, #tpu.memory_space<hbm>>
    %dma_start3A_132 = tpu.memref_squeeze %dma_start3A_131 : memref<1x64xi32, #tpu.memory_space<hbm>> -> memref<64xi32, #tpu.memory_space<hbm>>
    %dma_start3A_133 = arith.constant 896 : i32
    %dma_start3A_134 = tpu.memref_slice %arg6[%dma_start3A_133] : memref<1024xi32, #tpu.memory_space<vmem>> -> memref<64xi32, #tpu.memory_space<vmem>>
    %dma_start3A_135 = tpu.memref_slice %arg2[%dma_start3A_128, %mul3A_2] : memref<16x2048xi32, #tpu.memory_space<hbm>> -> memref<1x64xi32, #tpu.memory_space<hbm>>
    %dma_start3A_136 = tpu.memref_squeeze %dma_start3A_135 : memref<1x64xi32, #tpu.memory_space<hbm>> -> memref<64xi32, #tpu.memory_space<hbm>>
    tpu.enqueue_dma source(%dma_start3A_136 : memref<64xi32, #tpu.memory_space<hbm>>) target(%dma_start3A_134 : memref<64xi32, #tpu.memory_space<vmem>>) target_semaphore(%arg22 : memref<!tpu.dma_semaphore, #tpu.memory_space<semaphore_mem>>)
    %dma_start3A_137 = arith.constant 15 : i32
    %dma_start3A_138 = arith.constant 960 : i32
    %dma_start3A_139 = tpu.memref_slice %arg6[%dma_start3A_138] : memref<1024xi32, #tpu.memory_space<vmem>> -> memref<64xi32, #tpu.memory_space<vmem>>
    %dma_start3A_140 = tpu.memref_slice %arg2[%dma_start3A_137, %mul3A_2] : memref<16x2048xi32, #tpu.memory_space<hbm>> -> memref<1x64xi32, #tpu.memory_space<hbm>>
    %dma_start3A_141 = tpu.memref_squeeze %dma_start3A_140 : memref<1x64xi32, #tpu.memory_space<hbm>> -> memref<64xi32, #tpu.memory_space<hbm>>
    %dma_start3A_142 = arith.constant 960 : i32
    %dma_start3A_143 = tpu.memref_slice %arg6[%dma_start3A_142] : memref<1024xi32, #tpu.memory_space<vmem>> -> memref<64xi32, #tpu.memory_space<vmem>>
    %dma_start3A_144 = tpu.memref_slice %arg2[%dma_start3A_137, %mul3A_2] : memref<16x2048xi32, #tpu.memory_space<hbm>> -> memref<1x64xi32, #tpu.memory_space<hbm>>
    %dma_start3A_145 = tpu.memref_squeeze %dma_start3A_144 : memref<1x64xi32, #tpu.memory_space<hbm>> -> memref<64xi32, #tpu.memory_space<hbm>>
    tpu.enqueue_dma source(%dma_start3A_145 : memref<64xi32, #tpu.memory_space<hbm>>) target(%dma_start3A_143 : memref<64xi32, #tpu.memory_space<vmem>>) target_semaphore(%arg22 : memref<!tpu.dma_semaphore, #tpu.memory_space<semaphore_mem>>)
    "tpu.region"() ({
      %run_scoped3A = tpu.sem_alloc : memref<!tpu.dma_semaphore, #tpu.memory_space<semaphore_mem>>
      %dma_start3A_832 = arith.constant 0 : i32
      %dma_start3A_833 = tpu.memref_slice %arg4[%mul3A_2, %dma_start3A_832] : memref<2048x128xf32, #tpu.memory_space<hbm>> -> memref<64x128xf32, #tpu.memory_space<hbm>>
      %dma_start3A_834 = arith.constant 0 : i32
      %dma_start3A_835 = tpu.memref_slice %arg4[%mul3A_2, %dma_start3A_834] : memref<2048x128xf32, #tpu.memory_space<hbm>> -> memref<64x128xf32, #tpu.memory_space<hbm>>
      tpu.enqueue_dma source(%dma_start3A_835 : memref<64x128xf32, #tpu.memory_space<hbm>>) target(%arg7 : memref<64x128xf32, #tpu.memory_space<vmem>>) target_semaphore(%run_scoped3A : memref<!tpu.dma_semaphore, #tpu.memory_space<semaphore_mem>>)
      %dma_wait3A_836 = arith.constant 0 : i32
      %dma_wait3A_837 = tpu.memref_slice %arg4[%mul3A_2, %dma_wait3A_836] : memref<2048x128xf32, #tpu.memory_space<hbm>> -> memref<64x128xf32, #tpu.memory_space<hbm>>
      %dma_wait3A_838 = arith.constant 0 : i32
      %dma_wait3A_839 = tpu.memref_slice %arg4[%mul3A_2, %dma_wait3A_838] : memref<2048x128xf32, #tpu.memory_space<hbm>> -> memref<64x128xf32, #tpu.memory_space<hbm>>
      tpu.wait_dma2 semaphore(%run_scoped3A : memref<!tpu.dma_semaphore, #tpu.memory_space<semaphore_mem>>) src(%dma_wait3A_839 : memref<64x128xf32, #tpu.memory_space<hbm>>) dst(%arg7 : memref<64x128xf32, #tpu.memory_space<vmem>>)
      tpu.yield
    }) : () -> ()
    %dma_wait3A = arith.constant 0 : i32
    %dma_wait3A_146 = arith.constant 0 : i32
    %dma_wait3A_147 = tpu.memref_slice %arg6[%dma_wait3A_146] : memref<1024xi32, #tpu.memory_space<vmem>> -> memref<64xi32, #tpu.memory_space<vmem>>
    %dma_wait3A_148 = tpu.memref_slice %arg2[%dma_wait3A, %mul3A_2] : memref<16x2048xi32, #tpu.memory_space<hbm>> -> memref<1x64xi32, #tpu.memory_space<hbm>>
    %dma_wait3A_149 = tpu.memref_squeeze %dma_wait3A_148 : memref<1x64xi32, #tpu.memory_space<hbm>> -> memref<64xi32, #tpu.memory_space<hbm>>
    %dma_wait3A_150 = arith.constant 0 : i32
    %dma_wait3A_151 = tpu.memref_slice %arg6[%dma_wait3A_150] : memref<1024xi32, #tpu.memory_space<vmem>> -> memref<64xi32, #tpu.memory_space<vmem>>
    %dma_wait3A_152 = tpu.memref_slice %arg2[%dma_wait3A, %mul3A_2] : memref<16x2048xi32, #tpu.memory_space<hbm>> -> memref<1x64xi32, #tpu.memory_space<hbm>>
    %dma_wait3A_153 = tpu.memref_squeeze %dma_wait3A_152 : memref<1x64xi32, #tpu.memory_space<hbm>> -> memref<64xi32, #tpu.memory_space<hbm>>
    tpu.wait_dma2 semaphore(%arg22 : memref<!tpu.dma_semaphore, #tpu.memory_space<semaphore_mem>>) src(%dma_wait3A_153 : memref<64xi32, #tpu.memory_space<hbm>>) dst(%dma_wait3A_151 : memref<64xi32, #tpu.memory_space<vmem>>)
    %dma_wait3A_154 = arith.constant 1 : i32
    %dma_wait3A_155 = arith.constant 64 : i32
    %dma_wait3A_156 = tpu.memref_slice %arg6[%dma_wait3A_155] : memref<1024xi32, #tpu.memory_space<vmem>> -> memref<64xi32, #tpu.memory_space<vmem>>
    %dma_wait3A_157 = tpu.memref_slice %arg2[%dma_wait3A_154, %mul3A_2] : memref<16x2048xi32, #tpu.memory_space<hbm>> -> memref<1x64xi32, #tpu.memory_space<hbm>>
    %dma_wait3A_158 = tpu.memref_squeeze %dma_wait3A_157 : memref<1x64xi32, #tpu.memory_space<hbm>> -> memref<64xi32, #tpu.memory_space<hbm>>
    %dma_wait3A_159 = arith.constant 64 : i32
    %dma_wait3A_160 = tpu.memref_slice %arg6[%dma_wait3A_159] : memref<1024xi32, #tpu.memory_space<vmem>> -> memref<64xi32, #tpu.memory_space<vmem>>
    %dma_wait3A_161 = tpu.memref_slice %arg2[%dma_wait3A_154, %mul3A_2] : memref<16x2048xi32, #tpu.memory_space<hbm>> -> memref<1x64xi32, #tpu.memory_space<hbm>>
    %dma_wait3A_162 = tpu.memref_squeeze %dma_wait3A_161 : memref<1x64xi32, #tpu.memory_space<hbm>> -> memref<64xi32, #tpu.memory_space<hbm>>
    tpu.wait_dma2 semaphore(%arg22 : memref<!tpu.dma_semaphore, #tpu.memory_space<semaphore_mem>>) src(%dma_wait3A_162 : memref<64xi32, #tpu.memory_space<hbm>>) dst(%dma_wait3A_160 : memref<64xi32, #tpu.memory_space<vmem>>)
    %dma_wait3A_163 = arith.constant 2 : i32
    %dma_wait3A_164 = arith.constant 128 : i32
    %dma_wait3A_165 = tpu.memref_slice %arg6[%dma_wait3A_164] : memref<1024xi32, #tpu.memory_space<vmem>> -> memref<64xi32, #tpu.memory_space<vmem>>
    %dma_wait3A_166 = tpu.memref_slice %arg2[%dma_wait3A_163, %mul3A_2] : memref<16x2048xi32, #tpu.memory_space<hbm>> -> memref<1x64xi32, #tpu.memory_space<hbm>>
    %dma_wait3A_167 = tpu.memref_squeeze %dma_wait3A_166 : memref<1x64xi32, #tpu.memory_space<hbm>> -> memref<64xi32, #tpu.memory_space<hbm>>
    %dma_wait3A_168 = arith.constant 128 : i32
    %dma_wait3A_169 = tpu.memref_slice %arg6[%dma_wait3A_168] : memref<1024xi32, #tpu.memory_space<vmem>> -> memref<64xi32, #tpu.memory_space<vmem>>
    %dma_wait3A_170 = tpu.memref_slice %arg2[%dma_wait3A_163, %mul3A_2] : memref<16x2048xi32, #tpu.memory_space<hbm>> -> memref<1x64xi32, #tpu.memory_space<hbm>>
    %dma_wait3A_171 = tpu.memref_squeeze %dma_wait3A_170 : memref<1x64xi32, #tpu.memory_space<hbm>> -> memref<64xi32, #tpu.memory_space<hbm>>
    tpu.wait_dma2 semaphore(%arg22 : memref<!tpu.dma_semaphore, #tpu.memory_space<semaphore_mem>>) src(%dma_wait3A_171 : memref<64xi32, #tpu.memory_space<hbm>>) dst(%dma_wait3A_169 : memref<64xi32, #tpu.memory_space<vmem>>)
    %dma_wait3A_172 = arith.constant 3 : i32
    %dma_wait3A_173 = arith.constant 192 : i32
    %dma_wait3A_174 = tpu.memref_slice %arg6[%dma_wait3A_173] : memref<1024xi32, #tpu.memory_space<vmem>> -> memref<64xi32, #tpu.memory_space<vmem>>
    %dma_wait3A_175 = tpu.memref_slice %arg2[%dma_wait3A_172, %mul3A_2] : memref<16x2048xi32, #tpu.memory_space<hbm>> -> memref<1x64xi32, #tpu.memory_space<hbm>>
    %dma_wait3A_176 = tpu.memref_squeeze %dma_wait3A_175 : memref<1x64xi32, #tpu.memory_space<hbm>> -> memref<64xi32, #tpu.memory_space<hbm>>
    %dma_wait3A_177 = arith.constant 192 : i32
    %dma_wait3A_178 = tpu.memref_slice %arg6[%dma_wait3A_177] : memref<1024xi32, #tpu.memory_space<vmem>> -> memref<64xi32, #tpu.memory_space<vmem>>
    %dma_wait3A_179 = tpu.memref_slice %arg2[%dma_wait3A_172, %mul3A_2] : memref<16x2048xi32, #tpu.memory_space<hbm>> -> memref<1x64xi32, #tpu.memory_space<hbm>>
    %dma_wait3A_180 = tpu.memref_squeeze %dma_wait3A_179 : memref<1x64xi32, #tpu.memory_space<hbm>> -> memref<64xi32, #tpu.memory_space<hbm>>
    tpu.wait_dma2 semaphore(%arg22 : memref<!tpu.dma_semaphore, #tpu.memory_space<semaphore_mem>>) src(%dma_wait3A_180 : memref<64xi32, #tpu.memory_space<hbm>>) dst(%dma_wait3A_178 : memref<64xi32, #tpu.memory_space<vmem>>)
    %dma_wait3A_181 = arith.constant 4 : i32
    %dma_wait3A_182 = arith.constant 256 : i32
    %dma_wait3A_183 = tpu.memref_slice %arg6[%dma_wait3A_182] : memref<1024xi32, #tpu.memory_space<vmem>> -> memref<64xi32, #tpu.memory_space<vmem>>
    %dma_wait3A_184 = tpu.memref_slice %arg2[%dma_wait3A_181, %mul3A_2] : memref<16x2048xi32, #tpu.memory_space<hbm>> -> memref<1x64xi32, #tpu.memory_space<hbm>>
    %dma_wait3A_185 = tpu.memref_squeeze %dma_wait3A_184 : memref<1x64xi32, #tpu.memory_space<hbm>> -> memref<64xi32, #tpu.memory_space<hbm>>
    %dma_wait3A_186 = arith.constant 256 : i32
    %dma_wait3A_187 = tpu.memref_slice %arg6[%dma_wait3A_186] : memref<1024xi32, #tpu.memory_space<vmem>> -> memref<64xi32, #tpu.memory_space<vmem>>
    %dma_wait3A_188 = tpu.memref_slice %arg2[%dma_wait3A_181, %mul3A_2] : memref<16x2048xi32, #tpu.memory_space<hbm>> -> memref<1x64xi32, #tpu.memory_space<hbm>>
    %dma_wait3A_189 = tpu.memref_squeeze %dma_wait3A_188 : memref<1x64xi32, #tpu.memory_space<hbm>> -> memref<64xi32, #tpu.memory_space<hbm>>
    tpu.wait_dma2 semaphore(%arg22 : memref<!tpu.dma_semaphore, #tpu.memory_space<semaphore_mem>>) src(%dma_wait3A_189 : memref<64xi32, #tpu.memory_space<hbm>>) dst(%dma_wait3A_187 : memref<64xi32, #tpu.memory_space<vmem>>)
    %dma_wait3A_190 = arith.constant 5 : i32
    %dma_wait3A_191 = arith.constant 320 : i32
    %dma_wait3A_192 = tpu.memref_slice %arg6[%dma_wait3A_191] : memref<1024xi32, #tpu.memory_space<vmem>> -> memref<64xi32, #tpu.memory_space<vmem>>
    %dma_wait3A_193 = tpu.memref_slice %arg2[%dma_wait3A_190, %mul3A_2] : memref<16x2048xi32, #tpu.memory_space<hbm>> -> memref<1x64xi32, #tpu.memory_space<hbm>>
    %dma_wait3A_194 = tpu.memref_squeeze %dma_wait3A_193 : memref<1x64xi32, #tpu.memory_space<hbm>> -> memref<64xi32, #tpu.memory_space<hbm>>
    %dma_wait3A_195 = arith.constant 320 : i32
    %dma_wait3A_196 = tpu.memref_slice %arg6[%dma_wait3A_195] : memref<1024xi32, #tpu.memory_space<vmem>> -> memref<64xi32, #tpu.memory_space<vmem>>
    %dma_wait3A_197 = tpu.memref_slice %arg2[%dma_wait3A_190, %mul3A_2] : memref<16x2048xi32, #tpu.memory_space<hbm>> -> memref<1x64xi32, #tpu.memory_space<hbm>>
    %dma_wait3A_198 = tpu.memref_squeeze %dma_wait3A_197 : memref<1x64xi32, #tpu.memory_space<hbm>> -> memref<64xi32, #tpu.memory_space<hbm>>
    tpu.wait_dma2 semaphore(%arg22 : memref<!tpu.dma_semaphore, #tpu.memory_space<semaphore_mem>>) src(%dma_wait3A_198 : memref<64xi32, #tpu.memory_space<hbm>>) dst(%dma_wait3A_196 : memref<64xi32, #tpu.memory_space<vmem>>)
    %dma_wait3A_199 = arith.constant 6 : i32
    %dma_wait3A_200 = arith.constant 384 : i32
    %dma_wait3A_201 = tpu.memref_slice %arg6[%dma_wait3A_200] : memref<1024xi32, #tpu.memory_space<vmem>> -> memref<64xi32, #tpu.memory_space<vmem>>
    %dma_wait3A_202 = tpu.memref_slice %arg2[%dma_wait3A_199, %mul3A_2] : memref<16x2048xi32, #tpu.memory_space<hbm>> -> memref<1x64xi32, #tpu.memory_space<hbm>>
    %dma_wait3A_203 = tpu.memref_squeeze %dma_wait3A_202 : memref<1x64xi32, #tpu.memory_space<hbm>> -> memref<64xi32, #tpu.memory_space<hbm>>
    %dma_wait3A_204 = arith.constant 384 : i32
    %dma_wait3A_205 = tpu.memref_slice %arg6[%dma_wait3A_204] : memref<1024xi32, #tpu.memory_space<vmem>> -> memref<64xi32, #tpu.memory_space<vmem>>
    %dma_wait3A_206 = tpu.memref_slice %arg2[%dma_wait3A_199, %mul3A_2] : memref<16x2048xi32, #tpu.memory_space<hbm>> -> memref<1x64xi32, #tpu.memory_space<hbm>>
    %dma_wait3A_207 = tpu.memref_squeeze %dma_wait3A_206 : memref<1x64xi32, #tpu.memory_space<hbm>> -> memref<64xi32, #tpu.memory_space<hbm>>
    tpu.wait_dma2 semaphore(%arg22 : memref<!tpu.dma_semaphore, #tpu.memory_space<semaphore_mem>>) src(%dma_wait3A_207 : memref<64xi32, #tpu.memory_space<hbm>>) dst(%dma_wait3A_205 : memref<64xi32, #tpu.memory_space<vmem>>)
    %dma_wait3A_208 = arith.constant 7 : i32
    %dma_wait3A_209 = arith.constant 448 : i32
    %dma_wait3A_210 = tpu.memref_slice %arg6[%dma_wait3A_209] : memref<1024xi32, #tpu.memory_space<vmem>> -> memref<64xi32, #tpu.memory_space<vmem>>
    %dma_wait3A_211 = tpu.memref_slice %arg2[%dma_wait3A_208, %mul3A_2] : memref<16x2048xi32, #tpu.memory_space<hbm>> -> memref<1x64xi32, #tpu.memory_space<hbm>>
    %dma_wait3A_212 = tpu.memref_squeeze %dma_wait3A_211 : memref<1x64xi32, #tpu.memory_space<hbm>> -> memref<64xi32, #tpu.memory_space<hbm>>
    %dma_wait3A_213 = arith.constant 448 : i32
    %dma_wait3A_214 = tpu.memref_slice %arg6[%dma_wait3A_213] : memref<1024xi32, #tpu.memory_space<vmem>> -> memref<64xi32, #tpu.memory_space<vmem>>
    %dma_wait3A_215 = tpu.memref_slice %arg2[%dma_wait3A_208, %mul3A_2] : memref<16x2048xi32, #tpu.memory_space<hbm>> -> memref<1x64xi32, #tpu.memory_space<hbm>>
    %dma_wait3A_216 = tpu.memref_squeeze %dma_wait3A_215 : memref<1x64xi32, #tpu.memory_space<hbm>> -> memref<64xi32, #tpu.memory_space<hbm>>
    tpu.wait_dma2 semaphore(%arg22 : memref<!tpu.dma_semaphore, #tpu.memory_space<semaphore_mem>>) src(%dma_wait3A_216 : memref<64xi32, #tpu.memory_space<hbm>>) dst(%dma_wait3A_214 : memref<64xi32, #tpu.memory_space<vmem>>)
    %dma_wait3A_217 = arith.constant 8 : i32
    %dma_wait3A_218 = arith.constant 512 : i32
    %dma_wait3A_219 = tpu.memref_slice %arg6[%dma_wait3A_218] : memref<1024xi32, #tpu.memory_space<vmem>> -> memref<64xi32, #tpu.memory_space<vmem>>
    %dma_wait3A_220 = tpu.memref_slice %arg2[%dma_wait3A_217, %mul3A_2] : memref<16x2048xi32, #tpu.memory_space<hbm>> -> memref<1x64xi32, #tpu.memory_space<hbm>>
    %dma_wait3A_221 = tpu.memref_squeeze %dma_wait3A_220 : memref<1x64xi32, #tpu.memory_space<hbm>> -> memref<64xi32, #tpu.memory_space<hbm>>
    %dma_wait3A_222 = arith.constant 512 : i32
    %dma_wait3A_223 = tpu.memref_slice %arg6[%dma_wait3A_222] : memref<1024xi32, #tpu.memory_space<vmem>> -> memref<64xi32, #tpu.memory_space<vmem>>
    %dma_wait3A_224 = tpu.memref_slice %arg2[%dma_wait3A_217, %mul3A_2] : memref<16x2048xi32, #tpu.memory_space<hbm>> -> memref<1x64xi32, #tpu.memory_space<hbm>>
    %dma_wait3A_225 = tpu.memref_squeeze %dma_wait3A_224 : memref<1x64xi32, #tpu.memory_space<hbm>> -> memref<64xi32, #tpu.memory_space<hbm>>
    tpu.wait_dma2 semaphore(%arg22 : memref<!tpu.dma_semaphore, #tpu.memory_space<semaphore_mem>>) src(%dma_wait3A_225 : memref<64xi32, #tpu.memory_space<hbm>>) dst(%dma_wait3A_223 : memref<64xi32, #tpu.memory_space<vmem>>)
    %dma_wait3A_226 = arith.constant 9 : i32
    %dma_wait3A_227 = arith.constant 576 : i32
    %dma_wait3A_228 = tpu.memref_slice %arg6[%dma_wait3A_227] : memref<1024xi32, #tpu.memory_space<vmem>> -> memref<64xi32, #tpu.memory_space<vmem>>
    %dma_wait3A_229 = tpu.memref_slice %arg2[%dma_wait3A_226, %mul3A_2] : memref<16x2048xi32, #tpu.memory_space<hbm>> -> memref<1x64xi32, #tpu.memory_space<hbm>>
    %dma_wait3A_230 = tpu.memref_squeeze %dma_wait3A_229 : memref<1x64xi32, #tpu.memory_space<hbm>> -> memref<64xi32, #tpu.memory_space<hbm>>
    %dma_wait3A_231 = arith.constant 576 : i32
    %dma_wait3A_232 = tpu.memref_slice %arg6[%dma_wait3A_231] : memref<1024xi32, #tpu.memory_space<vmem>> -> memref<64xi32, #tpu.memory_space<vmem>>
    %dma_wait3A_233 = tpu.memref_slice %arg2[%dma_wait3A_226, %mul3A_2] : memref<16x2048xi32, #tpu.memory_space<hbm>> -> memref<1x64xi32, #tpu.memory_space<hbm>>
    %dma_wait3A_234 = tpu.memref_squeeze %dma_wait3A_233 : memref<1x64xi32, #tpu.memory_space<hbm>> -> memref<64xi32, #tpu.memory_space<hbm>>
    tpu.wait_dma2 semaphore(%arg22 : memref<!tpu.dma_semaphore, #tpu.memory_space<semaphore_mem>>) src(%dma_wait3A_234 : memref<64xi32, #tpu.memory_space<hbm>>) dst(%dma_wait3A_232 : memref<64xi32, #tpu.memory_space<vmem>>)
    %dma_wait3A_235 = arith.constant 10 : i32
    %dma_wait3A_236 = arith.constant 640 : i32
    %dma_wait3A_237 = tpu.memref_slice %arg6[%dma_wait3A_236] : memref<1024xi32, #tpu.memory_space<vmem>> -> memref<64xi32, #tpu.memory_space<vmem>>
    %dma_wait3A_238 = tpu.memref_slice %arg2[%dma_wait3A_235, %mul3A_2] : memref<16x2048xi32, #tpu.memory_space<hbm>> -> memref<1x64xi32, #tpu.memory_space<hbm>>
    %dma_wait3A_239 = tpu.memref_squeeze %dma_wait3A_238 : memref<1x64xi32, #tpu.memory_space<hbm>> -> memref<64xi32, #tpu.memory_space<hbm>>
    %dma_wait3A_240 = arith.constant 640 : i32
    %dma_wait3A_241 = tpu.memref_slice %arg6[%dma_wait3A_240] : memref<1024xi32, #tpu.memory_space<vmem>> -> memref<64xi32, #tpu.memory_space<vmem>>
    %dma_wait3A_242 = tpu.memref_slice %arg2[%dma_wait3A_235, %mul3A_2] : memref<16x2048xi32, #tpu.memory_space<hbm>> -> memref<1x64xi32, #tpu.memory_space<hbm>>
    %dma_wait3A_243 = tpu.memref_squeeze %dma_wait3A_242 : memref<1x64xi32, #tpu.memory_space<hbm>> -> memref<64xi32, #tpu.memory_space<hbm>>
    tpu.wait_dma2 semaphore(%arg22 : memref<!tpu.dma_semaphore, #tpu.memory_space<semaphore_mem>>) src(%dma_wait3A_243 : memref<64xi32, #tpu.memory_space<hbm>>) dst(%dma_wait3A_241 : memref<64xi32, #tpu.memory_space<vmem>>)
    %dma_wait3A_244 = arith.constant 11 : i32
    %dma_wait3A_245 = arith.constant 704 : i32
    %dma_wait3A_246 = tpu.memref_slice %arg6[%dma_wait3A_245] : memref<1024xi32, #tpu.memory_space<vmem>> -> memref<64xi32, #tpu.memory_space<vmem>>
    %dma_wait3A_247 = tpu.memref_slice %arg2[%dma_wait3A_244, %mul3A_2] : memref<16x2048xi32, #tpu.memory_space<hbm>> -> memref<1x64xi32, #tpu.memory_space<hbm>>
    %dma_wait3A_248 = tpu.memref_squeeze %dma_wait3A_247 : memref<1x64xi32, #tpu.memory_space<hbm>> -> memref<64xi32, #tpu.memory_space<hbm>>
    %dma_wait3A_249 = arith.constant 704 : i32
    %dma_wait3A_250 = tpu.memref_slice %arg6[%dma_wait3A_249] : memref<1024xi32, #tpu.memory_space<vmem>> -> memref<64xi32, #tpu.memory_space<vmem>>
    %dma_wait3A_251 = tpu.memref_slice %arg2[%dma_wait3A_244, %mul3A_2] : memref<16x2048xi32, #tpu.memory_space<hbm>> -> memref<1x64xi32, #tpu.memory_space<hbm>>
    %dma_wait3A_252 = tpu.memref_squeeze %dma_wait3A_251 : memref<1x64xi32, #tpu.memory_space<hbm>> -> memref<64xi32, #tpu.memory_space<hbm>>
    tpu.wait_dma2 semaphore(%arg22 : memref<!tpu.dma_semaphore, #tpu.memory_space<semaphore_mem>>) src(%dma_wait3A_252 : memref<64xi32, #tpu.memory_space<hbm>>) dst(%dma_wait3A_250 : memref<64xi32, #tpu.memory_space<vmem>>)
    %dma_wait3A_253 = arith.constant 12 : i32
    %dma_wait3A_254 = arith.constant 768 : i32
    %dma_wait3A_255 = tpu.memref_slice %arg6[%dma_wait3A_254] : memref<1024xi32, #tpu.memory_space<vmem>> -> memref<64xi32, #tpu.memory_space<vmem>>
    %dma_wait3A_256 = tpu.memref_slice %arg2[%dma_wait3A_253, %mul3A_2] : memref<16x2048xi32, #tpu.memory_space<hbm>> -> memref<1x64xi32, #tpu.memory_space<hbm>>
    %dma_wait3A_257 = tpu.memref_squeeze %dma_wait3A_256 : memref<1x64xi32, #tpu.memory_space<hbm>> -> memref<64xi32, #tpu.memory_space<hbm>>
    %dma_wait3A_258 = arith.constant 768 : i32
    %dma_wait3A_259 = tpu.memref_slice %arg6[%dma_wait3A_258] : memref<1024xi32, #tpu.memory_space<vmem>> -> memref<64xi32, #tpu.memory_space<vmem>>
    %dma_wait3A_260 = tpu.memref_slice %arg2[%dma_wait3A_253, %mul3A_2] : memref<16x2048xi32, #tpu.memory_space<hbm>> -> memref<1x64xi32, #tpu.memory_space<hbm>>
    %dma_wait3A_261 = tpu.memref_squeeze %dma_wait3A_260 : memref<1x64xi32, #tpu.memory_space<hbm>> -> memref<64xi32, #tpu.memory_space<hbm>>
    tpu.wait_dma2 semaphore(%arg22 : memref<!tpu.dma_semaphore, #tpu.memory_space<semaphore_mem>>) src(%dma_wait3A_261 : memref<64xi32, #tpu.memory_space<hbm>>) dst(%dma_wait3A_259 : memref<64xi32, #tpu.memory_space<vmem>>)
    %dma_wait3A_262 = arith.constant 13 : i32
    %dma_wait3A_263 = arith.constant 832 : i32
    %dma_wait3A_264 = tpu.memref_slice %arg6[%dma_wait3A_263] : memref<1024xi32, #tpu.memory_space<vmem>> -> memref<64xi32, #tpu.memory_space<vmem>>
    %dma_wait3A_265 = tpu.memref_slice %arg2[%dma_wait3A_262, %mul3A_2] : memref<16x2048xi32, #tpu.memory_space<hbm>> -> memref<1x64xi32, #tpu.memory_space<hbm>>
    %dma_wait3A_266 = tpu.memref_squeeze %dma_wait3A_265 : memref<1x64xi32, #tpu.memory_space<hbm>> -> memref<64xi32, #tpu.memory_space<hbm>>
    %dma_wait3A_267 = arith.constant 832 : i32
    %dma_wait3A_268 = tpu.memref_slice %arg6[%dma_wait3A_267] : memref<1024xi32, #tpu.memory_space<vmem>> -> memref<64xi32, #tpu.memory_space<vmem>>
    %dma_wait3A_269 = tpu.memref_slice %arg2[%dma_wait3A_262, %mul3A_2] : memref<16x2048xi32, #tpu.memory_space<hbm>> -> memref<1x64xi32, #tpu.memory_space<hbm>>
    %dma_wait3A_270 = tpu.memref_squeeze %dma_wait3A_269 : memref<1x64xi32, #tpu.memory_space<hbm>> -> memref<64xi32, #tpu.memory_space<hbm>>
    tpu.wait_dma2 semaphore(%arg22 : memref<!tpu.dma_semaphore, #tpu.memory_space<semaphore_mem>>) src(%dma_wait3A_270 : memref<64xi32, #tpu.memory_space<hbm>>) dst(%dma_wait3A_268 : memref<64xi32, #tpu.memory_space<vmem>>)
    %dma_wait3A_271 = arith.constant 14 : i32
    %dma_wait3A_272 = arith.constant 896 : i32
    %dma_wait3A_273 = tpu.memref_slice %arg6[%dma_wait3A_272] : memref<1024xi32, #tpu.memory_space<vmem>> -> memref<64xi32, #tpu.memory_space<vmem>>
    %dma_wait3A_274 = tpu.memref_slice %arg2[%dma_wait3A_271, %mul3A_2] : memref<16x2048xi32, #tpu.memory_space<hbm>> -> memref<1x64xi32, #tpu.memory_space<hbm>>
    %dma_wait3A_275 = tpu.memref_squeeze %dma_wait3A_274 : memref<1x64xi32, #tpu.memory_space<hbm>> -> memref<64xi32, #tpu.memory_space<hbm>>
    %dma_wait3A_276 = arith.constant 896 : i32
    %dma_wait3A_277 = tpu.memref_slice %arg6[%dma_wait3A_276] : memref<1024xi32, #tpu.memory_space<vmem>> -> memref<64xi32, #tpu.memory_space<vmem>>
    %dma_wait3A_278 = tpu.memref_slice %arg2[%dma_wait3A_271, %mul3A_2] : memref<16x2048xi32, #tpu.memory_space<hbm>> -> memref<1x64xi32, #tpu.memory_space<hbm>>
    %dma_wait3A_279 = tpu.memref_squeeze %dma_wait3A_278 : memref<1x64xi32, #tpu.memory_space<hbm>> -> memref<64xi32, #tpu.memory_space<hbm>>
    tpu.wait_dma2 semaphore(%arg22 : memref<!tpu.dma_semaphore, #tpu.memory_space<semaphore_mem>>) src(%dma_wait3A_279 : memref<64xi32, #tpu.memory_space<hbm>>) dst(%dma_wait3A_277 : memref<64xi32, #tpu.memory_space<vmem>>)
    %dma_wait3A_280 = arith.constant 15 : i32
    %dma_wait3A_281 = arith.constant 960 : i32
    %dma_wait3A_282 = tpu.memref_slice %arg6[%dma_wait3A_281] : memref<1024xi32, #tpu.memory_space<vmem>> -> memref<64xi32, #tpu.memory_space<vmem>>
    %dma_wait3A_283 = tpu.memref_slice %arg2[%dma_wait3A_280, %mul3A_2] : memref<16x2048xi32, #tpu.memory_space<hbm>> -> memref<1x64xi32, #tpu.memory_space<hbm>>
    %dma_wait3A_284 = tpu.memref_squeeze %dma_wait3A_283 : memref<1x64xi32, #tpu.memory_space<hbm>> -> memref<64xi32, #tpu.memory_space<hbm>>
    %dma_wait3A_285 = arith.constant 960 : i32
    %dma_wait3A_286 = tpu.memref_slice %arg6[%dma_wait3A_285] : memref<1024xi32, #tpu.memory_space<vmem>> -> memref<64xi32, #tpu.memory_space<vmem>>
    %dma_wait3A_287 = tpu.memref_slice %arg2[%dma_wait3A_280, %mul3A_2] : memref<16x2048xi32, #tpu.memory_space<hbm>> -> memref<1x64xi32, #tpu.memory_space<hbm>>
    %dma_wait3A_288 = tpu.memref_squeeze %dma_wait3A_287 : memref<1x64xi32, #tpu.memory_space<hbm>> -> memref<64xi32, #tpu.memory_space<hbm>>
    tpu.wait_dma2 semaphore(%arg22 : memref<!tpu.dma_semaphore, #tpu.memory_space<semaphore_mem>>) src(%dma_wait3A_288 : memref<64xi32, #tpu.memory_space<hbm>>) dst(%dma_wait3A_286 : memref<64xi32, #tpu.memory_space<vmem>>)
    %dma_start3A_289 = arith.constant 0 : i32
    %dma_start3A_290 = tpu.memref_slice %arg6[%dma_start3A_289] : memref<1024xi32, #tpu.memory_space<vmem>> -> memref<128xi32, #tpu.memory_space<vmem>>
    %dma_start3A_291 = arith.constant 0 : i32
    %dma_start3A_292 = arith.constant 0 : i32
    %dma_start3A_293 = tpu.memref_slice %arg3[%dma_start3A_291, %dma_start3A_292] : memref<100000x128xf32, #tpu.memory_space<hbm>> -> memref<100000x128xf32, #tpu.memory_space<hbm>>
    tpu.enqueue_indirect_dma source(%dma_start3A_293 : memref<100000x128xf32, #tpu.memory_space<hbm>>) target(%arg8 : memref<128x128xf32, #tpu.memory_space<vmem>>) offsets(%dma_start3A_290 : memref<128xi32, #tpu.memory_space<vmem>>) semaphore(%arg15 : memref<!tpu.dma_semaphore, #tpu.memory_space<semaphore_mem>>)
    %dma_start3A_294 = arith.constant 128 : i32
    %dma_start3A_295 = tpu.memref_slice %arg6[%dma_start3A_294] : memref<1024xi32, #tpu.memory_space<vmem>> -> memref<128xi32, #tpu.memory_space<vmem>>
    %dma_start3A_296 = arith.constant 0 : i32
    %dma_start3A_297 = arith.constant 0 : i32
    %dma_start3A_298 = tpu.memref_slice %arg3[%dma_start3A_296, %dma_start3A_297] : memref<100000x128xf32, #tpu.memory_space<hbm>> -> memref<100000x128xf32, #tpu.memory_space<hbm>>
    tpu.enqueue_indirect_dma source(%dma_start3A_298 : memref<100000x128xf32, #tpu.memory_space<hbm>>) target(%arg9 : memref<128x128xf32, #tpu.memory_space<vmem>>) offsets(%dma_start3A_295 : memref<128xi32, #tpu.memory_space<vmem>>) semaphore(%arg16 : memref<!tpu.dma_semaphore, #tpu.memory_space<semaphore_mem>>)
    %dma_start3A_299 = arith.constant 256 : i32
    %dma_start3A_300 = tpu.memref_slice %arg6[%dma_start3A_299] : memref<1024xi32, #tpu.memory_space<vmem>> -> memref<128xi32, #tpu.memory_space<vmem>>
    %dma_start3A_301 = arith.constant 0 : i32
    %dma_start3A_302 = arith.constant 0 : i32
    %dma_start3A_303 = tpu.memref_slice %arg3[%dma_start3A_301, %dma_start3A_302] : memref<100000x128xf32, #tpu.memory_space<hbm>> -> memref<100000x128xf32, #tpu.memory_space<hbm>>
    tpu.enqueue_indirect_dma source(%dma_start3A_303 : memref<100000x128xf32, #tpu.memory_space<hbm>>) target(%arg10 : memref<128x128xf32, #tpu.memory_space<vmem>>) offsets(%dma_start3A_300 : memref<128xi32, #tpu.memory_space<vmem>>) semaphore(%arg17 : memref<!tpu.dma_semaphore, #tpu.memory_space<semaphore_mem>>)
    %dma_start3A_304 = arith.constant 384 : i32
    %dma_start3A_305 = tpu.memref_slice %arg6[%dma_start3A_304] : memref<1024xi32, #tpu.memory_space<vmem>> -> memref<128xi32, #tpu.memory_space<vmem>>
    %dma_start3A_306 = arith.constant 0 : i32
    %dma_start3A_307 = arith.constant 0 : i32
    %dma_start3A_308 = tpu.memref_slice %arg3[%dma_start3A_306, %dma_start3A_307] : memref<100000x128xf32, #tpu.memory_space<hbm>> -> memref<100000x128xf32, #tpu.memory_space<hbm>>
    tpu.enqueue_indirect_dma source(%dma_start3A_308 : memref<100000x128xf32, #tpu.memory_space<hbm>>) target(%arg11 : memref<128x128xf32, #tpu.memory_space<vmem>>) offsets(%dma_start3A_305 : memref<128xi32, #tpu.memory_space<vmem>>) semaphore(%arg18 : memref<!tpu.dma_semaphore, #tpu.memory_space<semaphore_mem>>)
    %dma_start3A_309 = arith.constant 512 : i32
    %dma_start3A_310 = tpu.memref_slice %arg6[%dma_start3A_309] : memref<1024xi32, #tpu.memory_space<vmem>> -> memref<128xi32, #tpu.memory_space<vmem>>
    %dma_start3A_311 = arith.constant 0 : i32
    %dma_start3A_312 = arith.constant 0 : i32
    %dma_start3A_313 = tpu.memref_slice %arg3[%dma_start3A_311, %dma_start3A_312] : memref<100000x128xf32, #tpu.memory_space<hbm>> -> memref<100000x128xf32, #tpu.memory_space<hbm>>
    tpu.enqueue_indirect_dma source(%dma_start3A_313 : memref<100000x128xf32, #tpu.memory_space<hbm>>) target(%arg12 : memref<128x128xf32, #tpu.memory_space<vmem>>) offsets(%dma_start3A_310 : memref<128xi32, #tpu.memory_space<vmem>>) semaphore(%arg19 : memref<!tpu.dma_semaphore, #tpu.memory_space<semaphore_mem>>)
    %dma_wait3A_314 = arith.constant 0 : i32
    %dma_wait3A_315 = tpu.memref_slice %arg6[%dma_wait3A_314] : memref<1024xi32, #tpu.memory_space<vmem>> -> memref<128xi32, #tpu.memory_space<vmem>>
    %dma_wait3A_316 = arith.constant 0 : i32
    %dma_wait3A_317 = arith.constant 0 : i32
    %dma_wait3A_318 = tpu.memref_slice %arg3[%dma_wait3A_316, %dma_wait3A_317] : memref<100000x128xf32, #tpu.memory_space<hbm>> -> memref<100000x128xf32, #tpu.memory_space<hbm>>
    tpu.wait_indirect_dma semaphore(%arg15 : memref<!tpu.dma_semaphore, #tpu.memory_space<semaphore_mem>>) src(%dma_wait3A_318 : memref<100000x128xf32, #tpu.memory_space<hbm>>) dst(%arg8 : memref<128x128xf32, #tpu.memory_space<vmem>>)
    %scan3A = arith.constant 0 : i32
    %scan3A_319 = arith.constant 0 : i32
    %scan3A_320 = arith.constant 64 : i32
    %scan3A_321 = arith.addi %scan3A_319, %scan3A_320 : i32
    %scan3A_322 = arith.constant 1 : i32
    scf.for %scan3A_832 = %scan3A_319 to %scan3A_321 step %scan3A_322  : i32 {
      %get3A = arith.index_cast %scan3A_832 : i32 to index
      %get3A_833 = arith.constant 0 : index
      %get3A_834 = tpu.vector_load %arg7[%get3A, %get3A_833] {strides = array<i32>} : memref<64x128xf32, #tpu.memory_space<vmem>>, vector<1x16xf32>,
      %get3A_835 = vector.shape_cast %get3A_834 : vector<1x16xf32> to vector<16xf32>
      %add3A_836 = arith.constant 0 : i32
      %add3A_837 = arith.addi %add3A_836, %scan3A_832 : i32
      %swap3A = arith.index_cast %add3A_837 : i32 to index
      %swap3A_838 = arith.constant 0 : index
      %swap3A_839 = tpu.vector_load %arg8[%swap3A, %swap3A_838] {strides = array<i32>} : memref<128x128xf32, #tpu.memory_space<vmem>>, vector<1x16xf32>,
      %swap3A_840 = vector.shape_cast %swap3A_839 : vector<1x16xf32> to vector<16xf32>
      %swap3A_841 = vector.shape_cast %get3A_835 : vector<16xf32> to vector<1x16xf32>
      tpu.vector_store %arg8[%swap3A, %swap3A_838], %swap3A_841 {add = true, strides = array<i32>} : memref<128x128xf32, #tpu.memory_space<vmem>>, vector<1x16xf32>,
      %add3A_842 = arith.constant 64 : i32
      %add3A_843 = arith.addi %add3A_842, %scan3A_832 : i32
      %swap3A_844 = arith.index_cast %add3A_843 : i32 to index
      %swap3A_845 = arith.constant 0 : index
      %swap3A_846 = tpu.vector_load %arg8[%swap3A_844, %swap3A_845] {strides = array<i32>} : memref<128x128xf32, #tpu.memory_space<vmem>>, vector<1x16xf32>,
      %swap3A_847 = vector.shape_cast %swap3A_846 : vector<1x16xf32> to vector<16xf32>
      %swap3A_848 = vector.shape_cast %get3A_835 : vector<16xf32> to vector<1x16xf32>
      tpu.vector_store %arg8[%swap3A_844, %swap3A_845], %swap3A_848 {add = true, strides = array<i32>} : memref<128x128xf32, #tpu.memory_space<vmem>>, vector<1x16xf32>,
      %get3A_849 = arith.index_cast %scan3A_832 : i32 to index
      %get3A_850 = arith.constant 16 : index
      %get3A_851 = tpu.vector_load %arg7[%get3A_849, %get3A_850] {strides = array<i32>} : memref<64x128xf32, #tpu.memory_space<vmem>>, vector<1x16xf32>,
      %get3A_852 = vector.shape_cast %get3A_851 : vector<1x16xf32> to vector<16xf32>
      %add3A_853 = arith.constant 0 : i32
      %add3A_854 = arith.addi %add3A_853, %scan3A_832 : i32
      %swap3A_855 = arith.index_cast %add3A_854 : i32 to index
      %swap3A_856 = arith.constant 16 : index
      %swap3A_857 = tpu.vector_load %arg8[%swap3A_855, %swap3A_856] {strides = array<i32>} : memref<128x128xf32, #tpu.memory_space<vmem>>, vector<1x16xf32>,
      %swap3A_858 = vector.shape_cast %swap3A_857 : vector<1x16xf32> to vector<16xf32>
      %swap3A_859 = vector.shape_cast %get3A_852 : vector<16xf32> to vector<1x16xf32>
      tpu.vector_store %arg8[%swap3A_855, %swap3A_856], %swap3A_859 {add = true, strides = array<i32>} : memref<128x128xf32, #tpu.memory_space<vmem>>, vector<1x16xf32>,
      %add3A_860 = arith.constant 64 : i32
      %add3A_861 = arith.addi %add3A_860, %scan3A_832 : i32
      %swap3A_862 = arith.index_cast %add3A_861 : i32 to index
      %swap3A_863 = arith.constant 16 : index
      %swap3A_864 = tpu.vector_load %arg8[%swap3A_862, %swap3A_863] {strides = array<i32>} : memref<128x128xf32, #tpu.memory_space<vmem>>, vector<1x16xf32>,
      %swap3A_865 = vector.shape_cast %swap3A_864 : vector<1x16xf32> to vector<16xf32>
      %swap3A_866 = vector.shape_cast %get3A_852 : vector<16xf32> to vector<1x16xf32>
      tpu.vector_store %arg8[%swap3A_862, %swap3A_863], %swap3A_866 {add = true, strides = array<i32>} : memref<128x128xf32, #tpu.memory_space<vmem>>, vector<1x16xf32>,
      %get3A_867 = arith.index_cast %scan3A_832 : i32 to index
      %get3A_868 = arith.constant 32 : index
      %get3A_869 = tpu.vector_load %arg7[%get3A_867, %get3A_868] {strides = array<i32>} : memref<64x128xf32, #tpu.memory_space<vmem>>, vector<1x16xf32>,
      %get3A_870 = vector.shape_cast %get3A_869 : vector<1x16xf32> to vector<16xf32>
      %add3A_871 = arith.constant 0 : i32
      %add3A_872 = arith.addi %add3A_871, %scan3A_832 : i32
      %swap3A_873 = arith.index_cast %add3A_872 : i32 to index
      %swap3A_874 = arith.constant 32 : index
      %swap3A_875 = tpu.vector_load %arg8[%swap3A_873, %swap3A_874] {strides = array<i32>} : memref<128x128xf32, #tpu.memory_space<vmem>>, vector<1x16xf32>,
      %swap3A_876 = vector.shape_cast %swap3A_875 : vector<1x16xf32> to vector<16xf32>
      %swap3A_877 = vector.shape_cast %get3A_870 : vector<16xf32> to vector<1x16xf32>
      tpu.vector_store %arg8[%swap3A_873, %swap3A_874], %swap3A_877 {add = true, strides = array<i32>} : memref<128x128xf32, #tpu.memory_space<vmem>>, vector<1x16xf32>,
      %add3A_878 = arith.constant 64 : i32
      %add3A_879 = arith.addi %add3A_878, %scan3A_832 : i32
      %swap3A_880 = arith.index_cast %add3A_879 : i32 to index
      %swap3A_881 = arith.constant 32 : index
      %swap3A_882 = tpu.vector_load %arg8[%swap3A_880, %swap3A_881] {strides = array<i32>} : memref<128x128xf32, #tpu.memory_space<vmem>>, vector<1x16xf32>,
      %swap3A_883 = vector.shape_cast %swap3A_882 : vector<1x16xf32> to vector<16xf32>
      %swap3A_884 = vector.shape_cast %get3A_870 : vector<16xf32> to vector<1x16xf32>
      tpu.vector_store %arg8[%swap3A_880, %swap3A_881], %swap3A_884 {add = true, strides = array<i32>} : memref<128x128xf32, #tpu.memory_space<vmem>>, vector<1x16xf32>,
      %get3A_885 = arith.index_cast %scan3A_832 : i32 to index
      %get3A_886 = arith.constant 48 : index
      %get3A_887 = tpu.vector_load %arg7[%get3A_885, %get3A_886] {strides = array<i32>} : memref<64x128xf32, #tpu.memory_space<vmem>>, vector<1x16xf32>,
      %get3A_888 = vector.shape_cast %get3A_887 : vector<1x16xf32> to vector<16xf32>
      %add3A_889 = arith.constant 0 : i32
      %add3A_890 = arith.addi %add3A_889, %scan3A_832 : i32
      %swap3A_891 = arith.index_cast %add3A_890 : i32 to index
      %swap3A_892 = arith.constant 48 : index
      %swap3A_893 = tpu.vector_load %arg8[%swap3A_891, %swap3A_892] {strides = array<i32>} : memref<128x128xf32, #tpu.memory_space<vmem>>, vector<1x16xf32>,
      %swap3A_894 = vector.shape_cast %swap3A_893 : vector<1x16xf32> to vector<16xf32>
      %swap3A_895 = vector.shape_cast %get3A_888 : vector<16xf32> to vector<1x16xf32>
      tpu.vector_store %arg8[%swap3A_891, %swap3A_892], %swap3A_895 {add = true, strides = array<i32>} : memref<128x128xf32, #tpu.memory_space<vmem>>, vector<1x16xf32>,
      %add3A_896 = arith.constant 64 : i32
      %add3A_897 = arith.addi %add3A_896, %scan3A_832 : i32
      %swap3A_898 = arith.index_cast %add3A_897 : i32 to index
      %swap3A_899 = arith.constant 48 : index
      %swap3A_900 = tpu.vector_load %arg8[%swap3A_898, %swap3A_899] {strides = array<i32>} : memref<128x128xf32, #tpu.memory_space<vmem>>, vector<1x16xf32>,
      %swap3A_901 = vector.shape_cast %swap3A_900 : vector<1x16xf32> to vector<16xf32>
      %swap3A_902 = vector.shape_cast %get3A_888 : vector<16xf32> to vector<1x16xf32>
      tpu.vector_store %arg8[%swap3A_898, %swap3A_899], %swap3A_902 {add = true, strides = array<i32>} : memref<128x128xf32, #tpu.memory_space<vmem>>, vector<1x16xf32>,
      %get3A_903 = arith.index_cast %scan3A_832 : i32 to index
      %get3A_904 = arith.constant 64 : index
      %get3A_905 = tpu.vector_load %arg7[%get3A_903, %get3A_904] {strides = array<i32>} : memref<64x128xf32, #tpu.memory_space<vmem>>, vector<1x16xf32>,
      %get3A_906 = vector.shape_cast %get3A_905 : vector<1x16xf32> to vector<16xf32>
      %add3A_907 = arith.constant 0 : i32
      %add3A_908 = arith.addi %add3A_907, %scan3A_832 : i32
      %swap3A_909 = arith.index_cast %add3A_908 : i32 to index
      %swap3A_910 = arith.constant 64 : index
      %swap3A_911 = tpu.vector_load %arg8[%swap3A_909, %swap3A_910] {strides = array<i32>} : memref<128x128xf32, #tpu.memory_space<vmem>>, vector<1x16xf32>,
      %swap3A_912 = vector.shape_cast %swap3A_911 : vector<1x16xf32> to vector<16xf32>
      %swap3A_913 = vector.shape_cast %get3A_906 : vector<16xf32> to vector<1x16xf32>
      tpu.vector_store %arg8[%swap3A_909, %swap3A_910], %swap3A_913 {add = true, strides = array<i32>} : memref<128x128xf32, #tpu.memory_space<vmem>>, vector<1x16xf32>,
      %add3A_914 = arith.constant 64 : i32
      %add3A_915 = arith.addi %add3A_914, %scan3A_832 : i32
      %swap3A_916 = arith.index_cast %add3A_915 : i32 to index
      %swap3A_917 = arith.constant 64 : index
      %swap3A_918 = tpu.vector_load %arg8[%swap3A_916, %swap3A_917] {strides = array<i32>} : memref<128x128xf32, #tpu.memory_space<vmem>>, vector<1x16xf32>,
      %swap3A_919 = vector.shape_cast %swap3A_918 : vector<1x16xf32> to vector<16xf32>
      %swap3A_920 = vector.shape_cast %get3A_906 : vector<16xf32> to vector<1x16xf32>
      tpu.vector_store %arg8[%swap3A_916, %swap3A_917], %swap3A_920 {add = true, strides = array<i32>} : memref<128x128xf32, #tpu.memory_space<vmem>>, vector<1x16xf32>,
      %get3A_921 = arith.index_cast %scan3A_832 : i32 to index
      %get3A_922 = arith.constant 80 : index
      %get3A_923 = tpu.vector_load %arg7[%get3A_921, %get3A_922] {strides = array<i32>} : memref<64x128xf32, #tpu.memory_space<vmem>>, vector<1x16xf32>,
      %get3A_924 = vector.shape_cast %get3A_923 : vector<1x16xf32> to vector<16xf32>
      %add3A_925 = arith.constant 0 : i32
      %add3A_926 = arith.addi %add3A_925, %scan3A_832 : i32
      %swap3A_927 = arith.index_cast %add3A_926 : i32 to index
      %swap3A_928 = arith.constant 80 : index
      %swap3A_929 = tpu.vector_load %arg8[%swap3A_927, %swap3A_928] {strides = array<i32>} : memref<128x128xf32, #tpu.memory_space<vmem>>, vector<1x16xf32>,
      %swap3A_930 = vector.shape_cast %swap3A_929 : vector<1x16xf32> to vector<16xf32>
      %swap3A_931 = vector.shape_cast %get3A_924 : vector<16xf32> to vector<1x16xf32>
      tpu.vector_store %arg8[%swap3A_927, %swap3A_928], %swap3A_931 {add = true, strides = array<i32>} : memref<128x128xf32, #tpu.memory_space<vmem>>, vector<1x16xf32>,
      %add3A_932 = arith.constant 64 : i32
      %add3A_933 = arith.addi %add3A_932, %scan3A_832 : i32
      %swap3A_934 = arith.index_cast %add3A_933 : i32 to index
      %swap3A_935 = arith.constant 80 : index
      %swap3A_936 = tpu.vector_load %arg8[%swap3A_934, %swap3A_935] {strides = array<i32>} : memref<128x128xf32, #tpu.memory_space<vmem>>, vector<1x16xf32>,
      %swap3A_937 = vector.shape_cast %swap3A_936 : vector<1x16xf32> to vector<16xf32>
      %swap3A_938 = vector.shape_cast %get3A_924 : vector<16xf32> to vector<1x16xf32>
      tpu.vector_store %arg8[%swap3A_934, %swap3A_935], %swap3A_938 {add = true, strides = array<i32>} : memref<128x128xf32, #tpu.memory_space<vmem>>, vector<1x16xf32>,
      %get3A_939 = arith.index_cast %scan3A_832 : i32 to index
      %get3A_940 = arith.constant 96 : index
      %get3A_941 = tpu.vector_load %arg7[%get3A_939, %get3A_940] {strides = array<i32>} : memref<64x128xf32, #tpu.memory_space<vmem>>, vector<1x16xf32>,
      %get3A_942 = vector.shape_cast %get3A_941 : vector<1x16xf32> to vector<16xf32>
      %add3A_943 = arith.constant 0 : i32
      %add3A_944 = arith.addi %add3A_943, %scan3A_832 : i32
      %swap3A_945 = arith.index_cast %add3A_944 : i32 to index
      %swap3A_946 = arith.constant 96 : index
      %swap3A_947 = tpu.vector_load %arg8[%swap3A_945, %swap3A_946] {strides = array<i32>} : memref<128x128xf32, #tpu.memory_space<vmem>>, vector<1x16xf32>,
      %swap3A_948 = vector.shape_cast %swap3A_947 : vector<1x16xf32> to vector<16xf32>
      %swap3A_949 = vector.shape_cast %get3A_942 : vector<16xf32> to vector<1x16xf32>
      tpu.vector_store %arg8[%swap3A_945, %swap3A_946], %swap3A_949 {add = true, strides = array<i32>} : memref<128x128xf32, #tpu.memory_space<vmem>>, vector<1x16xf32>,
      %add3A_950 = arith.constant 64 : i32
      %add3A_951 = arith.addi %add3A_950, %scan3A_832 : i32
      %swap3A_952 = arith.index_cast %add3A_951 : i32 to index
      %swap3A_953 = arith.constant 96 : index
      %swap3A_954 = tpu.vector_load %arg8[%swap3A_952, %swap3A_953] {strides = array<i32>} : memref<128x128xf32, #tpu.memory_space<vmem>>, vector<1x16xf32>,
      %swap3A_955 = vector.shape_cast %swap3A_954 : vector<1x16xf32> to vector<16xf32>
      %swap3A_956 = vector.shape_cast %get3A_942 : vector<16xf32> to vector<1x16xf32>
      tpu.vector_store %arg8[%swap3A_952, %swap3A_953], %swap3A_956 {add = true, strides = array<i32>} : memref<128x128xf32, #tpu.memory_space<vmem>>, vector<1x16xf32>,
      %get3A_957 = arith.index_cast %scan3A_832 : i32 to index
      %get3A_958 = arith.constant 112 : index
      %get3A_959 = tpu.vector_load %arg7[%get3A_957, %get3A_958] {strides = array<i32>} : memref<64x128xf32, #tpu.memory_space<vmem>>, vector<1x16xf32>,
      %get3A_960 = vector.shape_cast %get3A_959 : vector<1x16xf32> to vector<16xf32>
      %add3A_961 = arith.constant 0 : i32
      %add3A_962 = arith.addi %add3A_961, %scan3A_832 : i32
      %swap3A_963 = arith.index_cast %add3A_962 : i32 to index
      %swap3A_964 = arith.constant 112 : index
      %swap3A_965 = tpu.vector_load %arg8[%swap3A_963, %swap3A_964] {strides = array<i32>} : memref<128x128xf32, #tpu.memory_space<vmem>>, vector<1x16xf32>,
      %swap3A_966 = vector.shape_cast %swap3A_965 : vector<1x16xf32> to vector<16xf32>
      %swap3A_967 = vector.shape_cast %get3A_960 : vector<16xf32> to vector<1x16xf32>
      tpu.vector_store %arg8[%swap3A_963, %swap3A_964], %swap3A_967 {add = true, strides = array<i32>} : memref<128x128xf32, #tpu.memory_space<vmem>>, vector<1x16xf32>,
      %add3A_968 = arith.constant 64 : i32
      %add3A_969 = arith.addi %add3A_968, %scan3A_832 : i32
      %swap3A_970 = arith.index_cast %add3A_969 : i32 to index
      %swap3A_971 = arith.constant 112 : index
      %swap3A_972 = tpu.vector_load %arg8[%swap3A_970, %swap3A_971] {strides = array<i32>} : memref<128x128xf32, #tpu.memory_space<vmem>>, vector<1x16xf32>,
      %swap3A_973 = vector.shape_cast %swap3A_972 : vector<1x16xf32> to vector<16xf32>
      %swap3A_974 = vector.shape_cast %get3A_960 : vector<16xf32> to vector<1x16xf32>
      tpu.vector_store %arg8[%swap3A_970, %swap3A_971], %swap3A_974 {add = true, strides = array<i32>} : memref<128x128xf32, #tpu.memory_space<vmem>>, vector<1x16xf32>,
    }
    %scan3A_323 = arith.constant 64 : i32
    %dma_start3A_324 = arith.constant 0 : i32
    %dma_start3A_325 = arith.constant 0 : i32
    %dma_start3A_326 = arith.constant 0 : i32
    %dma_start3A_327 = tpu.memref_slice %arg8[%dma_start3A_325, %dma_start3A_326] : memref<128x128xf32, #tpu.memory_space<vmem>> -> memref<64x128xf32, #tpu.memory_space<vmem>>
    %dma_start3A_328 = arith.constant 0 : i32
    %dma_start3A_329 = tpu.memref_slice %arg5[%dma_start3A_324, %mul3A_2, %dma_start3A_328] : memref<16x2048x128xf32, #tpu.memory_space<hbm>> -> memref<1x64x128xf32, #tpu.memory_space<hbm>>
    %dma_start3A_330 = tpu.memref_squeeze %dma_start3A_329 : memref<1x64x128xf32, #tpu.memory_space<hbm>> -> memref<64x128xf32, #tpu.memory_space<hbm>>
    %dma_start3A_331 = arith.constant 0 : i32
    %dma_start3A_332 = tpu.memref_slice %arg5[%dma_start3A_324, %mul3A_2, %dma_start3A_331] : memref<16x2048x128xf32, #tpu.memory_space<hbm>> -> memref<1x64x128xf32, #tpu.memory_space<hbm>>
    %dma_start3A_333 = tpu.memref_squeeze %dma_start3A_332 : memref<1x64x128xf32, #tpu.memory_space<hbm>> -> memref<64x128xf32, #tpu.memory_space<hbm>>
    %dma_start3A_334 = arith.constant 0 : i32
    %dma_start3A_335 = arith.constant 0 : i32
    %dma_start3A_336 = tpu.memref_slice %arg8[%dma_start3A_334, %dma_start3A_335] : memref<128x128xf32, #tpu.memory_space<vmem>> -> memref<64x128xf32, #tpu.memory_space<vmem>>
    tpu.enqueue_dma source(%dma_start3A_336 : memref<64x128xf32, #tpu.memory_space<vmem>>) target(%dma_start3A_333 : memref<64x128xf32, #tpu.memory_space<hbm>>) target_semaphore(%arg22 : memref<!tpu.dma_semaphore, #tpu.memory_space<semaphore_mem>>)
    %dma_start3A_337 = arith.constant 1 : i32
    %dma_start3A_338 = arith.constant 64 : i32
    %dma_start3A_339 = arith.constant 0 : i32
    %dma_start3A_340 = tpu.memref_slice %arg8[%dma_start3A_338, %dma_start3A_339] : memref<128x128xf32, #tpu.memory_space<vmem>> -> memref<64x128xf32, #tpu.memory_space<vmem>>
    %dma_start3A_341 = arith.constant 0 : i32
    %dma_start3A_342 = tpu.memref_slice %arg5[%dma_start3A_337, %mul3A_2, %dma_start3A_341] : memref<16x2048x128xf32, #tpu.memory_space<hbm>> -> memref<1x64x128xf32, #tpu.memory_space<hbm>>
    %dma_start3A_343 = tpu.memref_squeeze %dma_start3A_342 : memref<1x64x128xf32, #tpu.memory_space<hbm>> -> memref<64x128xf32, #tpu.memory_space<hbm>>
    %dma_start3A_344 = arith.constant 0 : i32
    %dma_start3A_345 = tpu.memref_slice %arg5[%dma_start3A_337, %mul3A_2, %dma_start3A_344] : memref<16x2048x128xf32, #tpu.memory_space<hbm>> -> memref<1x64x128xf32, #tpu.memory_space<hbm>>
    %dma_start3A_346 = tpu.memref_squeeze %dma_start3A_345 : memref<1x64x128xf32, #tpu.memory_space<hbm>> -> memref<64x128xf32, #tpu.memory_space<hbm>>
    %dma_start3A_347 = arith.constant 64 : i32
    %dma_start3A_348 = arith.constant 0 : i32
    %dma_start3A_349 = tpu.memref_slice %arg8[%dma_start3A_347, %dma_start3A_348] : memref<128x128xf32, #tpu.memory_space<vmem>> -> memref<64x128xf32, #tpu.memory_space<vmem>>
    tpu.enqueue_dma source(%dma_start3A_349 : memref<64x128xf32, #tpu.memory_space<vmem>>) target(%dma_start3A_346 : memref<64x128xf32, #tpu.memory_space<hbm>>) target_semaphore(%arg22 : memref<!tpu.dma_semaphore, #tpu.memory_space<semaphore_mem>>)
    %dma_start3A_350 = arith.constant 640 : i32
    %dma_start3A_351 = tpu.memref_slice %arg6[%dma_start3A_350] : memref<1024xi32, #tpu.memory_space<vmem>> -> memref<128xi32, #tpu.memory_space<vmem>>
    %dma_start3A_352 = arith.constant 0 : i32
    %dma_start3A_353 = arith.constant 0 : i32
    %dma_start3A_354 = tpu.memref_slice %arg3[%dma_start3A_352, %dma_start3A_353] : memref<100000x128xf32, #tpu.memory_space<hbm>> -> memref<100000x128xf32, #tpu.memory_space<hbm>>
    tpu.enqueue_indirect_dma source(%dma_start3A_354 : memref<100000x128xf32, #tpu.memory_space<hbm>>) target(%arg13 : memref<128x128xf32, #tpu.memory_space<vmem>>) offsets(%dma_start3A_351 : memref<128xi32, #tpu.memory_space<vmem>>) semaphore(%arg20 : memref<!tpu.dma_semaphore, #tpu.memory_space<semaphore_mem>>)
    %dma_wait3A_355 = arith.constant 128 : i32
    %dma_wait3A_356 = tpu.memref_slice %arg6[%dma_wait3A_355] : memref<1024xi32, #tpu.memory_space<vmem>> -> memref<128xi32, #tpu.memory_space<vmem>>
    %dma_wait3A_357 = arith.constant 0 : i32
    %dma_wait3A_358 = arith.constant 0 : i32
    %dma_wait3A_359 = tpu.memref_slice %arg3[%dma_wait3A_357, %dma_wait3A_358] : memref<100000x128xf32, #tpu.memory_space<hbm>> -> memref<100000x128xf32, #tpu.memory_space<hbm>>
    tpu.wait_indirect_dma semaphore(%arg16 : memref<!tpu.dma_semaphore, #tpu.memory_space<semaphore_mem>>) src(%dma_wait3A_359 : memref<100000x128xf32, #tpu.memory_space<hbm>>) dst(%arg9 : memref<128x128xf32, #tpu.memory_space<vmem>>)
    %scan3A_360 = arith.constant 0 : i32
    %scan3A_361 = arith.constant 0 : i32
    %scan3A_362 = arith.constant 64 : i32
    %scan3A_363 = arith.addi %scan3A_361, %scan3A_362 : i32
    %scan3A_364 = arith.constant 1 : i32
    scf.for %scan3A_832 = %scan3A_361 to %scan3A_363 step %scan3A_364  : i32 {
      %get3A = arith.index_cast %scan3A_832 : i32 to index
      %get3A_833 = arith.constant 0 : index
      %get3A_834 = tpu.vector_load %arg7[%get3A, %get3A_833] {strides = array<i32>} : memref<64x128xf32, #tpu.memory_space<vmem>>, vector<1x16xf32>,
      %get3A_835 = vector.shape_cast %get3A_834 : vector<1x16xf32> to vector<16xf32>
      %add3A_836 = arith.constant 0 : i32
      %add3A_837 = arith.addi %add3A_836, %scan3A_832 : i32
      %swap3A = arith.index_cast %add3A_837 : i32 to index
      %swap3A_838 = arith.constant 0 : index
      %swap3A_839 = tpu.vector_load %arg9[%swap3A, %swap3A_838] {strides = array<i32>} : memref<128x128xf32, #tpu.memory_space<vmem>>, vector<1x16xf32>,
      %swap3A_840 = vector.shape_cast %swap3A_839 : vector<1x16xf32> to vector<16xf32>
      %swap3A_841 = vector.shape_cast %get3A_835 : vector<16xf32> to vector<1x16xf32>
      tpu.vector_store %arg9[%swap3A, %swap3A_838], %swap3A_841 {add = true, strides = array<i32>} : memref<128x128xf32, #tpu.memory_space<vmem>>, vector<1x16xf32>,
      %add3A_842 = arith.constant 64 : i32
      %add3A_843 = arith.addi %add3A_842, %scan3A_832 : i32
      %swap3A_844 = arith.index_cast %add3A_843 : i32 to index
      %swap3A_845 = arith.constant 0 : index
      %swap3A_846 = tpu.vector_load %arg9[%swap3A_844, %swap3A_845] {strides = array<i32>} : memref<128x128xf32, #tpu.memory_space<vmem>>, vector<1x16xf32>,
      %swap3A_847 = vector.shape_cast %swap3A_846 : vector<1x16xf32> to vector<16xf32>
      %swap3A_848 = vector.shape_cast %get3A_835 : vector<16xf32> to vector<1x16xf32>
      tpu.vector_store %arg9[%swap3A_844, %swap3A_845], %swap3A_848 {add = true, strides = array<i32>} : memref<128x128xf32, #tpu.memory_space<vmem>>, vector<1x16xf32>,
      %get3A_849 = arith.index_cast %scan3A_832 : i32 to index
      %get3A_850 = arith.constant 16 : index
      %get3A_851 = tpu.vector_load %arg7[%get3A_849, %get3A_850] {strides = array<i32>} : memref<64x128xf32, #tpu.memory_space<vmem>>, vector<1x16xf32>,
      %get3A_852 = vector.shape_cast %get3A_851 : vector<1x16xf32> to vector<16xf32>
      %add3A_853 = arith.constant 0 : i32
      %add3A_854 = arith.addi %add3A_853, %scan3A_832 : i32
      %swap3A_855 = arith.index_cast %add3A_854 : i32 to index
      %swap3A_856 = arith.constant 16 : index
      %swap3A_857 = tpu.vector_load %arg9[%swap3A_855, %swap3A_856] {strides = array<i32>} : memref<128x128xf32, #tpu.memory_space<vmem>>, vector<1x16xf32>,
      %swap3A_858 = vector.shape_cast %swap3A_857 : vector<1x16xf32> to vector<16xf32>
      %swap3A_859 = vector.shape_cast %get3A_852 : vector<16xf32> to vector<1x16xf32>
      tpu.vector_store %arg9[%swap3A_855, %swap3A_856], %swap3A_859 {add = true, strides = array<i32>} : memref<128x128xf32, #tpu.memory_space<vmem>>, vector<1x16xf32>,
      %add3A_860 = arith.constant 64 : i32
      %add3A_861 = arith.addi %add3A_860, %scan3A_832 : i32
      %swap3A_862 = arith.index_cast %add3A_861 : i32 to index
      %swap3A_863 = arith.constant 16 : index
      %swap3A_864 = tpu.vector_load %arg9[%swap3A_862, %swap3A_863] {strides = array<i32>} : memref<128x128xf32, #tpu.memory_space<vmem>>, vector<1x16xf32>,
      %swap3A_865 = vector.shape_cast %swap3A_864 : vector<1x16xf32> to vector<16xf32>
      %swap3A_866 = vector.shape_cast %get3A_852 : vector<16xf32> to vector<1x16xf32>
      tpu.vector_store %arg9[%swap3A_862, %swap3A_863], %swap3A_866 {add = true, strides = array<i32>} : memref<128x128xf32, #tpu.memory_space<vmem>>, vector<1x16xf32>,
      %get3A_867 = arith.index_cast %scan3A_832 : i32 to index
      %get3A_868 = arith.constant 32 : index
      %get3A_869 = tpu.vector_load %arg7[%get3A_867, %get3A_868] {strides = array<i32>} : memref<64x128xf32, #tpu.memory_space<vmem>>, vector<1x16xf32>,
      %get3A_870 = vector.shape_cast %get3A_869 : vector<1x16xf32> to vector<16xf32>
      %add3A_871 = arith.constant 0 : i32
      %add3A_872 = arith.addi %add3A_871, %scan3A_832 : i32
      %swap3A_873 = arith.index_cast %add3A_872 : i32 to index
      %swap3A_874 = arith.constant 32 : index
      %swap3A_875 = tpu.vector_load %arg9[%swap3A_873, %swap3A_874] {strides = array<i32>} : memref<128x128xf32, #tpu.memory_space<vmem>>, vector<1x16xf32>,
      %swap3A_876 = vector.shape_cast %swap3A_875 : vector<1x16xf32> to vector<16xf32>
      %swap3A_877 = vector.shape_cast %get3A_870 : vector<16xf32> to vector<1x16xf32>
      tpu.vector_store %arg9[%swap3A_873, %swap3A_874], %swap3A_877 {add = true, strides = array<i32>} : memref<128x128xf32, #tpu.memory_space<vmem>>, vector<1x16xf32>,
      %add3A_878 = arith.constant 64 : i32
      %add3A_879 = arith.addi %add3A_878, %scan3A_832 : i32
      %swap3A_880 = arith.index_cast %add3A_879 : i32 to index
      %swap3A_881 = arith.constant 32 : index
      %swap3A_882 = tpu.vector_load %arg9[%swap3A_880, %swap3A_881] {strides = array<i32>} : memref<128x128xf32, #tpu.memory_space<vmem>>, vector<1x16xf32>,
      %swap3A_883 = vector.shape_cast %swap3A_882 : vector<1x16xf32> to vector<16xf32>
      %swap3A_884 = vector.shape_cast %get3A_870 : vector<16xf32> to vector<1x16xf32>
      tpu.vector_store %arg9[%swap3A_880, %swap3A_881], %swap3A_884 {add = true, strides = array<i32>} : memref<128x128xf32, #tpu.memory_space<vmem>>, vector<1x16xf32>,
      %get3A_885 = arith.index_cast %scan3A_832 : i32 to index
      %get3A_886 = arith.constant 48 : index
      %get3A_887 = tpu.vector_load %arg7[%get3A_885, %get3A_886] {strides = array<i32>} : memref<64x128xf32, #tpu.memory_space<vmem>>, vector<1x16xf32>,
      %get3A_888 = vector.shape_cast %get3A_887 : vector<1x16xf32> to vector<16xf32>
      %add3A_889 = arith.constant 0 : i32
      %add3A_890 = arith.addi %add3A_889, %scan3A_832 : i32
      %swap3A_891 = arith.index_cast %add3A_890 : i32 to index
      %swap3A_892 = arith.constant 48 : index
      %swap3A_893 = tpu.vector_load %arg9[%swap3A_891, %swap3A_892] {strides = array<i32>} : memref<128x128xf32, #tpu.memory_space<vmem>>, vector<1x16xf32>,
      %swap3A_894 = vector.shape_cast %swap3A_893 : vector<1x16xf32> to vector<16xf32>
      %swap3A_895 = vector.shape_cast %get3A_888 : vector<16xf32> to vector<1x16xf32>
      tpu.vector_store %arg9[%swap3A_891, %swap3A_892], %swap3A_895 {add = true, strides = array<i32>} : memref<128x128xf32, #tpu.memory_space<vmem>>, vector<1x16xf32>,
      %add3A_896 = arith.constant 64 : i32
      %add3A_897 = arith.addi %add3A_896, %scan3A_832 : i32
      %swap3A_898 = arith.index_cast %add3A_897 : i32 to index
      %swap3A_899 = arith.constant 48 : index
      %swap3A_900 = tpu.vector_load %arg9[%swap3A_898, %swap3A_899] {strides = array<i32>} : memref<128x128xf32, #tpu.memory_space<vmem>>, vector<1x16xf32>,
      %swap3A_901 = vector.shape_cast %swap3A_900 : vector<1x16xf32> to vector<16xf32>
      %swap3A_902 = vector.shape_cast %get3A_888 : vector<16xf32> to vector<1x16xf32>
      tpu.vector_store %arg9[%swap3A_898, %swap3A_899], %swap3A_902 {add = true, strides = array<i32>} : memref<128x128xf32, #tpu.memory_space<vmem>>, vector<1x16xf32>,
      %get3A_903 = arith.index_cast %scan3A_832 : i32 to index
      %get3A_904 = arith.constant 64 : index
      %get3A_905 = tpu.vector_load %arg7[%get3A_903, %get3A_904] {strides = array<i32>} : memref<64x128xf32, #tpu.memory_space<vmem>>, vector<1x16xf32>,
      %get3A_906 = vector.shape_cast %get3A_905 : vector<1x16xf32> to vector<16xf32>
      %add3A_907 = arith.constant 0 : i32
      %add3A_908 = arith.addi %add3A_907, %scan3A_832 : i32
      %swap3A_909 = arith.index_cast %add3A_908 : i32 to index
      %swap3A_910 = arith.constant 64 : index
      %swap3A_911 = tpu.vector_load %arg9[%swap3A_909, %swap3A_910] {strides = array<i32>} : memref<128x128xf32, #tpu.memory_space<vmem>>, vector<1x16xf32>,
      %swap3A_912 = vector.shape_cast %swap3A_911 : vector<1x16xf32> to vector<16xf32>
      %swap3A_913 = vector.shape_cast %get3A_906 : vector<16xf32> to vector<1x16xf32>
      tpu.vector_store %arg9[%swap3A_909, %swap3A_910], %swap3A_913 {add = true, strides = array<i32>} : memref<128x128xf32, #tpu.memory_space<vmem>>, vector<1x16xf32>,
      %add3A_914 = arith.constant 64 : i32
      %add3A_915 = arith.addi %add3A_914, %scan3A_832 : i32
      %swap3A_916 = arith.index_cast %add3A_915 : i32 to index
      %swap3A_917 = arith.constant 64 : index
      %swap3A_918 = tpu.vector_load %arg9[%swap3A_916, %swap3A_917] {strides = array<i32>} : memref<128x128xf32, #tpu.memory_space<vmem>>, vector<1x16xf32>,
      %swap3A_919 = vector.shape_cast %swap3A_918 : vector<1x16xf32> to vector<16xf32>
      %swap3A_920 = vector.shape_cast %get3A_906 : vector<16xf32> to vector<1x16xf32>
      tpu.vector_store %arg9[%swap3A_916, %swap3A_917], %swap3A_920 {add = true, strides = array<i32>} : memref<128x128xf32, #tpu.memory_space<vmem>>, vector<1x16xf32>,
      %get3A_921 = arith.index_cast %scan3A_832 : i32 to index
      %get3A_922 = arith.constant 80 : index
      %get3A_923 = tpu.vector_load %arg7[%get3A_921, %get3A_922] {strides = array<i32>} : memref<64x128xf32, #tpu.memory_space<vmem>>, vector<1x16xf32>,
      %get3A_924 = vector.shape_cast %get3A_923 : vector<1x16xf32> to vector<16xf32>
      %add3A_925 = arith.constant 0 : i32
      %add3A_926 = arith.addi %add3A_925, %scan3A_832 : i32
      %swap3A_927 = arith.index_cast %add3A_926 : i32 to index
      %swap3A_928 = arith.constant 80 : index
      %swap3A_929 = tpu.vector_load %arg9[%swap3A_927, %swap3A_928] {strides = array<i32>} : memref<128x128xf32, #tpu.memory_space<vmem>>, vector<1x16xf32>,
      %swap3A_930 = vector.shape_cast %swap3A_929 : vector<1x16xf32> to vector<16xf32>
      %swap3A_931 = vector.shape_cast %get3A_924 : vector<16xf32> to vector<1x16xf32>
      tpu.vector_store %arg9[%swap3A_927, %swap3A_928], %swap3A_931 {add = true, strides = array<i32>} : memref<128x128xf32, #tpu.memory_space<vmem>>, vector<1x16xf32>,
      %add3A_932 = arith.constant 64 : i32
      %add3A_933 = arith.addi %add3A_932, %scan3A_832 : i32
      %swap3A_934 = arith.index_cast %add3A_933 : i32 to index
      %swap3A_935 = arith.constant 80 : index
      %swap3A_936 = tpu.vector_load %arg9[%swap3A_934, %swap3A_935] {strides = array<i32>} : memref<128x128xf32, #tpu.memory_space<vmem>>, vector<1x16xf32>,
      %swap3A_937 = vector.shape_cast %swap3A_936 : vector<1x16xf32> to vector<16xf32>
      %swap3A_938 = vector.shape_cast %get3A_924 : vector<16xf32> to vector<1x16xf32>
      tpu.vector_store %arg9[%swap3A_934, %swap3A_935], %swap3A_938 {add = true, strides = array<i32>} : memref<128x128xf32, #tpu.memory_space<vmem>>, vector<1x16xf32>,
      %get3A_939 = arith.index_cast %scan3A_832 : i32 to index
      %get3A_940 = arith.constant 96 : index
      %get3A_941 = tpu.vector_load %arg7[%get3A_939, %get3A_940] {strides = array<i32>} : memref<64x128xf32, #tpu.memory_space<vmem>>, vector<1x16xf32>,
      %get3A_942 = vector.shape_cast %get3A_941 : vector<1x16xf32> to vector<16xf32>
      %add3A_943 = arith.constant 0 : i32
      %add3A_944 = arith.addi %add3A_943, %scan3A_832 : i32
      %swap3A_945 = arith.index_cast %add3A_944 : i32 to index
      %swap3A_946 = arith.constant 96 : index
      %swap3A_947 = tpu.vector_load %arg9[%swap3A_945, %swap3A_946] {strides = array<i32>} : memref<128x128xf32, #tpu.memory_space<vmem>>, vector<1x16xf32>,
      %swap3A_948 = vector.shape_cast %swap3A_947 : vector<1x16xf32> to vector<16xf32>
      %swap3A_949 = vector.shape_cast %get3A_942 : vector<16xf32> to vector<1x16xf32>
      tpu.vector_store %arg9[%swap3A_945, %swap3A_946], %swap3A_949 {add = true, strides = array<i32>} : memref<128x128xf32, #tpu.memory_space<vmem>>, vector<1x16xf32>,
      %add3A_950 = arith.constant 64 : i32
      %add3A_951 = arith.addi %add3A_950, %scan3A_832 : i32
      %swap3A_952 = arith.index_cast %add3A_951 : i32 to index
      %swap3A_953 = arith.constant 96 : index
      %swap3A_954 = tpu.vector_load %arg9[%swap3A_952, %swap3A_953] {strides = array<i32>} : memref<128x128xf32, #tpu.memory_space<vmem>>, vector<1x16xf32>,
      %swap3A_955 = vector.shape_cast %swap3A_954 : vector<1x16xf32> to vector<16xf32>
      %swap3A_956 = vector.shape_cast %get3A_942 : vector<16xf32> to vector<1x16xf32>
      tpu.vector_store %arg9[%swap3A_952, %swap3A_953], %swap3A_956 {add = true, strides = array<i32>} : memref<128x128xf32, #tpu.memory_space<vmem>>, vector<1x16xf32>,
      %get3A_957 = arith.index_cast %scan3A_832 : i32 to index
      %get3A_958 = arith.constant 112 : index
      %get3A_959 = tpu.vector_load %arg7[%get3A_957, %get3A_958] {strides = array<i32>} : memref<64x128xf32, #tpu.memory_space<vmem>>, vector<1x16xf32>,
      %get3A_960 = vector.shape_cast %get3A_959 : vector<1x16xf32> to vector<16xf32>
      %add3A_961 = arith.constant 0 : i32
      %add3A_962 = arith.addi %add3A_961, %scan3A_832 : i32
      %swap3A_963 = arith.index_cast %add3A_962 : i32 to index
      %swap3A_964 = arith.constant 112 : index
      %swap3A_965 = tpu.vector_load %arg9[%swap3A_963, %swap3A_964] {strides = array<i32>} : memref<128x128xf32, #tpu.memory_space<vmem>>, vector<1x16xf32>,
      %swap3A_966 = vector.shape_cast %swap3A_965 : vector<1x16xf32> to vector<16xf32>
      %swap3A_967 = vector.shape_cast %get3A_960 : vector<16xf32> to vector<1x16xf32>
      tpu.vector_store %arg9[%swap3A_963, %swap3A_964], %swap3A_967 {add = true, strides = array<i32>} : memref<128x128xf32, #tpu.memory_space<vmem>>, vector<1x16xf32>,
      %add3A_968 = arith.constant 64 : i32
      %add3A_969 = arith.addi %add3A_968, %scan3A_832 : i32
      %swap3A_970 = arith.index_cast %add3A_969 : i32 to index
      %swap3A_971 = arith.constant 112 : index
      %swap3A_972 = tpu.vector_load %arg9[%swap3A_970, %swap3A_971] {strides = array<i32>} : memref<128x128xf32, #tpu.memory_space<vmem>>, vector<1x16xf32>,
      %swap3A_973 = vector.shape_cast %swap3A_972 : vector<1x16xf32> to vector<16xf32>
      %swap3A_974 = vector.shape_cast %get3A_960 : vector<16xf32> to vector<1x16xf32>
      tpu.vector_store %arg9[%swap3A_970, %swap3A_971], %swap3A_974 {add = true, strides = array<i32>} : memref<128x128xf32, #tpu.memory_space<vmem>>, vector<1x16xf32>,
    }
    %scan3A_365 = arith.constant 64 : i32
    %dma_start3A_366 = arith.constant 2 : i32
    %dma_start3A_367 = arith.constant 0 : i32
    %dma_start3A_368 = arith.constant 0 : i32
    %dma_start3A_369 = tpu.memref_slice %arg9[%dma_start3A_367, %dma_start3A_368] : memref<128x128xf32, #tpu.memory_space<vmem>> -> memref<64x128xf32, #tpu.memory_space<vmem>>
    %dma_start3A_370 = arith.constant 0 : i32
    %dma_start3A_371 = tpu.memref_slice %arg5[%dma_start3A_366, %mul3A_2, %dma_start3A_370] : memref<16x2048x128xf32, #tpu.memory_space<hbm>> -> memref<1x64x128xf32, #tpu.memory_space<hbm>>
    %dma_start3A_372 = tpu.memref_squeeze %dma_start3A_371 : memref<1x64x128xf32, #tpu.memory_space<hbm>> -> memref<64x128xf32, #tpu.memory_space<hbm>>
    %dma_start3A_373 = arith.constant 0 : i32
    %dma_start3A_374 = tpu.memref_slice %arg5[%dma_start3A_366, %mul3A_2, %dma_start3A_373] : memref<16x2048x128xf32, #tpu.memory_space<hbm>> -> memref<1x64x128xf32, #tpu.memory_space<hbm>>
    %dma_start3A_375 = tpu.memref_squeeze %dma_start3A_374 : memref<1x64x128xf32, #tpu.memory_space<hbm>> -> memref<64x128xf32, #tpu.memory_space<hbm>>
    %dma_start3A_376 = arith.constant 0 : i32
    %dma_start3A_377 = arith.constant 0 : i32
    %dma_start3A_378 = tpu.memref_slice %arg9[%dma_start3A_376, %dma_start3A_377] : memref<128x128xf32, #tpu.memory_space<vmem>> -> memref<64x128xf32, #tpu.memory_space<vmem>>
    tpu.enqueue_dma source(%dma_start3A_378 : memref<64x128xf32, #tpu.memory_space<vmem>>) target(%dma_start3A_375 : memref<64x128xf32, #tpu.memory_space<hbm>>) target_semaphore(%arg23 : memref<!tpu.dma_semaphore, #tpu.memory_space<semaphore_mem>>)
    %dma_start3A_379 = arith.constant 3 : i32
    %dma_start3A_380 = arith.constant 64 : i32
    %dma_start3A_381 = arith.constant 0 : i32
    %dma_start3A_382 = tpu.memref_slice %arg9[%dma_start3A_380, %dma_start3A_381] : memref<128x128xf32, #tpu.memory_space<vmem>> -> memref<64x128xf32, #tpu.memory_space<vmem>>
    %dma_start3A_383 = arith.constant 0 : i32
    %dma_start3A_384 = tpu.memref_slice %arg5[%dma_start3A_379, %mul3A_2, %dma_start3A_383] : memref<16x2048x128xf32, #tpu.memory_space<hbm>> -> memref<1x64x128xf32, #tpu.memory_space<hbm>>
    %dma_start3A_385 = tpu.memref_squeeze %dma_start3A_384 : memref<1x64x128xf32, #tpu.memory_space<hbm>> -> memref<64x128xf32, #tpu.memory_space<hbm>>
    %dma_start3A_386 = arith.constant 0 : i32
    %dma_start3A_387 = tpu.memref_slice %arg5[%dma_start3A_379, %mul3A_2, %dma_start3A_386] : memref<16x2048x128xf32, #tpu.memory_space<hbm>> -> memref<1x64x128xf32, #tpu.memory_space<hbm>>
    %dma_start3A_388 = tpu.memref_squeeze %dma_start3A_387 : memref<1x64x128xf32, #tpu.memory_space<hbm>> -> memref<64x128xf32, #tpu.memory_space<hbm>>
    %dma_start3A_389 = arith.constant 64 : i32
    %dma_start3A_390 = arith.constant 0 : i32
    %dma_start3A_391 = tpu.memref_slice %arg9[%dma_start3A_389, %dma_start3A_390] : memref<128x128xf32, #tpu.memory_space<vmem>> -> memref<64x128xf32, #tpu.memory_space<vmem>>
    tpu.enqueue_dma source(%dma_start3A_391 : memref<64x128xf32, #tpu.memory_space<vmem>>) target(%dma_start3A_388 : memref<64x128xf32, #tpu.memory_space<hbm>>) target_semaphore(%arg23 : memref<!tpu.dma_semaphore, #tpu.memory_space<semaphore_mem>>)
    %dma_start3A_392 = arith.constant 768 : i32
    %dma_start3A_393 = tpu.memref_slice %arg6[%dma_start3A_392] : memref<1024xi32, #tpu.memory_space<vmem>> -> memref<128xi32, #tpu.memory_space<vmem>>
    %dma_start3A_394 = arith.constant 0 : i32
    %dma_start3A_395 = arith.constant 0 : i32
    %dma_start3A_396 = tpu.memref_slice %arg3[%dma_start3A_394, %dma_start3A_395] : memref<100000x128xf32, #tpu.memory_space<hbm>> -> memref<100000x128xf32, #tpu.memory_space<hbm>>
    tpu.enqueue_indirect_dma source(%dma_start3A_396 : memref<100000x128xf32, #tpu.memory_space<hbm>>) target(%arg14 : memref<128x128xf32, #tpu.memory_space<vmem>>) offsets(%dma_start3A_393 : memref<128xi32, #tpu.memory_space<vmem>>) semaphore(%arg21 : memref<!tpu.dma_semaphore, #tpu.memory_space<semaphore_mem>>)
    %dma_wait3A_397 = arith.constant 256 : i32
    %dma_wait3A_398 = tpu.memref_slice %arg6[%dma_wait3A_397] : memref<1024xi32, #tpu.memory_space<vmem>> -> memref<128xi32, #tpu.memory_space<vmem>>
    %dma_wait3A_399 = arith.constant 0 : i32
    %dma_wait3A_400 = arith.constant 0 : i32
    %dma_wait3A_401 = tpu.memref_slice %arg3[%dma_wait3A_399, %dma_wait3A_400] : memref<100000x128xf32, #tpu.memory_space<hbm>> -> memref<100000x128xf32, #tpu.memory_space<hbm>>
    tpu.wait_indirect_dma semaphore(%arg17 : memref<!tpu.dma_semaphore, #tpu.memory_space<semaphore_mem>>) src(%dma_wait3A_401 : memref<100000x128xf32, #tpu.memory_space<hbm>>) dst(%arg10 : memref<128x128xf32, #tpu.memory_space<vmem>>)
    %scan3A_402 = arith.constant 0 : i32
    %scan3A_403 = arith.constant 0 : i32
    %scan3A_404 = arith.constant 64 : i32
    %scan3A_405 = arith.addi %scan3A_403, %scan3A_404 : i32
    %scan3A_406 = arith.constant 1 : i32
    scf.for %scan3A_832 = %scan3A_403 to %scan3A_405 step %scan3A_406  : i32 {
      %get3A = arith.index_cast %scan3A_832 : i32 to index
      %get3A_833 = arith.constant 0 : index
      %get3A_834 = tpu.vector_load %arg7[%get3A, %get3A_833] {strides = array<i32>} : memref<64x128xf32, #tpu.memory_space<vmem>>, vector<1x16xf32>,
      %get3A_835 = vector.shape_cast %get3A_834 : vector<1x16xf32> to vector<16xf32>
      %add3A_836 = arith.constant 0 : i32
      %add3A_837 = arith.addi %add3A_836, %scan3A_832 : i32
      %swap3A = arith.index_cast %add3A_837 : i32 to index
      %swap3A_838 = arith.constant 0 : index
      %swap3A_839 = tpu.vector_load %arg10[%swap3A, %swap3A_838] {strides = array<i32>} : memref<128x128xf32, #tpu.memory_space<vmem>>, vector<1x16xf32>,
      %swap3A_840 = vector.shape_cast %swap3A_839 : vector<1x16xf32> to vector<16xf32>
      %swap3A_841 = vector.shape_cast %get3A_835 : vector<16xf32> to vector<1x16xf32>
      tpu.vector_store %arg10[%swap3A, %swap3A_838], %swap3A_841 {add = true, strides = array<i32>} : memref<128x128xf32, #tpu.memory_space<vmem>>, vector<1x16xf32>,
      %add3A_842 = arith.constant 64 : i32
      %add3A_843 = arith.addi %add3A_842, %scan3A_832 : i32
      %swap3A_844 = arith.index_cast %add3A_843 : i32 to index
      %swap3A_845 = arith.constant 0 : index
      %swap3A_846 = tpu.vector_load %arg10[%swap3A_844, %swap3A_845] {strides = array<i32>} : memref<128x128xf32, #tpu.memory_space<vmem>>, vector<1x16xf32>,
      %swap3A_847 = vector.shape_cast %swap3A_846 : vector<1x16xf32> to vector<16xf32>
      %swap3A_848 = vector.shape_cast %get3A_835 : vector<16xf32> to vector<1x16xf32>
      tpu.vector_store %arg10[%swap3A_844, %swap3A_845], %swap3A_848 {add = true, strides = array<i32>} : memref<128x128xf32, #tpu.memory_space<vmem>>, vector<1x16xf32>,
      %get3A_849 = arith.index_cast %scan3A_832 : i32 to index
      %get3A_850 = arith.constant 16 : index
      %get3A_851 = tpu.vector_load %arg7[%get3A_849, %get3A_850] {strides = array<i32>} : memref<64x128xf32, #tpu.memory_space<vmem>>, vector<1x16xf32>,
      %get3A_852 = vector.shape_cast %get3A_851 : vector<1x16xf32> to vector<16xf32>
      %add3A_853 = arith.constant 0 : i32
      %add3A_854 = arith.addi %add3A_853, %scan3A_832 : i32
      %swap3A_855 = arith.index_cast %add3A_854 : i32 to index
      %swap3A_856 = arith.constant 16 : index
      %swap3A_857 = tpu.vector_load %arg10[%swap3A_855, %swap3A_856] {strides = array<i32>} : memref<128x128xf32, #tpu.memory_space<vmem>>, vector<1x16xf32>,
      %swap3A_858 = vector.shape_cast %swap3A_857 : vector<1x16xf32> to vector<16xf32>
      %swap3A_859 = vector.shape_cast %get3A_852 : vector<16xf32> to vector<1x16xf32>
      tpu.vector_store %arg10[%swap3A_855, %swap3A_856], %swap3A_859 {add = true, strides = array<i32>} : memref<128x128xf32, #tpu.memory_space<vmem>>, vector<1x16xf32>,
      %add3A_860 = arith.constant 64 : i32
      %add3A_861 = arith.addi %add3A_860, %scan3A_832 : i32
      %swap3A_862 = arith.index_cast %add3A_861 : i32 to index
      %swap3A_863 = arith.constant 16 : index
      %swap3A_864 = tpu.vector_load %arg10[%swap3A_862, %swap3A_863] {strides = array<i32>} : memref<128x128xf32, #tpu.memory_space<vmem>>, vector<1x16xf32>,
      %swap3A_865 = vector.shape_cast %swap3A_864 : vector<1x16xf32> to vector<16xf32>
      %swap3A_866 = vector.shape_cast %get3A_852 : vector<16xf32> to vector<1x16xf32>
      tpu.vector_store %arg10[%swap3A_862, %swap3A_863], %swap3A_866 {add = true, strides = array<i32>} : memref<128x128xf32, #tpu.memory_space<vmem>>, vector<1x16xf32>,
      %get3A_867 = arith.index_cast %scan3A_832 : i32 to index
      %get3A_868 = arith.constant 32 : index
      %get3A_869 = tpu.vector_load %arg7[%get3A_867, %get3A_868] {strides = array<i32>} : memref<64x128xf32, #tpu.memory_space<vmem>>, vector<1x16xf32>,
      %get3A_870 = vector.shape_cast %get3A_869 : vector<1x16xf32> to vector<16xf32>
      %add3A_871 = arith.constant 0 : i32
      %add3A_872 = arith.addi %add3A_871, %scan3A_832 : i32
      %swap3A_873 = arith.index_cast %add3A_872 : i32 to index
      %swap3A_874 = arith.constant 32 : index
      %swap3A_875 = tpu.vector_load %arg10[%swap3A_873, %swap3A_874] {strides = array<i32>} : memref<128x128xf32, #tpu.memory_space<vmem>>, vector<1x16xf32>,
      %swap3A_876 = vector.shape_cast %swap3A_875 : vector<1x16xf32> to vector<16xf32>
      %swap3A_877 = vector.shape_cast %get3A_870 : vector<16xf32> to vector<1x16xf32>
      tpu.vector_store %arg10[%swap3A_873, %swap3A_874], %swap3A_877 {add = true, strides = array<i32>} : memref<128x128xf32, #tpu.memory_space<vmem>>, vector<1x16xf32>,
      %add3A_878 = arith.constant 64 : i32
      %add3A_879 = arith.addi %add3A_878, %scan3A_832 : i32
      %swap3A_880 = arith.index_cast %add3A_879 : i32 to index
      %swap3A_881 = arith.constant 32 : index
      %swap3A_882 = tpu.vector_load %arg10[%swap3A_880, %swap3A_881] {strides = array<i32>} : memref<128x128xf32, #tpu.memory_space<vmem>>, vector<1x16xf32>,
      %swap3A_883 = vector.shape_cast %swap3A_882 : vector<1x16xf32> to vector<16xf32>
      %swap3A_884 = vector.shape_cast %get3A_870 : vector<16xf32> to vector<1x16xf32>
      tpu.vector_store %arg10[%swap3A_880, %swap3A_881], %swap3A_884 {add = true, strides = array<i32>} : memref<128x128xf32, #tpu.memory_space<vmem>>, vector<1x16xf32>,
      %get3A_885 = arith.index_cast %scan3A_832 : i32 to index
      %get3A_886 = arith.constant 48 : index
      %get3A_887 = tpu.vector_load %arg7[%get3A_885, %get3A_886] {strides = array<i32>} : memref<64x128xf32, #tpu.memory_space<vmem>>, vector<1x16xf32>,
      %get3A_888 = vector.shape_cast %get3A_887 : vector<1x16xf32> to vector<16xf32>
      %add3A_889 = arith.constant 0 : i32
      %add3A_890 = arith.addi %add3A_889, %scan3A_832 : i32
      %swap3A_891 = arith.index_cast %add3A_890 : i32 to index
      %swap3A_892 = arith.constant 48 : index
      %swap3A_893 = tpu.vector_load %arg10[%swap3A_891, %swap3A_892] {strides = array<i32>} : memref<128x128xf32, #tpu.memory_space<vmem>>, vector<1x16xf32>,
      %swap3A_894 = vector.shape_cast %swap3A_893 : vector<1x16xf32> to vector<16xf32>
      %swap3A_895 = vector.shape_cast %get3A_888 : vector<16xf32> to vector<1x16xf32>
      tpu.vector_store %arg10[%swap3A_891, %swap3A_892], %swap3A_895 {add = true, strides = array<i32>} : memref<128x128xf32, #tpu.memory_space<vmem>>, vector<1x16xf32>,
      %add3A_896 = arith.constant 64 : i32
      %add3A_897 = arith.addi %add3A_896, %scan3A_832 : i32
      %swap3A_898 = arith.index_cast %add3A_897 : i32 to index
      %swap3A_899 = arith.constant 48 : index
      %swap3A_900 = tpu.vector_load %arg10[%swap3A_898, %swap3A_899] {strides = array<i32>} : memref<128x128xf32, #tpu.memory_space<vmem>>, vector<1x16xf32>,
      %swap3A_901 = vector.shape_cast %swap3A_900 : vector<1x16xf32> to vector<16xf32>
      %swap3A_902 = vector.shape_cast %get3A_888 : vector<16xf32> to vector<1x16xf32>
      tpu.vector_store %arg10[%swap3A_898, %swap3A_899], %swap3A_902 {add = true, strides = array<i32>} : memref<128x128xf32, #tpu.memory_space<vmem>>, vector<1x16xf32>,
      %get3A_903 = arith.index_cast %scan3A_832 : i32 to index
      %get3A_904 = arith.constant 64 : index
      %get3A_905 = tpu.vector_load %arg7[%get3A_903, %get3A_904] {strides = array<i32>} : memref<64x128xf32, #tpu.memory_space<vmem>>, vector<1x16xf32>,
      %get3A_906 = vector.shape_cast %get3A_905 : vector<1x16xf32> to vector<16xf32>
      %add3A_907 = arith.constant 0 : i32
      %add3A_908 = arith.addi %add3A_907, %scan3A_832 : i32
      %swap3A_909 = arith.index_cast %add3A_908 : i32 to index
      %swap3A_910 = arith.constant 64 : index
      %swap3A_911 = tpu.vector_load %arg10[%swap3A_909, %swap3A_910] {strides = array<i32>} : memref<128x128xf32, #tpu.memory_space<vmem>>, vector<1x16xf32>,
      %swap3A_912 = vector.shape_cast %swap3A_911 : vector<1x16xf32> to vector<16xf32>
      %swap3A_913 = vector.shape_cast %get3A_906 : vector<16xf32> to vector<1x16xf32>
      tpu.vector_store %arg10[%swap3A_909, %swap3A_910], %swap3A_913 {add = true, strides = array<i32>} : memref<128x128xf32, #tpu.memory_space<vmem>>, vector<1x16xf32>,
      %add3A_914 = arith.constant 64 : i32
      %add3A_915 = arith.addi %add3A_914, %scan3A_832 : i32
      %swap3A_916 = arith.index_cast %add3A_915 : i32 to index
      %swap3A_917 = arith.constant 64 : index
      %swap3A_918 = tpu.vector_load %arg10[%swap3A_916, %swap3A_917] {strides = array<i32>} : memref<128x128xf32, #tpu.memory_space<vmem>>, vector<1x16xf32>,
      %swap3A_919 = vector.shape_cast %swap3A_918 : vector<1x16xf32> to vector<16xf32>
      %swap3A_920 = vector.shape_cast %get3A_906 : vector<16xf32> to vector<1x16xf32>
      tpu.vector_store %arg10[%swap3A_916, %swap3A_917], %swap3A_920 {add = true, strides = array<i32>} : memref<128x128xf32, #tpu.memory_space<vmem>>, vector<1x16xf32>,
      %get3A_921 = arith.index_cast %scan3A_832 : i32 to index
      %get3A_922 = arith.constant 80 : index
      %get3A_923 = tpu.vector_load %arg7[%get3A_921, %get3A_922] {strides = array<i32>} : memref<64x128xf32, #tpu.memory_space<vmem>>, vector<1x16xf32>,
      %get3A_924 = vector.shape_cast %get3A_923 : vector<1x16xf32> to vector<16xf32>
      %add3A_925 = arith.constant 0 : i32
      %add3A_926 = arith.addi %add3A_925, %scan3A_832 : i32
      %swap3A_927 = arith.index_cast %add3A_926 : i32 to index
      %swap3A_928 = arith.constant 80 : index
      %swap3A_929 = tpu.vector_load %arg10[%swap3A_927, %swap3A_928] {strides = array<i32>} : memref<128x128xf32, #tpu.memory_space<vmem>>, vector<1x16xf32>,
      %swap3A_930 = vector.shape_cast %swap3A_929 : vector<1x16xf32> to vector<16xf32>
      %swap3A_931 = vector.shape_cast %get3A_924 : vector<16xf32> to vector<1x16xf32>
      tpu.vector_store %arg10[%swap3A_927, %swap3A_928], %swap3A_931 {add = true, strides = array<i32>} : memref<128x128xf32, #tpu.memory_space<vmem>>, vector<1x16xf32>,
      %add3A_932 = arith.constant 64 : i32
      %add3A_933 = arith.addi %add3A_932, %scan3A_832 : i32
      %swap3A_934 = arith.index_cast %add3A_933 : i32 to index
      %swap3A_935 = arith.constant 80 : index
      %swap3A_936 = tpu.vector_load %arg10[%swap3A_934, %swap3A_935] {strides = array<i32>} : memref<128x128xf32, #tpu.memory_space<vmem>>, vector<1x16xf32>,
      %swap3A_937 = vector.shape_cast %swap3A_936 : vector<1x16xf32> to vector<16xf32>
      %swap3A_938 = vector.shape_cast %get3A_924 : vector<16xf32> to vector<1x16xf32>
      tpu.vector_store %arg10[%swap3A_934, %swap3A_935], %swap3A_938 {add = true, strides = array<i32>} : memref<128x128xf32, #tpu.memory_space<vmem>>, vector<1x16xf32>,
      %get3A_939 = arith.index_cast %scan3A_832 : i32 to index
      %get3A_940 = arith.constant 96 : index
      %get3A_941 = tpu.vector_load %arg7[%get3A_939, %get3A_940] {strides = array<i32>} : memref<64x128xf32, #tpu.memory_space<vmem>>, vector<1x16xf32>,
      %get3A_942 = vector.shape_cast %get3A_941 : vector<1x16xf32> to vector<16xf32>
      %add3A_943 = arith.constant 0 : i32
      %add3A_944 = arith.addi %add3A_943, %scan3A_832 : i32
      %swap3A_945 = arith.index_cast %add3A_944 : i32 to index
      %swap3A_946 = arith.constant 96 : index
      %swap3A_947 = tpu.vector_load %arg10[%swap3A_945, %swap3A_946] {strides = array<i32>} : memref<128x128xf32, #tpu.memory_space<vmem>>, vector<1x16xf32>,
      %swap3A_948 = vector.shape_cast %swap3A_947 : vector<1x16xf32> to vector<16xf32>
      %swap3A_949 = vector.shape_cast %get3A_942 : vector<16xf32> to vector<1x16xf32>
      tpu.vector_store %arg10[%swap3A_945, %swap3A_946], %swap3A_949 {add = true, strides = array<i32>} : memref<128x128xf32, #tpu.memory_space<vmem>>, vector<1x16xf32>,
      %add3A_950 = arith.constant 64 : i32
      %add3A_951 = arith.addi %add3A_950, %scan3A_832 : i32
      %swap3A_952 = arith.index_cast %add3A_951 : i32 to index
      %swap3A_953 = arith.constant 96 : index
      %swap3A_954 = tpu.vector_load %arg10[%swap3A_952, %swap3A_953] {strides = array<i32>} : memref<128x128xf32, #tpu.memory_space<vmem>>, vector<1x16xf32>,
      %swap3A_955 = vector.shape_cast %swap3A_954 : vector<1x16xf32> to vector<16xf32>
      %swap3A_956 = vector.shape_cast %get3A_942 : vector<16xf32> to vector<1x16xf32>
      tpu.vector_store %arg10[%swap3A_952, %swap3A_953], %swap3A_956 {add = true, strides = array<i32>} : memref<128x128xf32, #tpu.memory_space<vmem>>, vector<1x16xf32>,
      %get3A_957 = arith.index_cast %scan3A_832 : i32 to index
      %get3A_958 = arith.constant 112 : index
      %get3A_959 = tpu.vector_load %arg7[%get3A_957, %get3A_958] {strides = array<i32>} : memref<64x128xf32, #tpu.memory_space<vmem>>, vector<1x16xf32>,
      %get3A_960 = vector.shape_cast %get3A_959 : vector<1x16xf32> to vector<16xf32>
      %add3A_961 = arith.constant 0 : i32
      %add3A_962 = arith.addi %add3A_961, %scan3A_832 : i32
      %swap3A_963 = arith.index_cast %add3A_962 : i32 to index
      %swap3A_964 = arith.constant 112 : index
      %swap3A_965 = tpu.vector_load %arg10[%swap3A_963, %swap3A_964] {strides = array<i32>} : memref<128x128xf32, #tpu.memory_space<vmem>>, vector<1x16xf32>,
      %swap3A_966 = vector.shape_cast %swap3A_965 : vector<1x16xf32> to vector<16xf32>
      %swap3A_967 = vector.shape_cast %get3A_960 : vector<16xf32> to vector<1x16xf32>
      tpu.vector_store %arg10[%swap3A_963, %swap3A_964], %swap3A_967 {add = true, strides = array<i32>} : memref<128x128xf32, #tpu.memory_space<vmem>>, vector<1x16xf32>,
      %add3A_968 = arith.constant 64 : i32
      %add3A_969 = arith.addi %add3A_968, %scan3A_832 : i32
      %swap3A_970 = arith.index_cast %add3A_969 : i32 to index
      %swap3A_971 = arith.constant 112 : index
      %swap3A_972 = tpu.vector_load %arg10[%swap3A_970, %swap3A_971] {strides = array<i32>} : memref<128x128xf32, #tpu.memory_space<vmem>>, vector<1x16xf32>,
      %swap3A_973 = vector.shape_cast %swap3A_972 : vector<1x16xf32> to vector<16xf32>
      %swap3A_974 = vector.shape_cast %get3A_960 : vector<16xf32> to vector<1x16xf32>
      tpu.vector_store %arg10[%swap3A_970, %swap3A_971], %swap3A_974 {add = true, strides = array<i32>} : memref<128x128xf32, #tpu.memory_space<vmem>>, vector<1x16xf32>,
    }
    %scan3A_407 = arith.constant 64 : i32
    %dma_start3A_408 = arith.constant 4 : i32
    %dma_start3A_409 = arith.constant 0 : i32
    %dma_start3A_410 = arith.constant 0 : i32
    %dma_start3A_411 = tpu.memref_slice %arg10[%dma_start3A_409, %dma_start3A_410] : memref<128x128xf32, #tpu.memory_space<vmem>> -> memref<64x128xf32, #tpu.memory_space<vmem>>
    %dma_start3A_412 = arith.constant 0 : i32
    %dma_start3A_413 = tpu.memref_slice %arg5[%dma_start3A_408, %mul3A_2, %dma_start3A_412] : memref<16x2048x128xf32, #tpu.memory_space<hbm>> -> memref<1x64x128xf32, #tpu.memory_space<hbm>>
    %dma_start3A_414 = tpu.memref_squeeze %dma_start3A_413 : memref<1x64x128xf32, #tpu.memory_space<hbm>> -> memref<64x128xf32, #tpu.memory_space<hbm>>
    %dma_start3A_415 = arith.constant 0 : i32
    %dma_start3A_416 = tpu.memref_slice %arg5[%dma_start3A_408, %mul3A_2, %dma_start3A_415] : memref<16x2048x128xf32, #tpu.memory_space<hbm>> -> memref<1x64x128xf32, #tpu.memory_space<hbm>>
    %dma_start3A_417 = tpu.memref_squeeze %dma_start3A_416 : memref<1x64x128xf32, #tpu.memory_space<hbm>> -> memref<64x128xf32, #tpu.memory_space<hbm>>
    %dma_start3A_418 = arith.constant 0 : i32
    %dma_start3A_419 = arith.constant 0 : i32
    %dma_start3A_420 = tpu.memref_slice %arg10[%dma_start3A_418, %dma_start3A_419] : memref<128x128xf32, #tpu.memory_space<vmem>> -> memref<64x128xf32, #tpu.memory_space<vmem>>
    tpu.enqueue_dma source(%dma_start3A_420 : memref<64x128xf32, #tpu.memory_space<vmem>>) target(%dma_start3A_417 : memref<64x128xf32, #tpu.memory_space<hbm>>) target_semaphore(%arg24 : memref<!tpu.dma_semaphore, #tpu.memory_space<semaphore_mem>>)
    %dma_start3A_421 = arith.constant 5 : i32
    %dma_start3A_422 = arith.constant 64 : i32
    %dma_start3A_423 = arith.constant 0 : i32
    %dma_start3A_424 = tpu.memref_slice %arg10[%dma_start3A_422, %dma_start3A_423] : memref<128x128xf32, #tpu.memory_space<vmem>> -> memref<64x128xf32, #tpu.memory_space<vmem>>
    %dma_start3A_425 = arith.constant 0 : i32
    %dma_start3A_426 = tpu.memref_slice %arg5[%dma_start3A_421, %mul3A_2, %dma_start3A_425] : memref<16x2048x128xf32, #tpu.memory_space<hbm>> -> memref<1x64x128xf32, #tpu.memory_space<hbm>>
    %dma_start3A_427 = tpu.memref_squeeze %dma_start3A_426 : memref<1x64x128xf32, #tpu.memory_space<hbm>> -> memref<64x128xf32, #tpu.memory_space<hbm>>
    %dma_start3A_428 = arith.constant 0 : i32
    %dma_start3A_429 = tpu.memref_slice %arg5[%dma_start3A_421, %mul3A_2, %dma_start3A_428] : memref<16x2048x128xf32, #tpu.memory_space<hbm>> -> memref<1x64x128xf32, #tpu.memory_space<hbm>>
    %dma_start3A_430 = tpu.memref_squeeze %dma_start3A_429 : memref<1x64x128xf32, #tpu.memory_space<hbm>> -> memref<64x128xf32, #tpu.memory_space<hbm>>
    %dma_start3A_431 = arith.constant 64 : i32
    %dma_start3A_432 = arith.constant 0 : i32
    %dma_start3A_433 = tpu.memref_slice %arg10[%dma_start3A_431, %dma_start3A_432] : memref<128x128xf32, #tpu.memory_space<vmem>> -> memref<64x128xf32, #tpu.memory_space<vmem>>
    tpu.enqueue_dma source(%dma_start3A_433 : memref<64x128xf32, #tpu.memory_space<vmem>>) target(%dma_start3A_430 : memref<64x128xf32, #tpu.memory_space<hbm>>) target_semaphore(%arg24 : memref<!tpu.dma_semaphore, #tpu.memory_space<semaphore_mem>>)
    %dma_wait3A_434 = arith.constant 0 : i32
    %dma_wait3A_435 = arith.constant 0 : i32
    %dma_wait3A_436 = arith.constant 0 : i32
    %dma_wait3A_437 = tpu.memref_slice %arg8[%dma_wait3A_435, %dma_wait3A_436] : memref<128x128xf32, #tpu.memory_space<vmem>> -> memref<64x128xf32, #tpu.memory_space<vmem>>
    %dma_wait3A_438 = arith.constant 0 : i32
    %dma_wait3A_439 = tpu.memref_slice %arg5[%dma_wait3A_434, %mul3A_2, %dma_wait3A_438] : memref<16x2048x128xf32, #tpu.memory_space<hbm>> -> memref<1x64x128xf32, #tpu.memory_space<hbm>>
    %dma_wait3A_440 = tpu.memref_squeeze %dma_wait3A_439 : memref<1x64x128xf32, #tpu.memory_space<hbm>> -> memref<64x128xf32, #tpu.memory_space<hbm>>
    %dma_wait3A_441 = arith.constant 0 : i32
    %dma_wait3A_442 = tpu.memref_slice %arg5[%dma_wait3A_434, %mul3A_2, %dma_wait3A_441] : memref<16x2048x128xf32, #tpu.memory_space<hbm>> -> memref<1x64x128xf32, #tpu.memory_space<hbm>>
    %dma_wait3A_443 = tpu.memref_squeeze %dma_wait3A_442 : memref<1x64x128xf32, #tpu.memory_space<hbm>> -> memref<64x128xf32, #tpu.memory_space<hbm>>
    %dma_wait3A_444 = arith.constant 0 : i32
    %dma_wait3A_445 = arith.constant 0 : i32
    %dma_wait3A_446 = tpu.memref_slice %arg8[%dma_wait3A_444, %dma_wait3A_445] : memref<128x128xf32, #tpu.memory_space<vmem>> -> memref<64x128xf32, #tpu.memory_space<vmem>>
    tpu.wait_dma2 semaphore(%arg22 : memref<!tpu.dma_semaphore, #tpu.memory_space<semaphore_mem>>) src(%dma_wait3A_446 : memref<64x128xf32, #tpu.memory_space<vmem>>) dst(%dma_wait3A_443 : memref<64x128xf32, #tpu.memory_space<hbm>>)
    %dma_wait3A_447 = arith.constant 1 : i32
    %dma_wait3A_448 = arith.constant 64 : i32
    %dma_wait3A_449 = arith.constant 0 : i32
    %dma_wait3A_450 = tpu.memref_slice %arg8[%dma_wait3A_448, %dma_wait3A_449] : memref<128x128xf32, #tpu.memory_space<vmem>> -> memref<64x128xf32, #tpu.memory_space<vmem>>
    %dma_wait3A_451 = arith.constant 0 : i32
    %dma_wait3A_452 = tpu.memref_slice %arg5[%dma_wait3A_447, %mul3A_2, %dma_wait3A_451] : memref<16x2048x128xf32, #tpu.memory_space<hbm>> -> memref<1x64x128xf32, #tpu.memory_space<hbm>>
    %dma_wait3A_453 = tpu.memref_squeeze %dma_wait3A_452 : memref<1x64x128xf32, #tpu.memory_space<hbm>> -> memref<64x128xf32, #tpu.memory_space<hbm>>
    %dma_wait3A_454 = arith.constant 0 : i32
    %dma_wait3A_455 = tpu.memref_slice %arg5[%dma_wait3A_447, %mul3A_2, %dma_wait3A_454] : memref<16x2048x128xf32, #tpu.memory_space<hbm>> -> memref<1x64x128xf32, #tpu.memory_space<hbm>>
    %dma_wait3A_456 = tpu.memref_squeeze %dma_wait3A_455 : memref<1x64x128xf32, #tpu.memory_space<hbm>> -> memref<64x128xf32, #tpu.memory_space<hbm>>
    %dma_wait3A_457 = arith.constant 64 : i32
    %dma_wait3A_458 = arith.constant 0 : i32
    %dma_wait3A_459 = tpu.memref_slice %arg8[%dma_wait3A_457, %dma_wait3A_458] : memref<128x128xf32, #tpu.memory_space<vmem>> -> memref<64x128xf32, #tpu.memory_space<vmem>>
    tpu.wait_dma2 semaphore(%arg22 : memref<!tpu.dma_semaphore, #tpu.memory_space<semaphore_mem>>) src(%dma_wait3A_459 : memref<64x128xf32, #tpu.memory_space<vmem>>) dst(%dma_wait3A_456 : memref<64x128xf32, #tpu.memory_space<hbm>>)
    %dma_start3A_460 = arith.constant 896 : i32
    %dma_start3A_461 = tpu.memref_slice %arg6[%dma_start3A_460] : memref<1024xi32, #tpu.memory_space<vmem>> -> memref<128xi32, #tpu.memory_space<vmem>>
    %dma_start3A_462 = arith.constant 0 : i32
    %dma_start3A_463 = arith.constant 0 : i32
    %dma_start3A_464 = tpu.memref_slice %arg3[%dma_start3A_462, %dma_start3A_463] : memref<100000x128xf32, #tpu.memory_space<hbm>> -> memref<100000x128xf32, #tpu.memory_space<hbm>>
    tpu.enqueue_indirect_dma source(%dma_start3A_464 : memref<100000x128xf32, #tpu.memory_space<hbm>>) target(%arg8 : memref<128x128xf32, #tpu.memory_space<vmem>>) offsets(%dma_start3A_461 : memref<128xi32, #tpu.memory_space<vmem>>) semaphore(%arg15 : memref<!tpu.dma_semaphore, #tpu.memory_space<semaphore_mem>>)
    %dma_wait3A_465 = arith.constant 384 : i32
    %dma_wait3A_466 = tpu.memref_slice %arg6[%dma_wait3A_465] : memref<1024xi32, #tpu.memory_space<vmem>> -> memref<128xi32, #tpu.memory_space<vmem>>
    %dma_wait3A_467 = arith.constant 0 : i32
    %dma_wait3A_468 = arith.constant 0 : i32
    %dma_wait3A_469 = tpu.memref_slice %arg3[%dma_wait3A_467, %dma_wait3A_468] : memref<100000x128xf32, #tpu.memory_space<hbm>> -> memref<100000x128xf32, #tpu.memory_space<hbm>>
    tpu.wait_indirect_dma semaphore(%arg18 : memref<!tpu.dma_semaphore, #tpu.memory_space<semaphore_mem>>) src(%dma_wait3A_469 : memref<100000x128xf32, #tpu.memory_space<hbm>>) dst(%arg11 : memref<128x128xf32, #tpu.memory_space<vmem>>)
    %scan3A_470 = arith.constant 0 : i32
    %scan3A_471 = arith.constant 0 : i32
    %scan3A_472 = arith.constant 64 : i32
    %scan3A_473 = arith.addi %scan3A_471, %scan3A_472 : i32
    %scan3A_474 = arith.constant 1 : i32
    scf.for %scan3A_832 = %scan3A_471 to %scan3A_473 step %scan3A_474  : i32 {
      %get3A = arith.index_cast %scan3A_832 : i32 to index
      %get3A_833 = arith.constant 0 : index
      %get3A_834 = tpu.vector_load %arg7[%get3A, %get3A_833] {strides = array<i32>} : memref<64x128xf32, #tpu.memory_space<vmem>>, vector<1x16xf32>,
      %get3A_835 = vector.shape_cast %get3A_834 : vector<1x16xf32> to vector<16xf32>
      %add3A_836 = arith.constant 0 : i32
      %add3A_837 = arith.addi %add3A_836, %scan3A_832 : i32
      %swap3A = arith.index_cast %add3A_837 : i32 to index
      %swap3A_838 = arith.constant 0 : index
      %swap3A_839 = tpu.vector_load %arg11[%swap3A, %swap3A_838] {strides = array<i32>} : memref<128x128xf32, #tpu.memory_space<vmem>>, vector<1x16xf32>,
      %swap3A_840 = vector.shape_cast %swap3A_839 : vector<1x16xf32> to vector<16xf32>
      %swap3A_841 = vector.shape_cast %get3A_835 : vector<16xf32> to vector<1x16xf32>
      tpu.vector_store %arg11[%swap3A, %swap3A_838], %swap3A_841 {add = true, strides = array<i32>} : memref<128x128xf32, #tpu.memory_space<vmem>>, vector<1x16xf32>,
      %add3A_842 = arith.constant 64 : i32
      %add3A_843 = arith.addi %add3A_842, %scan3A_832 : i32
      %swap3A_844 = arith.index_cast %add3A_843 : i32 to index
      %swap3A_845 = arith.constant 0 : index
      %swap3A_846 = tpu.vector_load %arg11[%swap3A_844, %swap3A_845] {strides = array<i32>} : memref<128x128xf32, #tpu.memory_space<vmem>>, vector<1x16xf32>,
      %swap3A_847 = vector.shape_cast %swap3A_846 : vector<1x16xf32> to vector<16xf32>
      %swap3A_848 = vector.shape_cast %get3A_835 : vector<16xf32> to vector<1x16xf32>
      tpu.vector_store %arg11[%swap3A_844, %swap3A_845], %swap3A_848 {add = true, strides = array<i32>} : memref<128x128xf32, #tpu.memory_space<vmem>>, vector<1x16xf32>,
      %get3A_849 = arith.index_cast %scan3A_832 : i32 to index
      %get3A_850 = arith.constant 16 : index
      %get3A_851 = tpu.vector_load %arg7[%get3A_849, %get3A_850] {strides = array<i32>} : memref<64x128xf32, #tpu.memory_space<vmem>>, vector<1x16xf32>,
      %get3A_852 = vector.shape_cast %get3A_851 : vector<1x16xf32> to vector<16xf32>
      %add3A_853 = arith.constant 0 : i32
      %add3A_854 = arith.addi %add3A_853, %scan3A_832 : i32
      %swap3A_855 = arith.index_cast %add3A_854 : i32 to index
      %swap3A_856 = arith.constant 16 : index
      %swap3A_857 = tpu.vector_load %arg11[%swap3A_855, %swap3A_856] {strides = array<i32>} : memref<128x128xf32, #tpu.memory_space<vmem>>, vector<1x16xf32>,
      %swap3A_858 = vector.shape_cast %swap3A_857 : vector<1x16xf32> to vector<16xf32>
      %swap3A_859 = vector.shape_cast %get3A_852 : vector<16xf32> to vector<1x16xf32>
      tpu.vector_store %arg11[%swap3A_855, %swap3A_856], %swap3A_859 {add = true, strides = array<i32>} : memref<128x128xf32, #tpu.memory_space<vmem>>, vector<1x16xf32>,
      %add3A_860 = arith.constant 64 : i32
      %add3A_861 = arith.addi %add3A_860, %scan3A_832 : i32
      %swap3A_862 = arith.index_cast %add3A_861 : i32 to index
      %swap3A_863 = arith.constant 16 : index
      %swap3A_864 = tpu.vector_load %arg11[%swap3A_862, %swap3A_863] {strides = array<i32>} : memref<128x128xf32, #tpu.memory_space<vmem>>, vector<1x16xf32>,
      %swap3A_865 = vector.shape_cast %swap3A_864 : vector<1x16xf32> to vector<16xf32>
      %swap3A_866 = vector.shape_cast %get3A_852 : vector<16xf32> to vector<1x16xf32>
      tpu.vector_store %arg11[%swap3A_862, %swap3A_863], %swap3A_866 {add = true, strides = array<i32>} : memref<128x128xf32, #tpu.memory_space<vmem>>, vector<1x16xf32>,
      %get3A_867 = arith.index_cast %scan3A_832 : i32 to index
      %get3A_868 = arith.constant 32 : index
      %get3A_869 = tpu.vector_load %arg7[%get3A_867, %get3A_868] {strides = array<i32>} : memref<64x128xf32, #tpu.memory_space<vmem>>, vector<1x16xf32>,
      %get3A_870 = vector.shape_cast %get3A_869 : vector<1x16xf32> to vector<16xf32>
      %add3A_871 = arith.constant 0 : i32
      %add3A_872 = arith.addi %add3A_871, %scan3A_832 : i32
      %swap3A_873 = arith.index_cast %add3A_872 : i32 to index
      %swap3A_874 = arith.constant 32 : index
      %swap3A_875 = tpu.vector_load %arg11[%swap3A_873, %swap3A_874] {strides = array<i32>} : memref<128x128xf32, #tpu.memory_space<vmem>>, vector<1x16xf32>,
      %swap3A_876 = vector.shape_cast %swap3A_875 : vector<1x16xf32> to vector<16xf32>
      %swap3A_877 = vector.shape_cast %get3A_870 : vector<16xf32> to vector<1x16xf32>
      tpu.vector_store %arg11[%swap3A_873, %swap3A_874], %swap3A_877 {add = true, strides = array<i32>} : memref<128x128xf32, #tpu.memory_space<vmem>>, vector<1x16xf32>,
      %add3A_878 = arith.constant 64 : i32
      %add3A_879 = arith.addi %add3A_878, %scan3A_832 : i32
      %swap3A_880 = arith.index_cast %add3A_879 : i32 to index
      %swap3A_881 = arith.constant 32 : index
      %swap3A_882 = tpu.vector_load %arg11[%swap3A_880, %swap3A_881] {strides = array<i32>} : memref<128x128xf32, #tpu.memory_space<vmem>>, vector<1x16xf32>,
      %swap3A_883 = vector.shape_cast %swap3A_882 : vector<1x16xf32> to vector<16xf32>
      %swap3A_884 = vector.shape_cast %get3A_870 : vector<16xf32> to vector<1x16xf32>
      tpu.vector_store %arg11[%swap3A_880, %swap3A_881], %swap3A_884 {add = true, strides = array<i32>} : memref<128x128xf32, #tpu.memory_space<vmem>>, vector<1x16xf32>,
      %get3A_885 = arith.index_cast %scan3A_832 : i32 to index
      %get3A_886 = arith.constant 48 : index
      %get3A_887 = tpu.vector_load %arg7[%get3A_885, %get3A_886] {strides = array<i32>} : memref<64x128xf32, #tpu.memory_space<vmem>>, vector<1x16xf32>,
      %get3A_888 = vector.shape_cast %get3A_887 : vector<1x16xf32> to vector<16xf32>
      %add3A_889 = arith.constant 0 : i32
      %add3A_890 = arith.addi %add3A_889, %scan3A_832 : i32
      %swap3A_891 = arith.index_cast %add3A_890 : i32 to index
      %swap3A_892 = arith.constant 48 : index
      %swap3A_893 = tpu.vector_load %arg11[%swap3A_891, %swap3A_892] {strides = array<i32>} : memref<128x128xf32, #tpu.memory_space<vmem>>, vector<1x16xf32>,
      %swap3A_894 = vector.shape_cast %swap3A_893 : vector<1x16xf32> to vector<16xf32>
      %swap3A_895 = vector.shape_cast %get3A_888 : vector<16xf32> to vector<1x16xf32>
      tpu.vector_store %arg11[%swap3A_891, %swap3A_892], %swap3A_895 {add = true, strides = array<i32>} : memref<128x128xf32, #tpu.memory_space<vmem>>, vector<1x16xf32>,
      %add3A_896 = arith.constant 64 : i32
      %add3A_897 = arith.addi %add3A_896, %scan3A_832 : i32
      %swap3A_898 = arith.index_cast %add3A_897 : i32 to index
      %swap3A_899 = arith.constant 48 : index
      %swap3A_900 = tpu.vector_load %arg11[%swap3A_898, %swap3A_899] {strides = array<i32>} : memref<128x128xf32, #tpu.memory_space<vmem>>, vector<1x16xf32>,
      %swap3A_901 = vector.shape_cast %swap3A_900 : vector<1x16xf32> to vector<16xf32>
      %swap3A_902 = vector.shape_cast %get3A_888 : vector<16xf32> to vector<1x16xf32>
      tpu.vector_store %arg11[%swap3A_898, %swap3A_899], %swap3A_902 {add = true, strides = array<i32>} : memref<128x128xf32, #tpu.memory_space<vmem>>, vector<1x16xf32>,
      %get3A_903 = arith.index_cast %scan3A_832 : i32 to index
      %get3A_904 = arith.constant 64 : index
      %get3A_905 = tpu.vector_load %arg7[%get3A_903, %get3A_904] {strides = array<i32>} : memref<64x128xf32, #tpu.memory_space<vmem>>, vector<1x16xf32>,
      %get3A_906 = vector.shape_cast %get3A_905 : vector<1x16xf32> to vector<16xf32>
      %add3A_907 = arith.constant 0 : i32
      %add3A_908 = arith.addi %add3A_907, %scan3A_832 : i32
      %swap3A_909 = arith.index_cast %add3A_908 : i32 to index
      %swap3A_910 = arith.constant 64 : index
      %swap3A_911 = tpu.vector_load %arg11[%swap3A_909, %swap3A_910] {strides = array<i32>} : memref<128x128xf32, #tpu.memory_space<vmem>>, vector<1x16xf32>,
      %swap3A_912 = vector.shape_cast %swap3A_911 : vector<1x16xf32> to vector<16xf32>
      %swap3A_913 = vector.shape_cast %get3A_906 : vector<16xf32> to vector<1x16xf32>
      tpu.vector_store %arg11[%swap3A_909, %swap3A_910], %swap3A_913 {add = true, strides = array<i32>} : memref<128x128xf32, #tpu.memory_space<vmem>>, vector<1x16xf32>,
      %add3A_914 = arith.constant 64 : i32
      %add3A_915 = arith.addi %add3A_914, %scan3A_832 : i32
      %swap3A_916 = arith.index_cast %add3A_915 : i32 to index
      %swap3A_917 = arith.constant 64 : index
      %swap3A_918 = tpu.vector_load %arg11[%swap3A_916, %swap3A_917] {strides = array<i32>} : memref<128x128xf32, #tpu.memory_space<vmem>>, vector<1x16xf32>,
      %swap3A_919 = vector.shape_cast %swap3A_918 : vector<1x16xf32> to vector<16xf32>
      %swap3A_920 = vector.shape_cast %get3A_906 : vector<16xf32> to vector<1x16xf32>
      tpu.vector_store %arg11[%swap3A_916, %swap3A_917], %swap3A_920 {add = true, strides = array<i32>} : memref<128x128xf32, #tpu.memory_space<vmem>>, vector<1x16xf32>,
      %get3A_921 = arith.index_cast %scan3A_832 : i32 to index
      %get3A_922 = arith.constant 80 : index
      %get3A_923 = tpu.vector_load %arg7[%get3A_921, %get3A_922] {strides = array<i32>} : memref<64x128xf32, #tpu.memory_space<vmem>>, vector<1x16xf32>,
      %get3A_924 = vector.shape_cast %get3A_923 : vector<1x16xf32> to vector<16xf32>
      %add3A_925 = arith.constant 0 : i32
      %add3A_926 = arith.addi %add3A_925, %scan3A_832 : i32
      %swap3A_927 = arith.index_cast %add3A_926 : i32 to index
      %swap3A_928 = arith.constant 80 : index
      %swap3A_929 = tpu.vector_load %arg11[%swap3A_927, %swap3A_928] {strides = array<i32>} : memref<128x128xf32, #tpu.memory_space<vmem>>, vector<1x16xf32>,
      %swap3A_930 = vector.shape_cast %swap3A_929 : vector<1x16xf32> to vector<16xf32>
      %swap3A_931 = vector.shape_cast %get3A_924 : vector<16xf32> to vector<1x16xf32>
      tpu.vector_store %arg11[%swap3A_927, %swap3A_928], %swap3A_931 {add = true, strides = array<i32>} : memref<128x128xf32, #tpu.memory_space<vmem>>, vector<1x16xf32>,
      %add3A_932 = arith.constant 64 : i32
      %add3A_933 = arith.addi %add3A_932, %scan3A_832 : i32
      %swap3A_934 = arith.index_cast %add3A_933 : i32 to index
      %swap3A_935 = arith.constant 80 : index
      %swap3A_936 = tpu.vector_load %arg11[%swap3A_934, %swap3A_935] {strides = array<i32>} : memref<128x128xf32, #tpu.memory_space<vmem>>, vector<1x16xf32>,
      %swap3A_937 = vector.shape_cast %swap3A_936 : vector<1x16xf32> to vector<16xf32>
      %swap3A_938 = vector.shape_cast %get3A_924 : vector<16xf32> to vector<1x16xf32>
      tpu.vector_store %arg11[%swap3A_934, %swap3A_935], %swap3A_938 {add = true, strides = array<i32>} : memref<128x128xf32, #tpu.memory_space<vmem>>, vector<1x16xf32>,
      %get3A_939 = arith.index_cast %scan3A_832 : i32 to index
      %get3A_940 = arith.constant 96 : index
      %get3A_941 = tpu.vector_load %arg7[%get3A_939, %get3A_940] {strides = array<i32>} : memref<64x128xf32, #tpu.memory_space<vmem>>, vector<1x16xf32>,
      %get3A_942 = vector.shape_cast %get3A_941 : vector<1x16xf32> to vector<16xf32>
      %add3A_943 = arith.constant 0 : i32
      %add3A_944 = arith.addi %add3A_943, %scan3A_832 : i32
      %swap3A_945 = arith.index_cast %add3A_944 : i32 to index
      %swap3A_946 = arith.constant 96 : index
      %swap3A_947 = tpu.vector_load %arg11[%swap3A_945, %swap3A_946] {strides = array<i32>} : memref<128x128xf32, #tpu.memory_space<vmem>>, vector<1x16xf32>,
      %swap3A_948 = vector.shape_cast %swap3A_947 : vector<1x16xf32> to vector<16xf32>
      %swap3A_949 = vector.shape_cast %get3A_942 : vector<16xf32> to vector<1x16xf32>
      tpu.vector_store %arg11[%swap3A_945, %swap3A_946], %swap3A_949 {add = true, strides = array<i32>} : memref<128x128xf32, #tpu.memory_space<vmem>>, vector<1x16xf32>,
      %add3A_950 = arith.constant 64 : i32
      %add3A_951 = arith.addi %add3A_950, %scan3A_832 : i32
      %swap3A_952 = arith.index_cast %add3A_951 : i32 to index
      %swap3A_953 = arith.constant 96 : index
      %swap3A_954 = tpu.vector_load %arg11[%swap3A_952, %swap3A_953] {strides = array<i32>} : memref<128x128xf32, #tpu.memory_space<vmem>>, vector<1x16xf32>,
      %swap3A_955 = vector.shape_cast %swap3A_954 : vector<1x16xf32> to vector<16xf32>
      %swap3A_956 = vector.shape_cast %get3A_942 : vector<16xf32> to vector<1x16xf32>
      tpu.vector_store %arg11[%swap3A_952, %swap3A_953], %swap3A_956 {add = true, strides = array<i32>} : memref<128x128xf32, #tpu.memory_space<vmem>>, vector<1x16xf32>,
      %get3A_957 = arith.index_cast %scan3A_832 : i32 to index
      %get3A_958 = arith.constant 112 : index
      %get3A_959 = tpu.vector_load %arg7[%get3A_957, %get3A_958] {strides = array<i32>} : memref<64x128xf32, #tpu.memory_space<vmem>>, vector<1x16xf32>,
      %get3A_960 = vector.shape_cast %get3A_959 : vector<1x16xf32> to vector<16xf32>
      %add3A_961 = arith.constant 0 : i32
      %add3A_962 = arith.addi %add3A_961, %scan3A_832 : i32
      %swap3A_963 = arith.index_cast %add3A_962 : i32 to index
      %swap3A_964 = arith.constant 112 : index
      %swap3A_965 = tpu.vector_load %arg11[%swap3A_963, %swap3A_964] {strides = array<i32>} : memref<128x128xf32, #tpu.memory_space<vmem>>, vector<1x16xf32>,
      %swap3A_966 = vector.shape_cast %swap3A_965 : vector<1x16xf32> to vector<16xf32>
      %swap3A_967 = vector.shape_cast %get3A_960 : vector<16xf32> to vector<1x16xf32>
      tpu.vector_store %arg11[%swap3A_963, %swap3A_964], %swap3A_967 {add = true, strides = array<i32>} : memref<128x128xf32, #tpu.memory_space<vmem>>, vector<1x16xf32>,
      %add3A_968 = arith.constant 64 : i32
      %add3A_969 = arith.addi %add3A_968, %scan3A_832 : i32
      %swap3A_970 = arith.index_cast %add3A_969 : i32 to index
      %swap3A_971 = arith.constant 112 : index
      %swap3A_972 = tpu.vector_load %arg11[%swap3A_970, %swap3A_971] {strides = array<i32>} : memref<128x128xf32, #tpu.memory_space<vmem>>, vector<1x16xf32>,
      %swap3A_973 = vector.shape_cast %swap3A_972 : vector<1x16xf32> to vector<16xf32>
      %swap3A_974 = vector.shape_cast %get3A_960 : vector<16xf32> to vector<1x16xf32>
      tpu.vector_store %arg11[%swap3A_970, %swap3A_971], %swap3A_974 {add = true, strides = array<i32>} : memref<128x128xf32, #tpu.memory_space<vmem>>, vector<1x16xf32>,
    }
    %scan3A_475 = arith.constant 64 : i32
    %dma_start3A_476 = arith.constant 6 : i32
    %dma_start3A_477 = arith.constant 0 : i32
    %dma_start3A_478 = arith.constant 0 : i32
    %dma_start3A_479 = tpu.memref_slice %arg11[%dma_start3A_477, %dma_start3A_478] : memref<128x128xf32, #tpu.memory_space<vmem>> -> memref<64x128xf32, #tpu.memory_space<vmem>>
    %dma_start3A_480 = arith.constant 0 : i32
    %dma_start3A_481 = tpu.memref_slice %arg5[%dma_start3A_476, %mul3A_2, %dma_start3A_480] : memref<16x2048x128xf32, #tpu.memory_space<hbm>> -> memref<1x64x128xf32, #tpu.memory_space<hbm>>
    %dma_start3A_482 = tpu.memref_squeeze %dma_start3A_481 : memref<1x64x128xf32, #tpu.memory_space<hbm>> -> memref<64x128xf32, #tpu.memory_space<hbm>>
    %dma_start3A_483 = arith.constant 0 : i32
    %dma_start3A_484 = tpu.memref_slice %arg5[%dma_start3A_476, %mul3A_2, %dma_start3A_483] : memref<16x2048x128xf32, #tpu.memory_space<hbm>> -> memref<1x64x128xf32, #tpu.memory_space<hbm>>
    %dma_start3A_485 = tpu.memref_squeeze %dma_start3A_484 : memref<1x64x128xf32, #tpu.memory_space<hbm>> -> memref<64x128xf32, #tpu.memory_space<hbm>>
    %dma_start3A_486 = arith.constant 0 : i32
    %dma_start3A_487 = arith.constant 0 : i32
    %dma_start3A_488 = tpu.memref_slice %arg11[%dma_start3A_486, %dma_start3A_487] : memref<128x128xf32, #tpu.memory_space<vmem>> -> memref<64x128xf32, #tpu.memory_space<vmem>>
    tpu.enqueue_dma source(%dma_start3A_488 : memref<64x128xf32, #tpu.memory_space<vmem>>) target(%dma_start3A_485 : memref<64x128xf32, #tpu.memory_space<hbm>>) target_semaphore(%arg25 : memref<!tpu.dma_semaphore, #tpu.memory_space<semaphore_mem>>)
    %dma_start3A_489 = arith.constant 7 : i32
    %dma_start3A_490 = arith.constant 64 : i32
    %dma_start3A_491 = arith.constant 0 : i32
    %dma_start3A_492 = tpu.memref_slice %arg11[%dma_start3A_490, %dma_start3A_491] : memref<128x128xf32, #tpu.memory_space<vmem>> -> memref<64x128xf32, #tpu.memory_space<vmem>>
    %dma_start3A_493 = arith.constant 0 : i32
    %dma_start3A_494 = tpu.memref_slice %arg5[%dma_start3A_489, %mul3A_2, %dma_start3A_493] : memref<16x2048x128xf32, #tpu.memory_space<hbm>> -> memref<1x64x128xf32, #tpu.memory_space<hbm>>
    %dma_start3A_495 = tpu.memref_squeeze %dma_start3A_494 : memref<1x64x128xf32, #tpu.memory_space<hbm>> -> memref<64x128xf32, #tpu.memory_space<hbm>>
    %dma_start3A_496 = arith.constant 0 : i32
    %dma_start3A_497 = tpu.memref_slice %arg5[%dma_start3A_489, %mul3A_2, %dma_start3A_496] : memref<16x2048x128xf32, #tpu.memory_space<hbm>> -> memref<1x64x128xf32, #tpu.memory_space<hbm>>
    %dma_start3A_498 = tpu.memref_squeeze %dma_start3A_497 : memref<1x64x128xf32, #tpu.memory_space<hbm>> -> memref<64x128xf32, #tpu.memory_space<hbm>>
    %dma_start3A_499 = arith.constant 64 : i32
    %dma_start3A_500 = arith.constant 0 : i32
    %dma_start3A_501 = tpu.memref_slice %arg11[%dma_start3A_499, %dma_start3A_500] : memref<128x128xf32, #tpu.memory_space<vmem>> -> memref<64x128xf32, #tpu.memory_space<vmem>>
    tpu.enqueue_dma source(%dma_start3A_501 : memref<64x128xf32, #tpu.memory_space<vmem>>) target(%dma_start3A_498 : memref<64x128xf32, #tpu.memory_space<hbm>>) target_semaphore(%arg25 : memref<!tpu.dma_semaphore, #tpu.memory_space<semaphore_mem>>)
    %dma_wait3A_502 = arith.constant 512 : i32
    %dma_wait3A_503 = tpu.memref_slice %arg6[%dma_wait3A_502] : memref<1024xi32, #tpu.memory_space<vmem>> -> memref<128xi32, #tpu.memory_space<vmem>>
    %dma_wait3A_504 = arith.constant 0 : i32
    %dma_wait3A_505 = arith.constant 0 : i32
    %dma_wait3A_506 = tpu.memref_slice %arg3[%dma_wait3A_504, %dma_wait3A_505] : memref<100000x128xf32, #tpu.memory_space<hbm>> -> memref<100000x128xf32, #tpu.memory_space<hbm>>
    tpu.wait_indirect_dma semaphore(%arg19 : memref<!tpu.dma_semaphore, #tpu.memory_space<semaphore_mem>>) src(%dma_wait3A_506 : memref<100000x128xf32, #tpu.memory_space<hbm>>) dst(%arg12 : memref<128x128xf32, #tpu.memory_space<vmem>>)
    %scan3A_507 = arith.constant 0 : i32
    %scan3A_508 = arith.constant 0 : i32
    %scan3A_509 = arith.constant 64 : i32
    %scan3A_510 = arith.addi %scan3A_508, %scan3A_509 : i32
    %scan3A_511 = arith.constant 1 : i32
    scf.for %scan3A_832 = %scan3A_508 to %scan3A_510 step %scan3A_511  : i32 {
      %get3A = arith.index_cast %scan3A_832 : i32 to index
      %get3A_833 = arith.constant 0 : index
      %get3A_834 = tpu.vector_load %arg7[%get3A, %get3A_833] {strides = array<i32>} : memref<64x128xf32, #tpu.memory_space<vmem>>, vector<1x16xf32>,
      %get3A_835 = vector.shape_cast %get3A_834 : vector<1x16xf32> to vector<16xf32>
      %add3A_836 = arith.constant 0 : i32
      %add3A_837 = arith.addi %add3A_836, %scan3A_832 : i32
      %swap3A = arith.index_cast %add3A_837 : i32 to index
      %swap3A_838 = arith.constant 0 : index
      %swap3A_839 = tpu.vector_load %arg12[%swap3A, %swap3A_838] {strides = array<i32>} : memref<128x128xf32, #tpu.memory_space<vmem>>, vector<1x16xf32>,
      %swap3A_840 = vector.shape_cast %swap3A_839 : vector<1x16xf32> to vector<16xf32>
      %swap3A_841 = vector.shape_cast %get3A_835 : vector<16xf32> to vector<1x16xf32>
      tpu.vector_store %arg12[%swap3A, %swap3A_838], %swap3A_841 {add = true, strides = array<i32>} : memref<128x128xf32, #tpu.memory_space<vmem>>, vector<1x16xf32>,
      %add3A_842 = arith.constant 64 : i32
      %add3A_843 = arith.addi %add3A_842, %scan3A_832 : i32
      %swap3A_844 = arith.index_cast %add3A_843 : i32 to index
      %swap3A_845 = arith.constant 0 : index
      %swap3A_846 = tpu.vector_load %arg12[%swap3A_844, %swap3A_845] {strides = array<i32>} : memref<128x128xf32, #tpu.memory_space<vmem>>, vector<1x16xf32>,
      %swap3A_847 = vector.shape_cast %swap3A_846 : vector<1x16xf32> to vector<16xf32>
      %swap3A_848 = vector.shape_cast %get3A_835 : vector<16xf32> to vector<1x16xf32>
      tpu.vector_store %arg12[%swap3A_844, %swap3A_845], %swap3A_848 {add = true, strides = array<i32>} : memref<128x128xf32, #tpu.memory_space<vmem>>, vector<1x16xf32>,
      %get3A_849 = arith.index_cast %scan3A_832 : i32 to index
      %get3A_850 = arith.constant 16 : index
      %get3A_851 = tpu.vector_load %arg7[%get3A_849, %get3A_850] {strides = array<i32>} : memref<64x128xf32, #tpu.memory_space<vmem>>, vector<1x16xf32>,
      %get3A_852 = vector.shape_cast %get3A_851 : vector<1x16xf32> to vector<16xf32>
      %add3A_853 = arith.constant 0 : i32
      %add3A_854 = arith.addi %add3A_853, %scan3A_832 : i32
      %swap3A_855 = arith.index_cast %add3A_854 : i32 to index
      %swap3A_856 = arith.constant 16 : index
      %swap3A_857 = tpu.vector_load %arg12[%swap3A_855, %swap3A_856] {strides = array<i32>} : memref<128x128xf32, #tpu.memory_space<vmem>>, vector<1x16xf32>,
      %swap3A_858 = vector.shape_cast %swap3A_857 : vector<1x16xf32> to vector<16xf32>
      %swap3A_859 = vector.shape_cast %get3A_852 : vector<16xf32> to vector<1x16xf32>
      tpu.vector_store %arg12[%swap3A_855, %swap3A_856], %swap3A_859 {add = true, strides = array<i32>} : memref<128x128xf32, #tpu.memory_space<vmem>>, vector<1x16xf32>,
      %add3A_860 = arith.constant 64 : i32
      %add3A_861 = arith.addi %add3A_860, %scan3A_832 : i32
      %swap3A_862 = arith.index_cast %add3A_861 : i32 to index
      %swap3A_863 = arith.constant 16 : index
      %swap3A_864 = tpu.vector_load %arg12[%swap3A_862, %swap3A_863] {strides = array<i32>} : memref<128x128xf32, #tpu.memory_space<vmem>>, vector<1x16xf32>,
      %swap3A_865 = vector.shape_cast %swap3A_864 : vector<1x16xf32> to vector<16xf32>
      %swap3A_866 = vector.shape_cast %get3A_852 : vector<16xf32> to vector<1x16xf32>
      tpu.vector_store %arg12[%swap3A_862, %swap3A_863], %swap3A_866 {add = true, strides = array<i32>} : memref<128x128xf32, #tpu.memory_space<vmem>>, vector<1x16xf32>,
      %get3A_867 = arith.index_cast %scan3A_832 : i32 to index
      %get3A_868 = arith.constant 32 : index
      %get3A_869 = tpu.vector_load %arg7[%get3A_867, %get3A_868] {strides = array<i32>} : memref<64x128xf32, #tpu.memory_space<vmem>>, vector<1x16xf32>,
      %get3A_870 = vector.shape_cast %get3A_869 : vector<1x16xf32> to vector<16xf32>
      %add3A_871 = arith.constant 0 : i32
      %add3A_872 = arith.addi %add3A_871, %scan3A_832 : i32
      %swap3A_873 = arith.index_cast %add3A_872 : i32 to index
      %swap3A_874 = arith.constant 32 : index
      %swap3A_875 = tpu.vector_load %arg12[%swap3A_873, %swap3A_874] {strides = array<i32>} : memref<128x128xf32, #tpu.memory_space<vmem>>, vector<1x16xf32>,
      %swap3A_876 = vector.shape_cast %swap3A_875 : vector<1x16xf32> to vector<16xf32>
      %swap3A_877 = vector.shape_cast %get3A_870 : vector<16xf32> to vector<1x16xf32>
      tpu.vector_store %arg12[%swap3A_873, %swap3A_874], %swap3A_877 {add = true, strides = array<i32>} : memref<128x128xf32, #tpu.memory_space<vmem>>, vector<1x16xf32>,
      %add3A_878 = arith.constant 64 : i32
      %add3A_879 = arith.addi %add3A_878, %scan3A_832 : i32
      %swap3A_880 = arith.index_cast %add3A_879 : i32 to index
      %swap3A_881 = arith.constant 32 : index
      %swap3A_882 = tpu.vector_load %arg12[%swap3A_880, %swap3A_881] {strides = array<i32>} : memref<128x128xf32, #tpu.memory_space<vmem>>, vector<1x16xf32>,
      %swap3A_883 = vector.shape_cast %swap3A_882 : vector<1x16xf32> to vector<16xf32>
      %swap3A_884 = vector.shape_cast %get3A_870 : vector<16xf32> to vector<1x16xf32>
      tpu.vector_store %arg12[%swap3A_880, %swap3A_881], %swap3A_884 {add = true, strides = array<i32>} : memref<128x128xf32, #tpu.memory_space<vmem>>, vector<1x16xf32>,
      %get3A_885 = arith.index_cast %scan3A_832 : i32 to index
      %get3A_886 = arith.constant 48 : index
      %get3A_887 = tpu.vector_load %arg7[%get3A_885, %get3A_886] {strides = array<i32>} : memref<64x128xf32, #tpu.memory_space<vmem>>, vector<1x16xf32>,
      %get3A_888 = vector.shape_cast %get3A_887 : vector<1x16xf32> to vector<16xf32>
      %add3A_889 = arith.constant 0 : i32
      %add3A_890 = arith.addi %add3A_889, %scan3A_832 : i32
      %swap3A_891 = arith.index_cast %add3A_890 : i32 to index
      %swap3A_892 = arith.constant 48 : index
      %swap3A_893 = tpu.vector_load %arg12[%swap3A_891, %swap3A_892] {strides = array<i32>} : memref<128x128xf32, #tpu.memory_space<vmem>>, vector<1x16xf32>,
      %swap3A_894 = vector.shape_cast %swap3A_893 : vector<1x16xf32> to vector<16xf32>
      %swap3A_895 = vector.shape_cast %get3A_888 : vector<16xf32> to vector<1x16xf32>
      tpu.vector_store %arg12[%swap3A_891, %swap3A_892], %swap3A_895 {add = true, strides = array<i32>} : memref<128x128xf32, #tpu.memory_space<vmem>>, vector<1x16xf32>,
      %add3A_896 = arith.constant 64 : i32
      %add3A_897 = arith.addi %add3A_896, %scan3A_832 : i32
      %swap3A_898 = arith.index_cast %add3A_897 : i32 to index
      %swap3A_899 = arith.constant 48 : index
      %swap3A_900 = tpu.vector_load %arg12[%swap3A_898, %swap3A_899] {strides = array<i32>} : memref<128x128xf32, #tpu.memory_space<vmem>>, vector<1x16xf32>,
      %swap3A_901 = vector.shape_cast %swap3A_900 : vector<1x16xf32> to vector<16xf32>
      %swap3A_902 = vector.shape_cast %get3A_888 : vector<16xf32> to vector<1x16xf32>
      tpu.vector_store %arg12[%swap3A_898, %swap3A_899], %swap3A_902 {add = true, strides = array<i32>} : memref<128x128xf32, #tpu.memory_space<vmem>>, vector<1x16xf32>,
      %get3A_903 = arith.index_cast %scan3A_832 : i32 to index
      %get3A_904 = arith.constant 64 : index
      %get3A_905 = tpu.vector_load %arg7[%get3A_903, %get3A_904] {strides = array<i32>} : memref<64x128xf32, #tpu.memory_space<vmem>>, vector<1x16xf32>,
      %get3A_906 = vector.shape_cast %get3A_905 : vector<1x16xf32> to vector<16xf32>
      %add3A_907 = arith.constant 0 : i32
      %add3A_908 = arith.addi %add3A_907, %scan3A_832 : i32
      %swap3A_909 = arith.index_cast %add3A_908 : i32 to index
      %swap3A_910 = arith.constant 64 : index
      %swap3A_911 = tpu.vector_load %arg12[%swap3A_909, %swap3A_910] {strides = array<i32>} : memref<128x128xf32, #tpu.memory_space<vmem>>, vector<1x16xf32>,
      %swap3A_912 = vector.shape_cast %swap3A_911 : vector<1x16xf32> to vector<16xf32>
      %swap3A_913 = vector.shape_cast %get3A_906 : vector<16xf32> to vector<1x16xf32>
      tpu.vector_store %arg12[%swap3A_909, %swap3A_910], %swap3A_913 {add = true, strides = array<i32>} : memref<128x128xf32, #tpu.memory_space<vmem>>, vector<1x16xf32>,
      %add3A_914 = arith.constant 64 : i32
      %add3A_915 = arith.addi %add3A_914, %scan3A_832 : i32
      %swap3A_916 = arith.index_cast %add3A_915 : i32 to index
      %swap3A_917 = arith.constant 64 : index
      %swap3A_918 = tpu.vector_load %arg12[%swap3A_916, %swap3A_917] {strides = array<i32>} : memref<128x128xf32, #tpu.memory_space<vmem>>, vector<1x16xf32>,
      %swap3A_919 = vector.shape_cast %swap3A_918 : vector<1x16xf32> to vector<16xf32>
      %swap3A_920 = vector.shape_cast %get3A_906 : vector<16xf32> to vector<1x16xf32>
      tpu.vector_store %arg12[%swap3A_916, %swap3A_917], %swap3A_920 {add = true, strides = array<i32>} : memref<128x128xf32, #tpu.memory_space<vmem>>, vector<1x16xf32>,
      %get3A_921 = arith.index_cast %scan3A_832 : i32 to index
      %get3A_922 = arith.constant 80 : index
      %get3A_923 = tpu.vector_load %arg7[%get3A_921, %get3A_922] {strides = array<i32>} : memref<64x128xf32, #tpu.memory_space<vmem>>, vector<1x16xf32>,
      %get3A_924 = vector.shape_cast %get3A_923 : vector<1x16xf32> to vector<16xf32>
      %add3A_925 = arith.constant 0 : i32
      %add3A_926 = arith.addi %add3A_925, %scan3A_832 : i32
      %swap3A_927 = arith.index_cast %add3A_926 : i32 to index
      %swap3A_928 = arith.constant 80 : index
      %swap3A_929 = tpu.vector_load %arg12[%swap3A_927, %swap3A_928] {strides = array<i32>} : memref<128x128xf32, #tpu.memory_space<vmem>>, vector<1x16xf32>,
      %swap3A_930 = vector.shape_cast %swap3A_929 : vector<1x16xf32> to vector<16xf32>
      %swap3A_931 = vector.shape_cast %get3A_924 : vector<16xf32> to vector<1x16xf32>
      tpu.vector_store %arg12[%swap3A_927, %swap3A_928], %swap3A_931 {add = true, strides = array<i32>} : memref<128x128xf32, #tpu.memory_space<vmem>>, vector<1x16xf32>,
      %add3A_932 = arith.constant 64 : i32
      %add3A_933 = arith.addi %add3A_932, %scan3A_832 : i32
      %swap3A_934 = arith.index_cast %add3A_933 : i32 to index
      %swap3A_935 = arith.constant 80 : index
      %swap3A_936 = tpu.vector_load %arg12[%swap3A_934, %swap3A_935] {strides = array<i32>} : memref<128x128xf32, #tpu.memory_space<vmem>>, vector<1x16xf32>,
      %swap3A_937 = vector.shape_cast %swap3A_936 : vector<1x16xf32> to vector<16xf32>
      %swap3A_938 = vector.shape_cast %get3A_924 : vector<16xf32> to vector<1x16xf32>
      tpu.vector_store %arg12[%swap3A_934, %swap3A_935], %swap3A_938 {add = true, strides = array<i32>} : memref<128x128xf32, #tpu.memory_space<vmem>>, vector<1x16xf32>,
      %get3A_939 = arith.index_cast %scan3A_832 : i32 to index
      %get3A_940 = arith.constant 96 : index
      %get3A_941 = tpu.vector_load %arg7[%get3A_939, %get3A_940] {strides = array<i32>} : memref<64x128xf32, #tpu.memory_space<vmem>>, vector<1x16xf32>,
      %get3A_942 = vector.shape_cast %get3A_941 : vector<1x16xf32> to vector<16xf32>
      %add3A_943 = arith.constant 0 : i32
      %add3A_944 = arith.addi %add3A_943, %scan3A_832 : i32
      %swap3A_945 = arith.index_cast %add3A_944 : i32 to index
      %swap3A_946 = arith.constant 96 : index
      %swap3A_947 = tpu.vector_load %arg12[%swap3A_945, %swap3A_946] {strides = array<i32>} : memref<128x128xf32, #tpu.memory_space<vmem>>, vector<1x16xf32>,
      %swap3A_948 = vector.shape_cast %swap3A_947 : vector<1x16xf32> to vector<16xf32>
      %swap3A_949 = vector.shape_cast %get3A_942 : vector<16xf32> to vector<1x16xf32>
      tpu.vector_store %arg12[%swap3A_945, %swap3A_946], %swap3A_949 {add = true, strides = array<i32>} : memref<128x128xf32, #tpu.memory_space<vmem>>, vector<1x16xf32>,
      %add3A_950 = arith.constant 64 : i32
      %add3A_951 = arith.addi %add3A_950, %scan3A_832 : i32
      %swap3A_952 = arith.index_cast %add3A_951 : i32 to index
      %swap3A_953 = arith.constant 96 : index
      %swap3A_954 = tpu.vector_load %arg12[%swap3A_952, %swap3A_953] {strides = array<i32>} : memref<128x128xf32, #tpu.memory_space<vmem>>, vector<1x16xf32>,
      %swap3A_955 = vector.shape_cast %swap3A_954 : vector<1x16xf32> to vector<16xf32>
      %swap3A_956 = vector.shape_cast %get3A_942 : vector<16xf32> to vector<1x16xf32>
      tpu.vector_store %arg12[%swap3A_952, %swap3A_953], %swap3A_956 {add = true, strides = array<i32>} : memref<128x128xf32, #tpu.memory_space<vmem>>, vector<1x16xf32>,
      %get3A_957 = arith.index_cast %scan3A_832 : i32 to index
      %get3A_958 = arith.constant 112 : index
      %get3A_959 = tpu.vector_load %arg7[%get3A_957, %get3A_958] {strides = array<i32>} : memref<64x128xf32, #tpu.memory_space<vmem>>, vector<1x16xf32>,
      %get3A_960 = vector.shape_cast %get3A_959 : vector<1x16xf32> to vector<16xf32>
      %add3A_961 = arith.constant 0 : i32
      %add3A_962 = arith.addi %add3A_961, %scan3A_832 : i32
      %swap3A_963 = arith.index_cast %add3A_962 : i32 to index
      %swap3A_964 = arith.constant 112 : index
      %swap3A_965 = tpu.vector_load %arg12[%swap3A_963, %swap3A_964] {strides = array<i32>} : memref<128x128xf32, #tpu.memory_space<vmem>>, vector<1x16xf32>,
      %swap3A_966 = vector.shape_cast %swap3A_965 : vector<1x16xf32> to vector<16xf32>
      %swap3A_967 = vector.shape_cast %get3A_960 : vector<16xf32> to vector<1x16xf32>
      tpu.vector_store %arg12[%swap3A_963, %swap3A_964], %swap3A_967 {add = true, strides = array<i32>} : memref<128x128xf32, #tpu.memory_space<vmem>>, vector<1x16xf32>,
      %add3A_968 = arith.constant 64 : i32
      %add3A_969 = arith.addi %add3A_968, %scan3A_832 : i32
      %swap3A_970 = arith.index_cast %add3A_969 : i32 to index
      %swap3A_971 = arith.constant 112 : index
      %swap3A_972 = tpu.vector_load %arg12[%swap3A_970, %swap3A_971] {strides = array<i32>} : memref<128x128xf32, #tpu.memory_space<vmem>>, vector<1x16xf32>,
      %swap3A_973 = vector.shape_cast %swap3A_972 : vector<1x16xf32> to vector<16xf32>
      %swap3A_974 = vector.shape_cast %get3A_960 : vector<16xf32> to vector<1x16xf32>
      tpu.vector_store %arg12[%swap3A_970, %swap3A_971], %swap3A_974 {add = true, strides = array<i32>} : memref<128x128xf32, #tpu.memory_space<vmem>>, vector<1x16xf32>,
    }
    %scan3A_512 = arith.constant 64 : i32
    %dma_start3A_513 = arith.constant 8 : i32
    %dma_start3A_514 = arith.constant 0 : i32
    %dma_start3A_515 = arith.constant 0 : i32
    %dma_start3A_516 = tpu.memref_slice %arg12[%dma_start3A_514, %dma_start3A_515] : memref<128x128xf32, #tpu.memory_space<vmem>> -> memref<64x128xf32, #tpu.memory_space<vmem>>
    %dma_start3A_517 = arith.constant 0 : i32
    %dma_start3A_518 = tpu.memref_slice %arg5[%dma_start3A_513, %mul3A_2, %dma_start3A_517] : memref<16x2048x128xf32, #tpu.memory_space<hbm>> -> memref<1x64x128xf32, #tpu.memory_space<hbm>>
    %dma_start3A_519 = tpu.memref_squeeze %dma_start3A_518 : memref<1x64x128xf32, #tpu.memory_space<hbm>> -> memref<64x128xf32, #tpu.memory_space<hbm>>
    %dma_start3A_520 = arith.constant 0 : i32
    %dma_start3A_521 = tpu.memref_slice %arg5[%dma_start3A_513, %mul3A_2, %dma_start3A_520] : memref<16x2048x128xf32, #tpu.memory_space<hbm>> -> memref<1x64x128xf32, #tpu.memory_space<hbm>>
    %dma_start3A_522 = tpu.memref_squeeze %dma_start3A_521 : memref<1x64x128xf32, #tpu.memory_space<hbm>> -> memref<64x128xf32, #tpu.memory_space<hbm>>
    %dma_start3A_523 = arith.constant 0 : i32
    %dma_start3A_524 = arith.constant 0 : i32
    %dma_start3A_525 = tpu.memref_slice %arg12[%dma_start3A_523, %dma_start3A_524] : memref<128x128xf32, #tpu.memory_space<vmem>> -> memref<64x128xf32, #tpu.memory_space<vmem>>
    tpu.enqueue_dma source(%dma_start3A_525 : memref<64x128xf32, #tpu.memory_space<vmem>>) target(%dma_start3A_522 : memref<64x128xf32, #tpu.memory_space<hbm>>) target_semaphore(%arg26 : memref<!tpu.dma_semaphore, #tpu.memory_space<semaphore_mem>>)
    %dma_start3A_526 = arith.constant 9 : i32
    %dma_start3A_527 = arith.constant 64 : i32
    %dma_start3A_528 = arith.constant 0 : i32
    %dma_start3A_529 = tpu.memref_slice %arg12[%dma_start3A_527, %dma_start3A_528] : memref<128x128xf32, #tpu.memory_space<vmem>> -> memref<64x128xf32, #tpu.memory_space<vmem>>
    %dma_start3A_530 = arith.constant 0 : i32
    %dma_start3A_531 = tpu.memref_slice %arg5[%dma_start3A_526, %mul3A_2, %dma_start3A_530] : memref<16x2048x128xf32, #tpu.memory_space<hbm>> -> memref<1x64x128xf32, #tpu.memory_space<hbm>>
    %dma_start3A_532 = tpu.memref_squeeze %dma_start3A_531 : memref<1x64x128xf32, #tpu.memory_space<hbm>> -> memref<64x128xf32, #tpu.memory_space<hbm>>
    %dma_start3A_533 = arith.constant 0 : i32
    %dma_start3A_534 = tpu.memref_slice %arg5[%dma_start3A_526, %mul3A_2, %dma_start3A_533] : memref<16x2048x128xf32, #tpu.memory_space<hbm>> -> memref<1x64x128xf32, #tpu.memory_space<hbm>>
    %dma_start3A_535 = tpu.memref_squeeze %dma_start3A_534 : memref<1x64x128xf32, #tpu.memory_space<hbm>> -> memref<64x128xf32, #tpu.memory_space<hbm>>
    %dma_start3A_536 = arith.constant 64 : i32
    %dma_start3A_537 = arith.constant 0 : i32
    %dma_start3A_538 = tpu.memref_slice %arg12[%dma_start3A_536, %dma_start3A_537] : memref<128x128xf32, #tpu.memory_space<vmem>> -> memref<64x128xf32, #tpu.memory_space<vmem>>
    tpu.enqueue_dma source(%dma_start3A_538 : memref<64x128xf32, #tpu.memory_space<vmem>>) target(%dma_start3A_535 : memref<64x128xf32, #tpu.memory_space<hbm>>) target_semaphore(%arg26 : memref<!tpu.dma_semaphore, #tpu.memory_space<semaphore_mem>>)
    %dma_wait3A_539 = arith.constant 640 : i32
    %dma_wait3A_540 = tpu.memref_slice %arg6[%dma_wait3A_539] : memref<1024xi32, #tpu.memory_space<vmem>> -> memref<128xi32, #tpu.memory_space<vmem>>
    %dma_wait3A_541 = arith.constant 0 : i32
    %dma_wait3A_542 = arith.constant 0 : i32
    %dma_wait3A_543 = tpu.memref_slice %arg3[%dma_wait3A_541, %dma_wait3A_542] : memref<100000x128xf32, #tpu.memory_space<hbm>> -> memref<100000x128xf32, #tpu.memory_space<hbm>>
    tpu.wait_indirect_dma semaphore(%arg20 : memref<!tpu.dma_semaphore, #tpu.memory_space<semaphore_mem>>) src(%dma_wait3A_543 : memref<100000x128xf32, #tpu.memory_space<hbm>>) dst(%arg13 : memref<128x128xf32, #tpu.memory_space<vmem>>)
    %scan3A_544 = arith.constant 0 : i32
    %scan3A_545 = arith.constant 0 : i32
    %scan3A_546 = arith.constant 64 : i32
    %scan3A_547 = arith.addi %scan3A_545, %scan3A_546 : i32
    %scan3A_548 = arith.constant 1 : i32
    scf.for %scan3A_832 = %scan3A_545 to %scan3A_547 step %scan3A_548  : i32 {
      %get3A = arith.index_cast %scan3A_832 : i32 to index
      %get3A_833 = arith.constant 0 : index
      %get3A_834 = tpu.vector_load %arg7[%get3A, %get3A_833] {strides = array<i32>} : memref<64x128xf32, #tpu.memory_space<vmem>>, vector<1x16xf32>,
      %get3A_835 = vector.shape_cast %get3A_834 : vector<1x16xf32> to vector<16xf32>
      %add3A_836 = arith.constant 0 : i32
      %add3A_837 = arith.addi %add3A_836, %scan3A_832 : i32
      %swap3A = arith.index_cast %add3A_837 : i32 to index
      %swap3A_838 = arith.constant 0 : index
      %swap3A_839 = tpu.vector_load %arg13[%swap3A, %swap3A_838] {strides = array<i32>} : memref<128x128xf32, #tpu.memory_space<vmem>>, vector<1x16xf32>,
      %swap3A_840 = vector.shape_cast %swap3A_839 : vector<1x16xf32> to vector<16xf32>
      %swap3A_841 = vector.shape_cast %get3A_835 : vector<16xf32> to vector<1x16xf32>
      tpu.vector_store %arg13[%swap3A, %swap3A_838], %swap3A_841 {add = true, strides = array<i32>} : memref<128x128xf32, #tpu.memory_space<vmem>>, vector<1x16xf32>,
      %add3A_842 = arith.constant 64 : i32
      %add3A_843 = arith.addi %add3A_842, %scan3A_832 : i32
      %swap3A_844 = arith.index_cast %add3A_843 : i32 to index
      %swap3A_845 = arith.constant 0 : index
      %swap3A_846 = tpu.vector_load %arg13[%swap3A_844, %swap3A_845] {strides = array<i32>} : memref<128x128xf32, #tpu.memory_space<vmem>>, vector<1x16xf32>,
      %swap3A_847 = vector.shape_cast %swap3A_846 : vector<1x16xf32> to vector<16xf32>
      %swap3A_848 = vector.shape_cast %get3A_835 : vector<16xf32> to vector<1x16xf32>
      tpu.vector_store %arg13[%swap3A_844, %swap3A_845], %swap3A_848 {add = true, strides = array<i32>} : memref<128x128xf32, #tpu.memory_space<vmem>>, vector<1x16xf32>,
      %get3A_849 = arith.index_cast %scan3A_832 : i32 to index
      %get3A_850 = arith.constant 16 : index
      %get3A_851 = tpu.vector_load %arg7[%get3A_849, %get3A_850] {strides = array<i32>} : memref<64x128xf32, #tpu.memory_space<vmem>>, vector<1x16xf32>,
      %get3A_852 = vector.shape_cast %get3A_851 : vector<1x16xf32> to vector<16xf32>
      %add3A_853 = arith.constant 0 : i32
      %add3A_854 = arith.addi %add3A_853, %scan3A_832 : i32
      %swap3A_855 = arith.index_cast %add3A_854 : i32 to index
      %swap3A_856 = arith.constant 16 : index
      %swap3A_857 = tpu.vector_load %arg13[%swap3A_855, %swap3A_856] {strides = array<i32>} : memref<128x128xf32, #tpu.memory_space<vmem>>, vector<1x16xf32>,
      %swap3A_858 = vector.shape_cast %swap3A_857 : vector<1x16xf32> to vector<16xf32>
      %swap3A_859 = vector.shape_cast %get3A_852 : vector<16xf32> to vector<1x16xf32>
      tpu.vector_store %arg13[%swap3A_855, %swap3A_856], %swap3A_859 {add = true, strides = array<i32>} : memref<128x128xf32, #tpu.memory_space<vmem>>, vector<1x16xf32>,
      %add3A_860 = arith.constant 64 : i32
      %add3A_861 = arith.addi %add3A_860, %scan3A_832 : i32
      %swap3A_862 = arith.index_cast %add3A_861 : i32 to index
      %swap3A_863 = arith.constant 16 : index
      %swap3A_864 = tpu.vector_load %arg13[%swap3A_862, %swap3A_863] {strides = array<i32>} : memref<128x128xf32, #tpu.memory_space<vmem>>, vector<1x16xf32>,
      %swap3A_865 = vector.shape_cast %swap3A_864 : vector<1x16xf32> to vector<16xf32>
      %swap3A_866 = vector.shape_cast %get3A_852 : vector<16xf32> to vector<1x16xf32>
      tpu.vector_store %arg13[%swap3A_862, %swap3A_863], %swap3A_866 {add = true, strides = array<i32>} : memref<128x128xf32, #tpu.memory_space<vmem>>, vector<1x16xf32>,
      %get3A_867 = arith.index_cast %scan3A_832 : i32 to index
      %get3A_868 = arith.constant 32 : index
      %get3A_869 = tpu.vector_load %arg7[%get3A_867, %get3A_868] {strides = array<i32>} : memref<64x128xf32, #tpu.memory_space<vmem>>, vector<1x16xf32>,
      %get3A_870 = vector.shape_cast %get3A_869 : vector<1x16xf32> to vector<16xf32>
      %add3A_871 = arith.constant 0 : i32
      %add3A_872 = arith.addi %add3A_871, %scan3A_832 : i32
      %swap3A_873 = arith.index_cast %add3A_872 : i32 to index
      %swap3A_874 = arith.constant 32 : index
      %swap3A_875 = tpu.vector_load %arg13[%swap3A_873, %swap3A_874] {strides = array<i32>} : memref<128x128xf32, #tpu.memory_space<vmem>>, vector<1x16xf32>,
      %swap3A_876 = vector.shape_cast %swap3A_875 : vector<1x16xf32> to vector<16xf32>
      %swap3A_877 = vector.shape_cast %get3A_870 : vector<16xf32> to vector<1x16xf32>
      tpu.vector_store %arg13[%swap3A_873, %swap3A_874], %swap3A_877 {add = true, strides = array<i32>} : memref<128x128xf32, #tpu.memory_space<vmem>>, vector<1x16xf32>,
      %add3A_878 = arith.constant 64 : i32
      %add3A_879 = arith.addi %add3A_878, %scan3A_832 : i32
      %swap3A_880 = arith.index_cast %add3A_879 : i32 to index
      %swap3A_881 = arith.constant 32 : index
      %swap3A_882 = tpu.vector_load %arg13[%swap3A_880, %swap3A_881] {strides = array<i32>} : memref<128x128xf32, #tpu.memory_space<vmem>>, vector<1x16xf32>,
      %swap3A_883 = vector.shape_cast %swap3A_882 : vector<1x16xf32> to vector<16xf32>
      %swap3A_884 = vector.shape_cast %get3A_870 : vector<16xf32> to vector<1x16xf32>
      tpu.vector_store %arg13[%swap3A_880, %swap3A_881], %swap3A_884 {add = true, strides = array<i32>} : memref<128x128xf32, #tpu.memory_space<vmem>>, vector<1x16xf32>,
      %get3A_885 = arith.index_cast %scan3A_832 : i32 to index
      %get3A_886 = arith.constant 48 : index
      %get3A_887 = tpu.vector_load %arg7[%get3A_885, %get3A_886] {strides = array<i32>} : memref<64x128xf32, #tpu.memory_space<vmem>>, vector<1x16xf32>,
      %get3A_888 = vector.shape_cast %get3A_887 : vector<1x16xf32> to vector<16xf32>
      %add3A_889 = arith.constant 0 : i32
      %add3A_890 = arith.addi %add3A_889, %scan3A_832 : i32
      %swap3A_891 = arith.index_cast %add3A_890 : i32 to index
      %swap3A_892 = arith.constant 48 : index
      %swap3A_893 = tpu.vector_load %arg13[%swap3A_891, %swap3A_892] {strides = array<i32>} : memref<128x128xf32, #tpu.memory_space<vmem>>, vector<1x16xf32>,
      %swap3A_894 = vector.shape_cast %swap3A_893 : vector<1x16xf32> to vector<16xf32>
      %swap3A_895 = vector.shape_cast %get3A_888 : vector<16xf32> to vector<1x16xf32>
      tpu.vector_store %arg13[%swap3A_891, %swap3A_892], %swap3A_895 {add = true, strides = array<i32>} : memref<128x128xf32, #tpu.memory_space<vmem>>, vector<1x16xf32>,
      %add3A_896 = arith.constant 64 : i32
      %add3A_897 = arith.addi %add3A_896, %scan3A_832 : i32
      %swap3A_898 = arith.index_cast %add3A_897 : i32 to index
      %swap3A_899 = arith.constant 48 : index
      %swap3A_900 = tpu.vector_load %arg13[%swap3A_898, %swap3A_899] {strides = array<i32>} : memref<128x128xf32, #tpu.memory_space<vmem>>, vector<1x16xf32>,
      %swap3A_901 = vector.shape_cast %swap3A_900 : vector<1x16xf32> to vector<16xf32>
      %swap3A_902 = vector.shape_cast %get3A_888 : vector<16xf32> to vector<1x16xf32>
      tpu.vector_store %arg13[%swap3A_898, %swap3A_899], %swap3A_902 {add = true, strides = array<i32>} : memref<128x128xf32, #tpu.memory_space<vmem>>, vector<1x16xf32>,
      %get3A_903 = arith.index_cast %scan3A_832 : i32 to index
      %get3A_904 = arith.constant 64 : index
      %get3A_905 = tpu.vector_load %arg7[%get3A_903, %get3A_904] {strides = array<i32>} : memref<64x128xf32, #tpu.memory_space<vmem>>, vector<1x16xf32>,
      %get3A_906 = vector.shape_cast %get3A_905 : vector<1x16xf32> to vector<16xf32>
      %add3A_907 = arith.constant 0 : i32
      %add3A_908 = arith.addi %add3A_907, %scan3A_832 : i32
      %swap3A_909 = arith.index_cast %add3A_908 : i32 to index
      %swap3A_910 = arith.constant 64 : index
      %swap3A_911 = tpu.vector_load %arg13[%swap3A_909, %swap3A_910] {strides = array<i32>} : memref<128x128xf32, #tpu.memory_space<vmem>>, vector<1x16xf32>,
      %swap3A_912 = vector.shape_cast %swap3A_911 : vector<1x16xf32> to vector<16xf32>
      %swap3A_913 = vector.shape_cast %get3A_906 : vector<16xf32> to vector<1x16xf32>
      tpu.vector_store %arg13[%swap3A_909, %swap3A_910], %swap3A_913 {add = true, strides = array<i32>} : memref<128x128xf32, #tpu.memory_space<vmem>>, vector<1x16xf32>,
      %add3A_914 = arith.constant 64 : i32
      %add3A_915 = arith.addi %add3A_914, %scan3A_832 : i32
      %swap3A_916 = arith.index_cast %add3A_915 : i32 to index
      %swap3A_917 = arith.constant 64 : index
      %swap3A_918 = tpu.vector_load %arg13[%swap3A_916, %swap3A_917] {strides = array<i32>} : memref<128x128xf32, #tpu.memory_space<vmem>>, vector<1x16xf32>,
      %swap3A_919 = vector.shape_cast %swap3A_918 : vector<1x16xf32> to vector<16xf32>
      %swap3A_920 = vector.shape_cast %get3A_906 : vector<16xf32> to vector<1x16xf32>
      tpu.vector_store %arg13[%swap3A_916, %swap3A_917], %swap3A_920 {add = true, strides = array<i32>} : memref<128x128xf32, #tpu.memory_space<vmem>>, vector<1x16xf32>,
      %get3A_921 = arith.index_cast %scan3A_832 : i32 to index
      %get3A_922 = arith.constant 80 : index
      %get3A_923 = tpu.vector_load %arg7[%get3A_921, %get3A_922] {strides = array<i32>} : memref<64x128xf32, #tpu.memory_space<vmem>>, vector<1x16xf32>,
      %get3A_924 = vector.shape_cast %get3A_923 : vector<1x16xf32> to vector<16xf32>
      %add3A_925 = arith.constant 0 : i32
      %add3A_926 = arith.addi %add3A_925, %scan3A_832 : i32
      %swap3A_927 = arith.index_cast %add3A_926 : i32 to index
      %swap3A_928 = arith.constant 80 : index
      %swap3A_929 = tpu.vector_load %arg13[%swap3A_927, %swap3A_928] {strides = array<i32>} : memref<128x128xf32, #tpu.memory_space<vmem>>, vector<1x16xf32>,
      %swap3A_930 = vector.shape_cast %swap3A_929 : vector<1x16xf32> to vector<16xf32>
      %swap3A_931 = vector.shape_cast %get3A_924 : vector<16xf32> to vector<1x16xf32>
      tpu.vector_store %arg13[%swap3A_927, %swap3A_928], %swap3A_931 {add = true, strides = array<i32>} : memref<128x128xf32, #tpu.memory_space<vmem>>, vector<1x16xf32>,
      %add3A_932 = arith.constant 64 : i32
      %add3A_933 = arith.addi %add3A_932, %scan3A_832 : i32
      %swap3A_934 = arith.index_cast %add3A_933 : i32 to index
      %swap3A_935 = arith.constant 80 : index
      %swap3A_936 = tpu.vector_load %arg13[%swap3A_934, %swap3A_935] {strides = array<i32>} : memref<128x128xf32, #tpu.memory_space<vmem>>, vector<1x16xf32>,
      %swap3A_937 = vector.shape_cast %swap3A_936 : vector<1x16xf32> to vector<16xf32>
      %swap3A_938 = vector.shape_cast %get3A_924 : vector<16xf32> to vector<1x16xf32>
      tpu.vector_store %arg13[%swap3A_934, %swap3A_935], %swap3A_938 {add = true, strides = array<i32>} : memref<128x128xf32, #tpu.memory_space<vmem>>, vector<1x16xf32>,
      %get3A_939 = arith.index_cast %scan3A_832 : i32 to index
      %get3A_940 = arith.constant 96 : index
      %get3A_941 = tpu.vector_load %arg7[%get3A_939, %get3A_940] {strides = array<i32>} : memref<64x128xf32, #tpu.memory_space<vmem>>, vector<1x16xf32>,
      %get3A_942 = vector.shape_cast %get3A_941 : vector<1x16xf32> to vector<16xf32>
      %add3A_943 = arith.constant 0 : i32
      %add3A_944 = arith.addi %add3A_943, %scan3A_832 : i32
      %swap3A_945 = arith.index_cast %add3A_944 : i32 to index
      %swap3A_946 = arith.constant 96 : index
      %swap3A_947 = tpu.vector_load %arg13[%swap3A_945, %swap3A_946] {strides = array<i32>} : memref<128x128xf32, #tpu.memory_space<vmem>>, vector<1x16xf32>,
      %swap3A_948 = vector.shape_cast %swap3A_947 : vector<1x16xf32> to vector<16xf32>
      %swap3A_949 = vector.shape_cast %get3A_942 : vector<16xf32> to vector<1x16xf32>
      tpu.vector_store %arg13[%swap3A_945, %swap3A_946], %swap3A_949 {add = true, strides = array<i32>} : memref<128x128xf32, #tpu.memory_space<vmem>>, vector<1x16xf32>,
      %add3A_950 = arith.constant 64 : i32
      %add3A_951 = arith.addi %add3A_950, %scan3A_832 : i32
      %swap3A_952 = arith.index_cast %add3A_951 : i32 to index
      %swap3A_953 = arith.constant 96 : index
      %swap3A_954 = tpu.vector_load %arg13[%swap3A_952, %swap3A_953] {strides = array<i32>} : memref<128x128xf32, #tpu.memory_space<vmem>>, vector<1x16xf32>,
      %swap3A_955 = vector.shape_cast %swap3A_954 : vector<1x16xf32> to vector<16xf32>
      %swap3A_956 = vector.shape_cast %get3A_942 : vector<16xf32> to vector<1x16xf32>
      tpu.vector_store %arg13[%swap3A_952, %swap3A_953], %swap3A_956 {add = true, strides = array<i32>} : memref<128x128xf32, #tpu.memory_space<vmem>>, vector<1x16xf32>,
      %get3A_957 = arith.index_cast %scan3A_832 : i32 to index
      %get3A_958 = arith.constant 112 : index
      %get3A_959 = tpu.vector_load %arg7[%get3A_957, %get3A_958] {strides = array<i32>} : memref<64x128xf32, #tpu.memory_space<vmem>>, vector<1x16xf32>,
      %get3A_960 = vector.shape_cast %get3A_959 : vector<1x16xf32> to vector<16xf32>
      %add3A_961 = arith.constant 0 : i32
      %add3A_962 = arith.addi %add3A_961, %scan3A_832 : i32
      %swap3A_963 = arith.index_cast %add3A_962 : i32 to index
      %swap3A_964 = arith.constant 112 : index
      %swap3A_965 = tpu.vector_load %arg13[%swap3A_963, %swap3A_964] {strides = array<i32>} : memref<128x128xf32, #tpu.memory_space<vmem>>, vector<1x16xf32>,
      %swap3A_966 = vector.shape_cast %swap3A_965 : vector<1x16xf32> to vector<16xf32>
      %swap3A_967 = vector.shape_cast %get3A_960 : vector<16xf32> to vector<1x16xf32>
      tpu.vector_store %arg13[%swap3A_963, %swap3A_964], %swap3A_967 {add = true, strides = array<i32>} : memref<128x128xf32, #tpu.memory_space<vmem>>, vector<1x16xf32>,
      %add3A_968 = arith.constant 64 : i32
      %add3A_969 = arith.addi %add3A_968, %scan3A_832 : i32
      %swap3A_970 = arith.index_cast %add3A_969 : i32 to index
      %swap3A_971 = arith.constant 112 : index
      %swap3A_972 = tpu.vector_load %arg13[%swap3A_970, %swap3A_971] {strides = array<i32>} : memref<128x128xf32, #tpu.memory_space<vmem>>, vector<1x16xf32>,
      %swap3A_973 = vector.shape_cast %swap3A_972 : vector<1x16xf32> to vector<16xf32>
      %swap3A_974 = vector.shape_cast %get3A_960 : vector<16xf32> to vector<1x16xf32>
      tpu.vector_store %arg13[%swap3A_970, %swap3A_971], %swap3A_974 {add = true, strides = array<i32>} : memref<128x128xf32, #tpu.memory_space<vmem>>, vector<1x16xf32>,
    }
    %scan3A_549 = arith.constant 64 : i32
    %dma_start3A_550 = arith.constant 10 : i32
    %dma_start3A_551 = arith.constant 0 : i32
    %dma_start3A_552 = arith.constant 0 : i32
    %dma_start3A_553 = tpu.memref_slice %arg13[%dma_start3A_551, %dma_start3A_552] : memref<128x128xf32, #tpu.memory_space<vmem>> -> memref<64x128xf32, #tpu.memory_space<vmem>>
    %dma_start3A_554 = arith.constant 0 : i32
    %dma_start3A_555 = tpu.memref_slice %arg5[%dma_start3A_550, %mul3A_2, %dma_start3A_554] : memref<16x2048x128xf32, #tpu.memory_space<hbm>> -> memref<1x64x128xf32, #tpu.memory_space<hbm>>
    %dma_start3A_556 = tpu.memref_squeeze %dma_start3A_555 : memref<1x64x128xf32, #tpu.memory_space<hbm>> -> memref<64x128xf32, #tpu.memory_space<hbm>>
    %dma_start3A_557 = arith.constant 0 : i32
    %dma_start3A_558 = tpu.memref_slice %arg5[%dma_start3A_550, %mul3A_2, %dma_start3A_557] : memref<16x2048x128xf32, #tpu.memory_space<hbm>> -> memref<1x64x128xf32, #tpu.memory_space<hbm>>
    %dma_start3A_559 = tpu.memref_squeeze %dma_start3A_558 : memref<1x64x128xf32, #tpu.memory_space<hbm>> -> memref<64x128xf32, #tpu.memory_space<hbm>>
    %dma_start3A_560 = arith.constant 0 : i32
    %dma_start3A_561 = arith.constant 0 : i32
    %dma_start3A_562 = tpu.memref_slice %arg13[%dma_start3A_560, %dma_start3A_561] : memref<128x128xf32, #tpu.memory_space<vmem>> -> memref<64x128xf32, #tpu.memory_space<vmem>>
    tpu.enqueue_dma source(%dma_start3A_562 : memref<64x128xf32, #tpu.memory_space<vmem>>) target(%dma_start3A_559 : memref<64x128xf32, #tpu.memory_space<hbm>>) target_semaphore(%arg27 : memref<!tpu.dma_semaphore, #tpu.memory_space<semaphore_mem>>)
    %dma_start3A_563 = arith.constant 11 : i32
    %dma_start3A_564 = arith.constant 64 : i32
    %dma_start3A_565 = arith.constant 0 : i32
    %dma_start3A_566 = tpu.memref_slice %arg13[%dma_start3A_564, %dma_start3A_565] : memref<128x128xf32, #tpu.memory_space<vmem>> -> memref<64x128xf32, #tpu.memory_space<vmem>>
    %dma_start3A_567 = arith.constant 0 : i32
    %dma_start3A_568 = tpu.memref_slice %arg5[%dma_start3A_563, %mul3A_2, %dma_start3A_567] : memref<16x2048x128xf32, #tpu.memory_space<hbm>> -> memref<1x64x128xf32, #tpu.memory_space<hbm>>
    %dma_start3A_569 = tpu.memref_squeeze %dma_start3A_568 : memref<1x64x128xf32, #tpu.memory_space<hbm>> -> memref<64x128xf32, #tpu.memory_space<hbm>>
    %dma_start3A_570 = arith.constant 0 : i32
    %dma_start3A_571 = tpu.memref_slice %arg5[%dma_start3A_563, %mul3A_2, %dma_start3A_570] : memref<16x2048x128xf32, #tpu.memory_space<hbm>> -> memref<1x64x128xf32, #tpu.memory_space<hbm>>
    %dma_start3A_572 = tpu.memref_squeeze %dma_start3A_571 : memref<1x64x128xf32, #tpu.memory_space<hbm>> -> memref<64x128xf32, #tpu.memory_space<hbm>>
    %dma_start3A_573 = arith.constant 64 : i32
    %dma_start3A_574 = arith.constant 0 : i32
    %dma_start3A_575 = tpu.memref_slice %arg13[%dma_start3A_573, %dma_start3A_574] : memref<128x128xf32, #tpu.memory_space<vmem>> -> memref<64x128xf32, #tpu.memory_space<vmem>>
    tpu.enqueue_dma source(%dma_start3A_575 : memref<64x128xf32, #tpu.memory_space<vmem>>) target(%dma_start3A_572 : memref<64x128xf32, #tpu.memory_space<hbm>>) target_semaphore(%arg27 : memref<!tpu.dma_semaphore, #tpu.memory_space<semaphore_mem>>)
    %dma_wait3A_576 = arith.constant 768 : i32
    %dma_wait3A_577 = tpu.memref_slice %arg6[%dma_wait3A_576] : memref<1024xi32, #tpu.memory_space<vmem>> -> memref<128xi32, #tpu.memory_space<vmem>>
    %dma_wait3A_578 = arith.constant 0 : i32
    %dma_wait3A_579 = arith.constant 0 : i32
    %dma_wait3A_580 = tpu.memref_slice %arg3[%dma_wait3A_578, %dma_wait3A_579] : memref<100000x128xf32, #tpu.memory_space<hbm>> -> memref<100000x128xf32, #tpu.memory_space<hbm>>
    tpu.wait_indirect_dma semaphore(%arg21 : memref<!tpu.dma_semaphore, #tpu.memory_space<semaphore_mem>>) src(%dma_wait3A_580 : memref<100000x128xf32, #tpu.memory_space<hbm>>) dst(%arg14 : memref<128x128xf32, #tpu.memory_space<vmem>>)
    %scan3A_581 = arith.constant 0 : i32
    %scan3A_582 = arith.constant 0 : i32
    %scan3A_583 = arith.constant 64 : i32
    %scan3A_584 = arith.addi %scan3A_582, %scan3A_583 : i32
    %scan3A_585 = arith.constant 1 : i32
    scf.for %scan3A_832 = %scan3A_582 to %scan3A_584 step %scan3A_585  : i32 {
      %get3A = arith.index_cast %scan3A_832 : i32 to index
      %get3A_833 = arith.constant 0 : index
      %get3A_834 = tpu.vector_load %arg7[%get3A, %get3A_833] {strides = array<i32>} : memref<64x128xf32, #tpu.memory_space<vmem>>, vector<1x16xf32>,
      %get3A_835 = vector.shape_cast %get3A_834 : vector<1x16xf32> to vector<16xf32>
      %add3A_836 = arith.constant 0 : i32
      %add3A_837 = arith.addi %add3A_836, %scan3A_832 : i32
      %swap3A = arith.index_cast %add3A_837 : i32 to index
      %swap3A_838 = arith.constant 0 : index
      %swap3A_839 = tpu.vector_load %arg14[%swap3A, %swap3A_838] {strides = array<i32>} : memref<128x128xf32, #tpu.memory_space<vmem>>, vector<1x16xf32>,
      %swap3A_840 = vector.shape_cast %swap3A_839 : vector<1x16xf32> to vector<16xf32>
      %swap3A_841 = vector.shape_cast %get3A_835 : vector<16xf32> to vector<1x16xf32>
      tpu.vector_store %arg14[%swap3A, %swap3A_838], %swap3A_841 {add = true, strides = array<i32>} : memref<128x128xf32, #tpu.memory_space<vmem>>, vector<1x16xf32>,
      %add3A_842 = arith.constant 64 : i32
      %add3A_843 = arith.addi %add3A_842, %scan3A_832 : i32
      %swap3A_844 = arith.index_cast %add3A_843 : i32 to index
      %swap3A_845 = arith.constant 0 : index
      %swap3A_846 = tpu.vector_load %arg14[%swap3A_844, %swap3A_845] {strides = array<i32>} : memref<128x128xf32, #tpu.memory_space<vmem>>, vector<1x16xf32>,
      %swap3A_847 = vector.shape_cast %swap3A_846 : vector<1x16xf32> to vector<16xf32>
      %swap3A_848 = vector.shape_cast %get3A_835 : vector<16xf32> to vector<1x16xf32>
      tpu.vector_store %arg14[%swap3A_844, %swap3A_845], %swap3A_848 {add = true, strides = array<i32>} : memref<128x128xf32, #tpu.memory_space<vmem>>, vector<1x16xf32>,
      %get3A_849 = arith.index_cast %scan3A_832 : i32 to index
      %get3A_850 = arith.constant 16 : index
      %get3A_851 = tpu.vector_load %arg7[%get3A_849, %get3A_850] {strides = array<i32>} : memref<64x128xf32, #tpu.memory_space<vmem>>, vector<1x16xf32>,
      %get3A_852 = vector.shape_cast %get3A_851 : vector<1x16xf32> to vector<16xf32>
      %add3A_853 = arith.constant 0 : i32
      %add3A_854 = arith.addi %add3A_853, %scan3A_832 : i32
      %swap3A_855 = arith.index_cast %add3A_854 : i32 to index
      %swap3A_856 = arith.constant 16 : index
      %swap3A_857 = tpu.vector_load %arg14[%swap3A_855, %swap3A_856] {strides = array<i32>} : memref<128x128xf32, #tpu.memory_space<vmem>>, vector<1x16xf32>,
      %swap3A_858 = vector.shape_cast %swap3A_857 : vector<1x16xf32> to vector<16xf32>
      %swap3A_859 = vector.shape_cast %get3A_852 : vector<16xf32> to vector<1x16xf32>
      tpu.vector_store %arg14[%swap3A_855, %swap3A_856], %swap3A_859 {add = true, strides = array<i32>} : memref<128x128xf32, #tpu.memory_space<vmem>>, vector<1x16xf32>,
      %add3A_860 = arith.constant 64 : i32
      %add3A_861 = arith.addi %add3A_860, %scan3A_832 : i32
      %swap3A_862 = arith.index_cast %add3A_861 : i32 to index
      %swap3A_863 = arith.constant 16 : index
      %swap3A_864 = tpu.vector_load %arg14[%swap3A_862, %swap3A_863] {strides = array<i32>} : memref<128x128xf32, #tpu.memory_space<vmem>>, vector<1x16xf32>,
      %swap3A_865 = vector.shape_cast %swap3A_864 : vector<1x16xf32> to vector<16xf32>
      %swap3A_866 = vector.shape_cast %get3A_852 : vector<16xf32> to vector<1x16xf32>
      tpu.vector_store %arg14[%swap3A_862, %swap3A_863], %swap3A_866 {add = true, strides = array<i32>} : memref<128x128xf32, #tpu.memory_space<vmem>>, vector<1x16xf32>,
      %get3A_867 = arith.index_cast %scan3A_832 : i32 to index
      %get3A_868 = arith.constant 32 : index
      %get3A_869 = tpu.vector_load %arg7[%get3A_867, %get3A_868] {strides = array<i32>} : memref<64x128xf32, #tpu.memory_space<vmem>>, vector<1x16xf32>,
      %get3A_870 = vector.shape_cast %get3A_869 : vector<1x16xf32> to vector<16xf32>
      %add3A_871 = arith.constant 0 : i32
      %add3A_872 = arith.addi %add3A_871, %scan3A_832 : i32
      %swap3A_873 = arith.index_cast %add3A_872 : i32 to index
      %swap3A_874 = arith.constant 32 : index
      %swap3A_875 = tpu.vector_load %arg14[%swap3A_873, %swap3A_874] {strides = array<i32>} : memref<128x128xf32, #tpu.memory_space<vmem>>, vector<1x16xf32>,
      %swap3A_876 = vector.shape_cast %swap3A_875 : vector<1x16xf32> to vector<16xf32>
      %swap3A_877 = vector.shape_cast %get3A_870 : vector<16xf32> to vector<1x16xf32>
      tpu.vector_store %arg14[%swap3A_873, %swap3A_874], %swap3A_877 {add = true, strides = array<i32>} : memref<128x128xf32, #tpu.memory_space<vmem>>, vector<1x16xf32>,
      %add3A_878 = arith.constant 64 : i32
      %add3A_879 = arith.addi %add3A_878, %scan3A_832 : i32
      %swap3A_880 = arith.index_cast %add3A_879 : i32 to index
      %swap3A_881 = arith.constant 32 : index
      %swap3A_882 = tpu.vector_load %arg14[%swap3A_880, %swap3A_881] {strides = array<i32>} : memref<128x128xf32, #tpu.memory_space<vmem>>, vector<1x16xf32>,
      %swap3A_883 = vector.shape_cast %swap3A_882 : vector<1x16xf32> to vector<16xf32>
      %swap3A_884 = vector.shape_cast %get3A_870 : vector<16xf32> to vector<1x16xf32>
      tpu.vector_store %arg14[%swap3A_880, %swap3A_881], %swap3A_884 {add = true, strides = array<i32>} : memref<128x128xf32, #tpu.memory_space<vmem>>, vector<1x16xf32>,
      %get3A_885 = arith.index_cast %scan3A_832 : i32 to index
      %get3A_886 = arith.constant 48 : index
      %get3A_887 = tpu.vector_load %arg7[%get3A_885, %get3A_886] {strides = array<i32>} : memref<64x128xf32, #tpu.memory_space<vmem>>, vector<1x16xf32>,
      %get3A_888 = vector.shape_cast %get3A_887 : vector<1x16xf32> to vector<16xf32>
      %add3A_889 = arith.constant 0 : i32
      %add3A_890 = arith.addi %add3A_889, %scan3A_832 : i32
      %swap3A_891 = arith.index_cast %add3A_890 : i32 to index
      %swap3A_892 = arith.constant 48 : index
      %swap3A_893 = tpu.vector_load %arg14[%swap3A_891, %swap3A_892] {strides = array<i32>} : memref<128x128xf32, #tpu.memory_space<vmem>>, vector<1x16xf32>,
      %swap3A_894 = vector.shape_cast %swap3A_893 : vector<1x16xf32> to vector<16xf32>
      %swap3A_895 = vector.shape_cast %get3A_888 : vector<16xf32> to vector<1x16xf32>
      tpu.vector_store %arg14[%swap3A_891, %swap3A_892], %swap3A_895 {add = true, strides = array<i32>} : memref<128x128xf32, #tpu.memory_space<vmem>>, vector<1x16xf32>,
      %add3A_896 = arith.constant 64 : i32
      %add3A_897 = arith.addi %add3A_896, %scan3A_832 : i32
      %swap3A_898 = arith.index_cast %add3A_897 : i32 to index
      %swap3A_899 = arith.constant 48 : index
      %swap3A_900 = tpu.vector_load %arg14[%swap3A_898, %swap3A_899] {strides = array<i32>} : memref<128x128xf32, #tpu.memory_space<vmem>>, vector<1x16xf32>,
      %swap3A_901 = vector.shape_cast %swap3A_900 : vector<1x16xf32> to vector<16xf32>
      %swap3A_902 = vector.shape_cast %get3A_888 : vector<16xf32> to vector<1x16xf32>
      tpu.vector_store %arg14[%swap3A_898, %swap3A_899], %swap3A_902 {add = true, strides = array<i32>} : memref<128x128xf32, #tpu.memory_space<vmem>>, vector<1x16xf32>,
      %get3A_903 = arith.index_cast %scan3A_832 : i32 to index
      %get3A_904 = arith.constant 64 : index
      %get3A_905 = tpu.vector_load %arg7[%get3A_903, %get3A_904] {strides = array<i32>} : memref<64x128xf32, #tpu.memory_space<vmem>>, vector<1x16xf32>,
      %get3A_906 = vector.shape_cast %get3A_905 : vector<1x16xf32> to vector<16xf32>
      %add3A_907 = arith.constant 0 : i32
      %add3A_908 = arith.addi %add3A_907, %scan3A_832 : i32
      %swap3A_909 = arith.index_cast %add3A_908 : i32 to index
      %swap3A_910 = arith.constant 64 : index
      %swap3A_911 = tpu.vector_load %arg14[%swap3A_909, %swap3A_910] {strides = array<i32>} : memref<128x128xf32, #tpu.memory_space<vmem>>, vector<1x16xf32>,
      %swap3A_912 = vector.shape_cast %swap3A_911 : vector<1x16xf32> to vector<16xf32>
      %swap3A_913 = vector.shape_cast %get3A_906 : vector<16xf32> to vector<1x16xf32>
      tpu.vector_store %arg14[%swap3A_909, %swap3A_910], %swap3A_913 {add = true, strides = array<i32>} : memref<128x128xf32, #tpu.memory_space<vmem>>, vector<1x16xf32>,
      %add3A_914 = arith.constant 64 : i32
      %add3A_915 = arith.addi %add3A_914, %scan3A_832 : i32
      %swap3A_916 = arith.index_cast %add3A_915 : i32 to index
      %swap3A_917 = arith.constant 64 : index
      %swap3A_918 = tpu.vector_load %arg14[%swap3A_916, %swap3A_917] {strides = array<i32>} : memref<128x128xf32, #tpu.memory_space<vmem>>, vector<1x16xf32>,
      %swap3A_919 = vector.shape_cast %swap3A_918 : vector<1x16xf32> to vector<16xf32>
      %swap3A_920 = vector.shape_cast %get3A_906 : vector<16xf32> to vector<1x16xf32>
      tpu.vector_store %arg14[%swap3A_916, %swap3A_917], %swap3A_920 {add = true, strides = array<i32>} : memref<128x128xf32, #tpu.memory_space<vmem>>, vector<1x16xf32>,
      %get3A_921 = arith.index_cast %scan3A_832 : i32 to index
      %get3A_922 = arith.constant 80 : index
      %get3A_923 = tpu.vector_load %arg7[%get3A_921, %get3A_922] {strides = array<i32>} : memref<64x128xf32, #tpu.memory_space<vmem>>, vector<1x16xf32>,
      %get3A_924 = vector.shape_cast %get3A_923 : vector<1x16xf32> to vector<16xf32>
      %add3A_925 = arith.constant 0 : i32
      %add3A_926 = arith.addi %add3A_925, %scan3A_832 : i32
      %swap3A_927 = arith.index_cast %add3A_926 : i32 to index
      %swap3A_928 = arith.constant 80 : index
      %swap3A_929 = tpu.vector_load %arg14[%swap3A_927, %swap3A_928] {strides = array<i32>} : memref<128x128xf32, #tpu.memory_space<vmem>>, vector<1x16xf32>,
      %swap3A_930 = vector.shape_cast %swap3A_929 : vector<1x16xf32> to vector<16xf32>
      %swap3A_931 = vector.shape_cast %get3A_924 : vector<16xf32> to vector<1x16xf32>
      tpu.vector_store %arg14[%swap3A_927, %swap3A_928], %swap3A_931 {add = true, strides = array<i32>} : memref<128x128xf32, #tpu.memory_space<vmem>>, vector<1x16xf32>,
      %add3A_932 = arith.constant 64 : i32
      %add3A_933 = arith.addi %add3A_932, %scan3A_832 : i32
      %swap3A_934 = arith.index_cast %add3A_933 : i32 to index
      %swap3A_935 = arith.constant 80 : index
      %swap3A_936 = tpu.vector_load %arg14[%swap3A_934, %swap3A_935] {strides = array<i32>} : memref<128x128xf32, #tpu.memory_space<vmem>>, vector<1x16xf32>,
      %swap3A_937 = vector.shape_cast %swap3A_936 : vector<1x16xf32> to vector<16xf32>
      %swap3A_938 = vector.shape_cast %get3A_924 : vector<16xf32> to vector<1x16xf32>
      tpu.vector_store %arg14[%swap3A_934, %swap3A_935], %swap3A_938 {add = true, strides = array<i32>} : memref<128x128xf32, #tpu.memory_space<vmem>>, vector<1x16xf32>,
      %get3A_939 = arith.index_cast %scan3A_832 : i32 to index
      %get3A_940 = arith.constant 96 : index
      %get3A_941 = tpu.vector_load %arg7[%get3A_939, %get3A_940] {strides = array<i32>} : memref<64x128xf32, #tpu.memory_space<vmem>>, vector<1x16xf32>,
      %get3A_942 = vector.shape_cast %get3A_941 : vector<1x16xf32> to vector<16xf32>
      %add3A_943 = arith.constant 0 : i32
      %add3A_944 = arith.addi %add3A_943, %scan3A_832 : i32
      %swap3A_945 = arith.index_cast %add3A_944 : i32 to index
      %swap3A_946 = arith.constant 96 : index
      %swap3A_947 = tpu.vector_load %arg14[%swap3A_945, %swap3A_946] {strides = array<i32>} : memref<128x128xf32, #tpu.memory_space<vmem>>, vector<1x16xf32>,
      %swap3A_948 = vector.shape_cast %swap3A_947 : vector<1x16xf32> to vector<16xf32>
      %swap3A_949 = vector.shape_cast %get3A_942 : vector<16xf32> to vector<1x16xf32>
      tpu.vector_store %arg14[%swap3A_945, %swap3A_946], %swap3A_949 {add = true, strides = array<i32>} : memref<128x128xf32, #tpu.memory_space<vmem>>, vector<1x16xf32>,
      %add3A_950 = arith.constant 64 : i32
      %add3A_951 = arith.addi %add3A_950, %scan3A_832 : i32
      %swap3A_952 = arith.index_cast %add3A_951 : i32 to index
      %swap3A_953 = arith.constant 96 : index
      %swap3A_954 = tpu.vector_load %arg14[%swap3A_952, %swap3A_953] {strides = array<i32>} : memref<128x128xf32, #tpu.memory_space<vmem>>, vector<1x16xf32>,
      %swap3A_955 = vector.shape_cast %swap3A_954 : vector<1x16xf32> to vector<16xf32>
      %swap3A_956 = vector.shape_cast %get3A_942 : vector<16xf32> to vector<1x16xf32>
      tpu.vector_store %arg14[%swap3A_952, %swap3A_953], %swap3A_956 {add = true, strides = array<i32>} : memref<128x128xf32, #tpu.memory_space<vmem>>, vector<1x16xf32>,
      %get3A_957 = arith.index_cast %scan3A_832 : i32 to index
      %get3A_958 = arith.constant 112 : index
      %get3A_959 = tpu.vector_load %arg7[%get3A_957, %get3A_958] {strides = array<i32>} : memref<64x128xf32, #tpu.memory_space<vmem>>, vector<1x16xf32>,
      %get3A_960 = vector.shape_cast %get3A_959 : vector<1x16xf32> to vector<16xf32>
      %add3A_961 = arith.constant 0 : i32
      %add3A_962 = arith.addi %add3A_961, %scan3A_832 : i32
      %swap3A_963 = arith.index_cast %add3A_962 : i32 to index
      %swap3A_964 = arith.constant 112 : index
      %swap3A_965 = tpu.vector_load %arg14[%swap3A_963, %swap3A_964] {strides = array<i32>} : memref<128x128xf32, #tpu.memory_space<vmem>>, vector<1x16xf32>,
      %swap3A_966 = vector.shape_cast %swap3A_965 : vector<1x16xf32> to vector<16xf32>
      %swap3A_967 = vector.shape_cast %get3A_960 : vector<16xf32> to vector<1x16xf32>
      tpu.vector_store %arg14[%swap3A_963, %swap3A_964], %swap3A_967 {add = true, strides = array<i32>} : memref<128x128xf32, #tpu.memory_space<vmem>>, vector<1x16xf32>,
      %add3A_968 = arith.constant 64 : i32
      %add3A_969 = arith.addi %add3A_968, %scan3A_832 : i32
      %swap3A_970 = arith.index_cast %add3A_969 : i32 to index
      %swap3A_971 = arith.constant 112 : index
      %swap3A_972 = tpu.vector_load %arg14[%swap3A_970, %swap3A_971] {strides = array<i32>} : memref<128x128xf32, #tpu.memory_space<vmem>>, vector<1x16xf32>,
      %swap3A_973 = vector.shape_cast %swap3A_972 : vector<1x16xf32> to vector<16xf32>
      %swap3A_974 = vector.shape_cast %get3A_960 : vector<16xf32> to vector<1x16xf32>
      tpu.vector_store %arg14[%swap3A_970, %swap3A_971], %swap3A_974 {add = true, strides = array<i32>} : memref<128x128xf32, #tpu.memory_space<vmem>>, vector<1x16xf32>,
    }
    %scan3A_586 = arith.constant 64 : i32
    %dma_start3A_587 = arith.constant 12 : i32
    %dma_start3A_588 = arith.constant 0 : i32
    %dma_start3A_589 = arith.constant 0 : i32
    %dma_start3A_590 = tpu.memref_slice %arg14[%dma_start3A_588, %dma_start3A_589] : memref<128x128xf32, #tpu.memory_space<vmem>> -> memref<64x128xf32, #tpu.memory_space<vmem>>
    %dma_start3A_591 = arith.constant 0 : i32
    %dma_start3A_592 = tpu.memref_slice %arg5[%dma_start3A_587, %mul3A_2, %dma_start3A_591] : memref<16x2048x128xf32, #tpu.memory_space<hbm>> -> memref<1x64x128xf32, #tpu.memory_space<hbm>>
    %dma_start3A_593 = tpu.memref_squeeze %dma_start3A_592 : memref<1x64x128xf32, #tpu.memory_space<hbm>> -> memref<64x128xf32, #tpu.memory_space<hbm>>
    %dma_start3A_594 = arith.constant 0 : i32
    %dma_start3A_595 = tpu.memref_slice %arg5[%dma_start3A_587, %mul3A_2, %dma_start3A_594] : memref<16x2048x128xf32, #tpu.memory_space<hbm>> -> memref<1x64x128xf32, #tpu.memory_space<hbm>>
    %dma_start3A_596 = tpu.memref_squeeze %dma_start3A_595 : memref<1x64x128xf32, #tpu.memory_space<hbm>> -> memref<64x128xf32, #tpu.memory_space<hbm>>
    %dma_start3A_597 = arith.constant 0 : i32
    %dma_start3A_598 = arith.constant 0 : i32
    %dma_start3A_599 = tpu.memref_slice %arg14[%dma_start3A_597, %dma_start3A_598] : memref<128x128xf32, #tpu.memory_space<vmem>> -> memref<64x128xf32, #tpu.memory_space<vmem>>
    tpu.enqueue_dma source(%dma_start3A_599 : memref<64x128xf32, #tpu.memory_space<vmem>>) target(%dma_start3A_596 : memref<64x128xf32, #tpu.memory_space<hbm>>) target_semaphore(%arg28 : memref<!tpu.dma_semaphore, #tpu.memory_space<semaphore_mem>>)
    %dma_start3A_600 = arith.constant 13 : i32
    %dma_start3A_601 = arith.constant 64 : i32
    %dma_start3A_602 = arith.constant 0 : i32
    %dma_start3A_603 = tpu.memref_slice %arg14[%dma_start3A_601, %dma_start3A_602] : memref<128x128xf32, #tpu.memory_space<vmem>> -> memref<64x128xf32, #tpu.memory_space<vmem>>
    %dma_start3A_604 = arith.constant 0 : i32
    %dma_start3A_605 = tpu.memref_slice %arg5[%dma_start3A_600, %mul3A_2, %dma_start3A_604] : memref<16x2048x128xf32, #tpu.memory_space<hbm>> -> memref<1x64x128xf32, #tpu.memory_space<hbm>>
    %dma_start3A_606 = tpu.memref_squeeze %dma_start3A_605 : memref<1x64x128xf32, #tpu.memory_space<hbm>> -> memref<64x128xf32, #tpu.memory_space<hbm>>
    %dma_start3A_607 = arith.constant 0 : i32
    %dma_start3A_608 = tpu.memref_slice %arg5[%dma_start3A_600, %mul3A_2, %dma_start3A_607] : memref<16x2048x128xf32, #tpu.memory_space<hbm>> -> memref<1x64x128xf32, #tpu.memory_space<hbm>>
    %dma_start3A_609 = tpu.memref_squeeze %dma_start3A_608 : memref<1x64x128xf32, #tpu.memory_space<hbm>> -> memref<64x128xf32, #tpu.memory_space<hbm>>
    %dma_start3A_610 = arith.constant 64 : i32
    %dma_start3A_611 = arith.constant 0 : i32
    %dma_start3A_612 = tpu.memref_slice %arg14[%dma_start3A_610, %dma_start3A_611] : memref<128x128xf32, #tpu.memory_space<vmem>> -> memref<64x128xf32, #tpu.memory_space<vmem>>
    tpu.enqueue_dma source(%dma_start3A_612 : memref<64x128xf32, #tpu.memory_space<vmem>>) target(%dma_start3A_609 : memref<64x128xf32, #tpu.memory_space<hbm>>) target_semaphore(%arg28 : memref<!tpu.dma_semaphore, #tpu.memory_space<semaphore_mem>>)
    %dma_wait3A_613 = arith.constant 896 : i32
    %dma_wait3A_614 = tpu.memref_slice %arg6[%dma_wait3A_613] : memref<1024xi32, #tpu.memory_space<vmem>> -> memref<128xi32, #tpu.memory_space<vmem>>
    %dma_wait3A_615 = arith.constant 0 : i32
    %dma_wait3A_616 = arith.constant 0 : i32
    %dma_wait3A_617 = tpu.memref_slice %arg3[%dma_wait3A_615, %dma_wait3A_616] : memref<100000x128xf32, #tpu.memory_space<hbm>> -> memref<100000x128xf32, #tpu.memory_space<hbm>>
    tpu.wait_indirect_dma semaphore(%arg15 : memref<!tpu.dma_semaphore, #tpu.memory_space<semaphore_mem>>) src(%dma_wait3A_617 : memref<100000x128xf32, #tpu.memory_space<hbm>>) dst(%arg8 : memref<128x128xf32, #tpu.memory_space<vmem>>)
    %scan3A_618 = arith.constant 0 : i32
    %scan3A_619 = arith.constant 0 : i32
    %scan3A_620 = arith.constant 64 : i32
    %scan3A_621 = arith.addi %scan3A_619, %scan3A_620 : i32
    %scan3A_622 = arith.constant 1 : i32
    scf.for %scan3A_832 = %scan3A_619 to %scan3A_621 step %scan3A_622  : i32 {
      %get3A = arith.index_cast %scan3A_832 : i32 to index
      %get3A_833 = arith.constant 0 : index
      %get3A_834 = tpu.vector_load %arg7[%get3A, %get3A_833] {strides = array<i32>} : memref<64x128xf32, #tpu.memory_space<vmem>>, vector<1x16xf32>,
      %get3A_835 = vector.shape_cast %get3A_834 : vector<1x16xf32> to vector<16xf32>
      %add3A_836 = arith.constant 0 : i32
      %add3A_837 = arith.addi %add3A_836, %scan3A_832 : i32
      %swap3A = arith.index_cast %add3A_837 : i32 to index
      %swap3A_838 = arith.constant 0 : index
      %swap3A_839 = tpu.vector_load %arg8[%swap3A, %swap3A_838] {strides = array<i32>} : memref<128x128xf32, #tpu.memory_space<vmem>>, vector<1x16xf32>,
      %swap3A_840 = vector.shape_cast %swap3A_839 : vector<1x16xf32> to vector<16xf32>
      %swap3A_841 = vector.shape_cast %get3A_835 : vector<16xf32> to vector<1x16xf32>
      tpu.vector_store %arg8[%swap3A, %swap3A_838], %swap3A_841 {add = true, strides = array<i32>} : memref<128x128xf32, #tpu.memory_space<vmem>>, vector<1x16xf32>,
      %add3A_842 = arith.constant 64 : i32
      %add3A_843 = arith.addi %add3A_842, %scan3A_832 : i32
      %swap3A_844 = arith.index_cast %add3A_843 : i32 to index
      %swap3A_845 = arith.constant 0 : index
      %swap3A_846 = tpu.vector_load %arg8[%swap3A_844, %swap3A_845] {strides = array<i32>} : memref<128x128xf32, #tpu.memory_space<vmem>>, vector<1x16xf32>,
      %swap3A_847 = vector.shape_cast %swap3A_846 : vector<1x16xf32> to vector<16xf32>
      %swap3A_848 = vector.shape_cast %get3A_835 : vector<16xf32> to vector<1x16xf32>
      tpu.vector_store %arg8[%swap3A_844, %swap3A_845], %swap3A_848 {add = true, strides = array<i32>} : memref<128x128xf32, #tpu.memory_space<vmem>>, vector<1x16xf32>,
      %get3A_849 = arith.index_cast %scan3A_832 : i32 to index
      %get3A_850 = arith.constant 16 : index
      %get3A_851 = tpu.vector_load %arg7[%get3A_849, %get3A_850] {strides = array<i32>} : memref<64x128xf32, #tpu.memory_space<vmem>>, vector<1x16xf32>,
      %get3A_852 = vector.shape_cast %get3A_851 : vector<1x16xf32> to vector<16xf32>
      %add3A_853 = arith.constant 0 : i32
      %add3A_854 = arith.addi %add3A_853, %scan3A_832 : i32
      %swap3A_855 = arith.index_cast %add3A_854 : i32 to index
      %swap3A_856 = arith.constant 16 : index
      %swap3A_857 = tpu.vector_load %arg8[%swap3A_855, %swap3A_856] {strides = array<i32>} : memref<128x128xf32, #tpu.memory_space<vmem>>, vector<1x16xf32>,
      %swap3A_858 = vector.shape_cast %swap3A_857 : vector<1x16xf32> to vector<16xf32>
      %swap3A_859 = vector.shape_cast %get3A_852 : vector<16xf32> to vector<1x16xf32>
      tpu.vector_store %arg8[%swap3A_855, %swap3A_856], %swap3A_859 {add = true, strides = array<i32>} : memref<128x128xf32, #tpu.memory_space<vmem>>, vector<1x16xf32>,
      %add3A_860 = arith.constant 64 : i32
      %add3A_861 = arith.addi %add3A_860, %scan3A_832 : i32
      %swap3A_862 = arith.index_cast %add3A_861 : i32 to index
      %swap3A_863 = arith.constant 16 : index
      %swap3A_864 = tpu.vector_load %arg8[%swap3A_862, %swap3A_863] {strides = array<i32>} : memref<128x128xf32, #tpu.memory_space<vmem>>, vector<1x16xf32>,
      %swap3A_865 = vector.shape_cast %swap3A_864 : vector<1x16xf32> to vector<16xf32>
      %swap3A_866 = vector.shape_cast %get3A_852 : vector<16xf32> to vector<1x16xf32>
      tpu.vector_store %arg8[%swap3A_862, %swap3A_863], %swap3A_866 {add = true, strides = array<i32>} : memref<128x128xf32, #tpu.memory_space<vmem>>, vector<1x16xf32>,
      %get3A_867 = arith.index_cast %scan3A_832 : i32 to index
      %get3A_868 = arith.constant 32 : index
      %get3A_869 = tpu.vector_load %arg7[%get3A_867, %get3A_868] {strides = array<i32>} : memref<64x128xf32, #tpu.memory_space<vmem>>, vector<1x16xf32>,
      %get3A_870 = vector.shape_cast %get3A_869 : vector<1x16xf32> to vector<16xf32>
      %add3A_871 = arith.constant 0 : i32
      %add3A_872 = arith.addi %add3A_871, %scan3A_832 : i32
      %swap3A_873 = arith.index_cast %add3A_872 : i32 to index
      %swap3A_874 = arith.constant 32 : index
      %swap3A_875 = tpu.vector_load %arg8[%swap3A_873, %swap3A_874] {strides = array<i32>} : memref<128x128xf32, #tpu.memory_space<vmem>>, vector<1x16xf32>,
      %swap3A_876 = vector.shape_cast %swap3A_875 : vector<1x16xf32> to vector<16xf32>
      %swap3A_877 = vector.shape_cast %get3A_870 : vector<16xf32> to vector<1x16xf32>
      tpu.vector_store %arg8[%swap3A_873, %swap3A_874], %swap3A_877 {add = true, strides = array<i32>} : memref<128x128xf32, #tpu.memory_space<vmem>>, vector<1x16xf32>,
      %add3A_878 = arith.constant 64 : i32
      %add3A_879 = arith.addi %add3A_878, %scan3A_832 : i32
      %swap3A_880 = arith.index_cast %add3A_879 : i32 to index
      %swap3A_881 = arith.constant 32 : index
      %swap3A_882 = tpu.vector_load %arg8[%swap3A_880, %swap3A_881] {strides = array<i32>} : memref<128x128xf32, #tpu.memory_space<vmem>>, vector<1x16xf32>,
      %swap3A_883 = vector.shape_cast %swap3A_882 : vector<1x16xf32> to vector<16xf32>
      %swap3A_884 = vector.shape_cast %get3A_870 : vector<16xf32> to vector<1x16xf32>
      tpu.vector_store %arg8[%swap3A_880, %swap3A_881], %swap3A_884 {add = true, strides = array<i32>} : memref<128x128xf32, #tpu.memory_space<vmem>>, vector<1x16xf32>,
      %get3A_885 = arith.index_cast %scan3A_832 : i32 to index
      %get3A_886 = arith.constant 48 : index
      %get3A_887 = tpu.vector_load %arg7[%get3A_885, %get3A_886] {strides = array<i32>} : memref<64x128xf32, #tpu.memory_space<vmem>>, vector<1x16xf32>,
      %get3A_888 = vector.shape_cast %get3A_887 : vector<1x16xf32> to vector<16xf32>
      %add3A_889 = arith.constant 0 : i32
      %add3A_890 = arith.addi %add3A_889, %scan3A_832 : i32
      %swap3A_891 = arith.index_cast %add3A_890 : i32 to index
      %swap3A_892 = arith.constant 48 : index
      %swap3A_893 = tpu.vector_load %arg8[%swap3A_891, %swap3A_892] {strides = array<i32>} : memref<128x128xf32, #tpu.memory_space<vmem>>, vector<1x16xf32>,
      %swap3A_894 = vector.shape_cast %swap3A_893 : vector<1x16xf32> to vector<16xf32>
      %swap3A_895 = vector.shape_cast %get3A_888 : vector<16xf32> to vector<1x16xf32>
      tpu.vector_store %arg8[%swap3A_891, %swap3A_892], %swap3A_895 {add = true, strides = array<i32>} : memref<128x128xf32, #tpu.memory_space<vmem>>, vector<1x16xf32>,
      %add3A_896 = arith.constant 64 : i32
      %add3A_897 = arith.addi %add3A_896, %scan3A_832 : i32
      %swap3A_898 = arith.index_cast %add3A_897 : i32 to index
      %swap3A_899 = arith.constant 48 : index
      %swap3A_900 = tpu.vector_load %arg8[%swap3A_898, %swap3A_899] {strides = array<i32>} : memref<128x128xf32, #tpu.memory_space<vmem>>, vector<1x16xf32>,
      %swap3A_901 = vector.shape_cast %swap3A_900 : vector<1x16xf32> to vector<16xf32>
      %swap3A_902 = vector.shape_cast %get3A_888 : vector<16xf32> to vector<1x16xf32>
      tpu.vector_store %arg8[%swap3A_898, %swap3A_899], %swap3A_902 {add = true, strides = array<i32>} : memref<128x128xf32, #tpu.memory_space<vmem>>, vector<1x16xf32>,
      %get3A_903 = arith.index_cast %scan3A_832 : i32 to index
      %get3A_904 = arith.constant 64 : index
      %get3A_905 = tpu.vector_load %arg7[%get3A_903, %get3A_904] {strides = array<i32>} : memref<64x128xf32, #tpu.memory_space<vmem>>, vector<1x16xf32>,
      %get3A_906 = vector.shape_cast %get3A_905 : vector<1x16xf32> to vector<16xf32>
      %add3A_907 = arith.constant 0 : i32
      %add3A_908 = arith.addi %add3A_907, %scan3A_832 : i32
      %swap3A_909 = arith.index_cast %add3A_908 : i32 to index
      %swap3A_910 = arith.constant 64 : index
      %swap3A_911 = tpu.vector_load %arg8[%swap3A_909, %swap3A_910] {strides = array<i32>} : memref<128x128xf32, #tpu.memory_space<vmem>>, vector<1x16xf32>,
      %swap3A_912 = vector.shape_cast %swap3A_911 : vector<1x16xf32> to vector<16xf32>
      %swap3A_913 = vector.shape_cast %get3A_906 : vector<16xf32> to vector<1x16xf32>
      tpu.vector_store %arg8[%swap3A_909, %swap3A_910], %swap3A_913 {add = true, strides = array<i32>} : memref<128x128xf32, #tpu.memory_space<vmem>>, vector<1x16xf32>,
      %add3A_914 = arith.constant 64 : i32
      %add3A_915 = arith.addi %add3A_914, %scan3A_832 : i32
      %swap3A_916 = arith.index_cast %add3A_915 : i32 to index
      %swap3A_917 = arith.constant 64 : index
      %swap3A_918 = tpu.vector_load %arg8[%swap3A_916, %swap3A_917] {strides = array<i32>} : memref<128x128xf32, #tpu.memory_space<vmem>>, vector<1x16xf32>,
      %swap3A_919 = vector.shape_cast %swap3A_918 : vector<1x16xf32> to vector<16xf32>
      %swap3A_920 = vector.shape_cast %get3A_906 : vector<16xf32> to vector<1x16xf32>
      tpu.vector_store %arg8[%swap3A_916, %swap3A_917], %swap3A_920 {add = true, strides = array<i32>} : memref<128x128xf32, #tpu.memory_space<vmem>>, vector<1x16xf32>,
      %get3A_921 = arith.index_cast %scan3A_832 : i32 to index
      %get3A_922 = arith.constant 80 : index
      %get3A_923 = tpu.vector_load %arg7[%get3A_921, %get3A_922] {strides = array<i32>} : memref<64x128xf32, #tpu.memory_space<vmem>>, vector<1x16xf32>,
      %get3A_924 = vector.shape_cast %get3A_923 : vector<1x16xf32> to vector<16xf32>
      %add3A_925 = arith.constant 0 : i32
      %add3A_926 = arith.addi %add3A_925, %scan3A_832 : i32
      %swap3A_927 = arith.index_cast %add3A_926 : i32 to index
      %swap3A_928 = arith.constant 80 : index
      %swap3A_929 = tpu.vector_load %arg8[%swap3A_927, %swap3A_928] {strides = array<i32>} : memref<128x128xf32, #tpu.memory_space<vmem>>, vector<1x16xf32>,
      %swap3A_930 = vector.shape_cast %swap3A_929 : vector<1x16xf32> to vector<16xf32>
      %swap3A_931 = vector.shape_cast %get3A_924 : vector<16xf32> to vector<1x16xf32>
      tpu.vector_store %arg8[%swap3A_927, %swap3A_928], %swap3A_931 {add = true, strides = array<i32>} : memref<128x128xf32, #tpu.memory_space<vmem>>, vector<1x16xf32>,
      %add3A_932 = arith.constant 64 : i32
      %add3A_933 = arith.addi %add3A_932, %scan3A_832 : i32
      %swap3A_934 = arith.index_cast %add3A_933 : i32 to index
      %swap3A_935 = arith.constant 80 : index
      %swap3A_936 = tpu.vector_load %arg8[%swap3A_934, %swap3A_935] {strides = array<i32>} : memref<128x128xf32, #tpu.memory_space<vmem>>, vector<1x16xf32>,
      %swap3A_937 = vector.shape_cast %swap3A_936 : vector<1x16xf32> to vector<16xf32>
      %swap3A_938 = vector.shape_cast %get3A_924 : vector<16xf32> to vector<1x16xf32>
      tpu.vector_store %arg8[%swap3A_934, %swap3A_935], %swap3A_938 {add = true, strides = array<i32>} : memref<128x128xf32, #tpu.memory_space<vmem>>, vector<1x16xf32>,
      %get3A_939 = arith.index_cast %scan3A_832 : i32 to index
      %get3A_940 = arith.constant 96 : index
      %get3A_941 = tpu.vector_load %arg7[%get3A_939, %get3A_940] {strides = array<i32>} : memref<64x128xf32, #tpu.memory_space<vmem>>, vector<1x16xf32>,
      %get3A_942 = vector.shape_cast %get3A_941 : vector<1x16xf32> to vector<16xf32>
      %add3A_943 = arith.constant 0 : i32
      %add3A_944 = arith.addi %add3A_943, %scan3A_832 : i32
      %swap3A_945 = arith.index_cast %add3A_944 : i32 to index
      %swap3A_946 = arith.constant 96 : index
      %swap3A_947 = tpu.vector_load %arg8[%swap3A_945, %swap3A_946] {strides = array<i32>} : memref<128x128xf32, #tpu.memory_space<vmem>>, vector<1x16xf32>,
      %swap3A_948 = vector.shape_cast %swap3A_947 : vector<1x16xf32> to vector<16xf32>
      %swap3A_949 = vector.shape_cast %get3A_942 : vector<16xf32> to vector<1x16xf32>
      tpu.vector_store %arg8[%swap3A_945, %swap3A_946], %swap3A_949 {add = true, strides = array<i32>} : memref<128x128xf32, #tpu.memory_space<vmem>>, vector<1x16xf32>,
      %add3A_950 = arith.constant 64 : i32
      %add3A_951 = arith.addi %add3A_950, %scan3A_832 : i32
      %swap3A_952 = arith.index_cast %add3A_951 : i32 to index
      %swap3A_953 = arith.constant 96 : index
      %swap3A_954 = tpu.vector_load %arg8[%swap3A_952, %swap3A_953] {strides = array<i32>} : memref<128x128xf32, #tpu.memory_space<vmem>>, vector<1x16xf32>,
      %swap3A_955 = vector.shape_cast %swap3A_954 : vector<1x16xf32> to vector<16xf32>
      %swap3A_956 = vector.shape_cast %get3A_942 : vector<16xf32> to vector<1x16xf32>
      tpu.vector_store %arg8[%swap3A_952, %swap3A_953], %swap3A_956 {add = true, strides = array<i32>} : memref<128x128xf32, #tpu.memory_space<vmem>>, vector<1x16xf32>,
      %get3A_957 = arith.index_cast %scan3A_832 : i32 to index
      %get3A_958 = arith.constant 112 : index
      %get3A_959 = tpu.vector_load %arg7[%get3A_957, %get3A_958] {strides = array<i32>} : memref<64x128xf32, #tpu.memory_space<vmem>>, vector<1x16xf32>,
      %get3A_960 = vector.shape_cast %get3A_959 : vector<1x16xf32> to vector<16xf32>
      %add3A_961 = arith.constant 0 : i32
      %add3A_962 = arith.addi %add3A_961, %scan3A_832 : i32
      %swap3A_963 = arith.index_cast %add3A_962 : i32 to index
      %swap3A_964 = arith.constant 112 : index
      %swap3A_965 = tpu.vector_load %arg8[%swap3A_963, %swap3A_964] {strides = array<i32>} : memref<128x128xf32, #tpu.memory_space<vmem>>, vector<1x16xf32>,
      %swap3A_966 = vector.shape_cast %swap3A_965 : vector<1x16xf32> to vector<16xf32>
      %swap3A_967 = vector.shape_cast %get3A_960 : vector<16xf32> to vector<1x16xf32>
      tpu.vector_store %arg8[%swap3A_963, %swap3A_964], %swap3A_967 {add = true, strides = array<i32>} : memref<128x128xf32, #tpu.memory_space<vmem>>, vector<1x16xf32>,
      %add3A_968 = arith.constant 64 : i32
      %add3A_969 = arith.addi %add3A_968, %scan3A_832 : i32
      %swap3A_970 = arith.index_cast %add3A_969 : i32 to index
      %swap3A_971 = arith.constant 112 : index
      %swap3A_972 = tpu.vector_load %arg8[%swap3A_970, %swap3A_971] {strides = array<i32>} : memref<128x128xf32, #tpu.memory_space<vmem>>, vector<1x16xf32>,
      %swap3A_973 = vector.shape_cast %swap3A_972 : vector<1x16xf32> to vector<16xf32>
      %swap3A_974 = vector.shape_cast %get3A_960 : vector<16xf32> to vector<1x16xf32>
      tpu.vector_store %arg8[%swap3A_970, %swap3A_971], %swap3A_974 {add = true, strides = array<i32>} : memref<128x128xf32, #tpu.memory_space<vmem>>, vector<1x16xf32>,
    }
    %scan3A_623 = arith.constant 64 : i32
    %dma_start3A_624 = arith.constant 14 : i32
    %dma_start3A_625 = arith.constant 0 : i32
    %dma_start3A_626 = arith.constant 0 : i32
    %dma_start3A_627 = tpu.memref_slice %arg8[%dma_start3A_625, %dma_start3A_626] : memref<128x128xf32, #tpu.memory_space<vmem>> -> memref<64x128xf32, #tpu.memory_space<vmem>>
    %dma_start3A_628 = arith.constant 0 : i32
    %dma_start3A_629 = tpu.memref_slice %arg5[%dma_start3A_624, %mul3A_2, %dma_start3A_628] : memref<16x2048x128xf32, #tpu.memory_space<hbm>> -> memref<1x64x128xf32, #tpu.memory_space<hbm>>
    %dma_start3A_630 = tpu.memref_squeeze %dma_start3A_629 : memref<1x64x128xf32, #tpu.memory_space<hbm>> -> memref<64x128xf32, #tpu.memory_space<hbm>>
    %dma_start3A_631 = arith.constant 0 : i32
    %dma_start3A_632 = tpu.memref_slice %arg5[%dma_start3A_624, %mul3A_2, %dma_start3A_631] : memref<16x2048x128xf32, #tpu.memory_space<hbm>> -> memref<1x64x128xf32, #tpu.memory_space<hbm>>
    %dma_start3A_633 = tpu.memref_squeeze %dma_start3A_632 : memref<1x64x128xf32, #tpu.memory_space<hbm>> -> memref<64x128xf32, #tpu.memory_space<hbm>>
    %dma_start3A_634 = arith.constant 0 : i32
    %dma_start3A_635 = arith.constant 0 : i32
    %dma_start3A_636 = tpu.memref_slice %arg8[%dma_start3A_634, %dma_start3A_635] : memref<128x128xf32, #tpu.memory_space<vmem>> -> memref<64x128xf32, #tpu.memory_space<vmem>>
    tpu.enqueue_dma source(%dma_start3A_636 : memref<64x128xf32, #tpu.memory_space<vmem>>) target(%dma_start3A_633 : memref<64x128xf32, #tpu.memory_space<hbm>>) target_semaphore(%arg22 : memref<!tpu.dma_semaphore, #tpu.memory_space<semaphore_mem>>)
    %dma_start3A_637 = arith.constant 15 : i32
    %dma_start3A_638 = arith.constant 64 : i32
    %dma_start3A_639 = arith.constant 0 : i32
    %dma_start3A_640 = tpu.memref_slice %arg8[%dma_start3A_638, %dma_start3A_639] : memref<128x128xf32, #tpu.memory_space<vmem>> -> memref<64x128xf32, #tpu.memory_space<vmem>>
    %dma_start3A_641 = arith.constant 0 : i32
    %dma_start3A_642 = tpu.memref_slice %arg5[%dma_start3A_637, %mul3A_2, %dma_start3A_641] : memref<16x2048x128xf32, #tpu.memory_space<hbm>> -> memref<1x64x128xf32, #tpu.memory_space<hbm>>
    %dma_start3A_643 = tpu.memref_squeeze %dma_start3A_642 : memref<1x64x128xf32, #tpu.memory_space<hbm>> -> memref<64x128xf32, #tpu.memory_space<hbm>>
    %dma_start3A_644 = arith.constant 0 : i32
    %dma_start3A_645 = tpu.memref_slice %arg5[%dma_start3A_637, %mul3A_2, %dma_start3A_644] : memref<16x2048x128xf32, #tpu.memory_space<hbm>> -> memref<1x64x128xf32, #tpu.memory_space<hbm>>
    %dma_start3A_646 = tpu.memref_squeeze %dma_start3A_645 : memref<1x64x128xf32, #tpu.memory_space<hbm>> -> memref<64x128xf32, #tpu.memory_space<hbm>>
    %dma_start3A_647 = arith.constant 64 : i32
    %dma_start3A_648 = arith.constant 0 : i32
    %dma_start3A_649 = tpu.memref_slice %arg8[%dma_start3A_647, %dma_start3A_648] : memref<128x128xf32, #tpu.memory_space<vmem>> -> memref<64x128xf32, #tpu.memory_space<vmem>>
    tpu.enqueue_dma source(%dma_start3A_649 : memref<64x128xf32, #tpu.memory_space<vmem>>) target(%dma_start3A_646 : memref<64x128xf32, #tpu.memory_space<hbm>>) target_semaphore(%arg22 : memref<!tpu.dma_semaphore, #tpu.memory_space<semaphore_mem>>)
    %dma_wait3A_650 = arith.constant 2 : i32
    %dma_wait3A_651 = arith.constant 0 : i32
    %dma_wait3A_652 = arith.constant 0 : i32
    %dma_wait3A_653 = tpu.memref_slice %arg9[%dma_wait3A_651, %dma_wait3A_652] : memref<128x128xf32, #tpu.memory_space<vmem>> -> memref<64x128xf32, #tpu.memory_space<vmem>>
    %dma_wait3A_654 = arith.constant 0 : i32
    %dma_wait3A_655 = tpu.memref_slice %arg5[%dma_wait3A_650, %mul3A_2, %dma_wait3A_654] : memref<16x2048x128xf32, #tpu.memory_space<hbm>> -> memref<1x64x128xf32, #tpu.memory_space<hbm>>
    %dma_wait3A_656 = tpu.memref_squeeze %dma_wait3A_655 : memref<1x64x128xf32, #tpu.memory_space<hbm>> -> memref<64x128xf32, #tpu.memory_space<hbm>>
    %dma_wait3A_657 = arith.constant 0 : i32
    %dma_wait3A_658 = tpu.memref_slice %arg5[%dma_wait3A_650, %mul3A_2, %dma_wait3A_657] : memref<16x2048x128xf32, #tpu.memory_space<hbm>> -> memref<1x64x128xf32, #tpu.memory_space<hbm>>
    %dma_wait3A_659 = tpu.memref_squeeze %dma_wait3A_658 : memref<1x64x128xf32, #tpu.memory_space<hbm>> -> memref<64x128xf32, #tpu.memory_space<hbm>>
    %dma_wait3A_660 = arith.constant 0 : i32
    %dma_wait3A_661 = arith.constant 0 : i32
    %dma_wait3A_662 = tpu.memref_slice %arg9[%dma_wait3A_660, %dma_wait3A_661] : memref<128x128xf32, #tpu.memory_space<vmem>> -> memref<64x128xf32, #tpu.memory_space<vmem>>
    tpu.wait_dma2 semaphore(%arg23 : memref<!tpu.dma_semaphore, #tpu.memory_space<semaphore_mem>>) src(%dma_wait3A_662 : memref<64x128xf32, #tpu.memory_space<vmem>>) dst(%dma_wait3A_659 : memref<64x128xf32, #tpu.memory_space<hbm>>)
    %dma_wait3A_663 = arith.constant 3 : i32
    %dma_wait3A_664 = arith.constant 64 : i32
    %dma_wait3A_665 = arith.constant 0 : i32
    %dma_wait3A_666 = tpu.memref_slice %arg9[%dma_wait3A_664, %dma_wait3A_665] : memref<128x128xf32, #tpu.memory_space<vmem>> -> memref<64x128xf32, #tpu.memory_space<vmem>>
    %dma_wait3A_667 = arith.constant 0 : i32
    %dma_wait3A_668 = tpu.memref_slice %arg5[%dma_wait3A_663, %mul3A_2, %dma_wait3A_667] : memref<16x2048x128xf32, #tpu.memory_space<hbm>> -> memref<1x64x128xf32, #tpu.memory_space<hbm>>
    %dma_wait3A_669 = tpu.memref_squeeze %dma_wait3A_668 : memref<1x64x128xf32, #tpu.memory_space<hbm>> -> memref<64x128xf32, #tpu.memory_space<hbm>>
    %dma_wait3A_670 = arith.constant 0 : i32
    %dma_wait3A_671 = tpu.memref_slice %arg5[%dma_wait3A_663, %mul3A_2, %dma_wait3A_670] : memref<16x2048x128xf32, #tpu.memory_space<hbm>> -> memref<1x64x128xf32, #tpu.memory_space<hbm>>
    %dma_wait3A_672 = tpu.memref_squeeze %dma_wait3A_671 : memref<1x64x128xf32, #tpu.memory_space<hbm>> -> memref<64x128xf32, #tpu.memory_space<hbm>>
    %dma_wait3A_673 = arith.constant 64 : i32
    %dma_wait3A_674 = arith.constant 0 : i32
    %dma_wait3A_675 = tpu.memref_slice %arg9[%dma_wait3A_673, %dma_wait3A_674] : memref<128x128xf32, #tpu.memory_space<vmem>> -> memref<64x128xf32, #tpu.memory_space<vmem>>
    tpu.wait_dma2 semaphore(%arg23 : memref<!tpu.dma_semaphore, #tpu.memory_space<semaphore_mem>>) src(%dma_wait3A_675 : memref<64x128xf32, #tpu.memory_space<vmem>>) dst(%dma_wait3A_672 : memref<64x128xf32, #tpu.memory_space<hbm>>)
    %dma_wait3A_676 = arith.constant 4 : i32
    %dma_wait3A_677 = arith.constant 0 : i32
    %dma_wait3A_678 = arith.constant 0 : i32
    %dma_wait3A_679 = tpu.memref_slice %arg10[%dma_wait3A_677, %dma_wait3A_678] : memref<128x128xf32, #tpu.memory_space<vmem>> -> memref<64x128xf32, #tpu.memory_space<vmem>>
    %dma_wait3A_680 = arith.constant 0 : i32
    %dma_wait3A_681 = tpu.memref_slice %arg5[%dma_wait3A_676, %mul3A_2, %dma_wait3A_680] : memref<16x2048x128xf32, #tpu.memory_space<hbm>> -> memref<1x64x128xf32, #tpu.memory_space<hbm>>
    %dma_wait3A_682 = tpu.memref_squeeze %dma_wait3A_681 : memref<1x64x128xf32, #tpu.memory_space<hbm>> -> memref<64x128xf32, #tpu.memory_space<hbm>>
    %dma_wait3A_683 = arith.constant 0 : i32
    %dma_wait3A_684 = tpu.memref_slice %arg5[%dma_wait3A_676, %mul3A_2, %dma_wait3A_683] : memref<16x2048x128xf32, #tpu.memory_space<hbm>> -> memref<1x64x128xf32, #tpu.memory_space<hbm>>
    %dma_wait3A_685 = tpu.memref_squeeze %dma_wait3A_684 : memref<1x64x128xf32, #tpu.memory_space<hbm>> -> memref<64x128xf32, #tpu.memory_space<hbm>>
    %dma_wait3A_686 = arith.constant 0 : i32
    %dma_wait3A_687 = arith.constant 0 : i32
    %dma_wait3A_688 = tpu.memref_slice %arg10[%dma_wait3A_686, %dma_wait3A_687] : memref<128x128xf32, #tpu.memory_space<vmem>> -> memref<64x128xf32, #tpu.memory_space<vmem>>
    tpu.wait_dma2 semaphore(%arg24 : memref<!tpu.dma_semaphore, #tpu.memory_space<semaphore_mem>>) src(%dma_wait3A_688 : memref<64x128xf32, #tpu.memory_space<vmem>>) dst(%dma_wait3A_685 : memref<64x128xf32, #tpu.memory_space<hbm>>)
    %dma_wait3A_689 = arith.constant 5 : i32
    %dma_wait3A_690 = arith.constant 64 : i32
    %dma_wait3A_691 = arith.constant 0 : i32
    %dma_wait3A_692 = tpu.memref_slice %arg10[%dma_wait3A_690, %dma_wait3A_691] : memref<128x128xf32, #tpu.memory_space<vmem>> -> memref<64x128xf32, #tpu.memory_space<vmem>>
    %dma_wait3A_693 = arith.constant 0 : i32
    %dma_wait3A_694 = tpu.memref_slice %arg5[%dma_wait3A_689, %mul3A_2, %dma_wait3A_693] : memref<16x2048x128xf32, #tpu.memory_space<hbm>> -> memref<1x64x128xf32, #tpu.memory_space<hbm>>
    %dma_wait3A_695 = tpu.memref_squeeze %dma_wait3A_694 : memref<1x64x128xf32, #tpu.memory_space<hbm>> -> memref<64x128xf32, #tpu.memory_space<hbm>>
    %dma_wait3A_696 = arith.constant 0 : i32
    %dma_wait3A_697 = tpu.memref_slice %arg5[%dma_wait3A_689, %mul3A_2, %dma_wait3A_696] : memref<16x2048x128xf32, #tpu.memory_space<hbm>> -> memref<1x64x128xf32, #tpu.memory_space<hbm>>
    %dma_wait3A_698 = tpu.memref_squeeze %dma_wait3A_697 : memref<1x64x128xf32, #tpu.memory_space<hbm>> -> memref<64x128xf32, #tpu.memory_space<hbm>>
    %dma_wait3A_699 = arith.constant 64 : i32
    %dma_wait3A_700 = arith.constant 0 : i32
    %dma_wait3A_701 = tpu.memref_slice %arg10[%dma_wait3A_699, %dma_wait3A_700] : memref<128x128xf32, #tpu.memory_space<vmem>> -> memref<64x128xf32, #tpu.memory_space<vmem>>
    tpu.wait_dma2 semaphore(%arg24 : memref<!tpu.dma_semaphore, #tpu.memory_space<semaphore_mem>>) src(%dma_wait3A_701 : memref<64x128xf32, #tpu.memory_space<vmem>>) dst(%dma_wait3A_698 : memref<64x128xf32, #tpu.memory_space<hbm>>)
    %dma_wait3A_702 = arith.constant 6 : i32
    %dma_wait3A_703 = arith.constant 0 : i32
    %dma_wait3A_704 = arith.constant 0 : i32
    %dma_wait3A_705 = tpu.memref_slice %arg11[%dma_wait3A_703, %dma_wait3A_704] : memref<128x128xf32, #tpu.memory_space<vmem>> -> memref<64x128xf32, #tpu.memory_space<vmem>>
    %dma_wait3A_706 = arith.constant 0 : i32
    %dma_wait3A_707 = tpu.memref_slice %arg5[%dma_wait3A_702, %mul3A_2, %dma_wait3A_706] : memref<16x2048x128xf32, #tpu.memory_space<hbm>> -> memref<1x64x128xf32, #tpu.memory_space<hbm>>
    %dma_wait3A_708 = tpu.memref_squeeze %dma_wait3A_707 : memref<1x64x128xf32, #tpu.memory_space<hbm>> -> memref<64x128xf32, #tpu.memory_space<hbm>>
    %dma_wait3A_709 = arith.constant 0 : i32
    %dma_wait3A_710 = tpu.memref_slice %arg5[%dma_wait3A_702, %mul3A_2, %dma_wait3A_709] : memref<16x2048x128xf32, #tpu.memory_space<hbm>> -> memref<1x64x128xf32, #tpu.memory_space<hbm>>
    %dma_wait3A_711 = tpu.memref_squeeze %dma_wait3A_710 : memref<1x64x128xf32, #tpu.memory_space<hbm>> -> memref<64x128xf32, #tpu.memory_space<hbm>>
    %dma_wait3A_712 = arith.constant 0 : i32
    %dma_wait3A_713 = arith.constant 0 : i32
    %dma_wait3A_714 = tpu.memref_slice %arg11[%dma_wait3A_712, %dma_wait3A_713] : memref<128x128xf32, #tpu.memory_space<vmem>> -> memref<64x128xf32, #tpu.memory_space<vmem>>
    tpu.wait_dma2 semaphore(%arg25 : memref<!tpu.dma_semaphore, #tpu.memory_space<semaphore_mem>>) src(%dma_wait3A_714 : memref<64x128xf32, #tpu.memory_space<vmem>>) dst(%dma_wait3A_711 : memref<64x128xf32, #tpu.memory_space<hbm>>)
    %dma_wait3A_715 = arith.constant 7 : i32
    %dma_wait3A_716 = arith.constant 64 : i32
    %dma_wait3A_717 = arith.constant 0 : i32
    %dma_wait3A_718 = tpu.memref_slice %arg11[%dma_wait3A_716, %dma_wait3A_717] : memref<128x128xf32, #tpu.memory_space<vmem>> -> memref<64x128xf32, #tpu.memory_space<vmem>>
    %dma_wait3A_719 = arith.constant 0 : i32
    %dma_wait3A_720 = tpu.memref_slice %arg5[%dma_wait3A_715, %mul3A_2, %dma_wait3A_719] : memref<16x2048x128xf32, #tpu.memory_space<hbm>> -> memref<1x64x128xf32, #tpu.memory_space<hbm>>
    %dma_wait3A_721 = tpu.memref_squeeze %dma_wait3A_720 : memref<1x64x128xf32, #tpu.memory_space<hbm>> -> memref<64x128xf32, #tpu.memory_space<hbm>>
    %dma_wait3A_722 = arith.constant 0 : i32
    %dma_wait3A_723 = tpu.memref_slice %arg5[%dma_wait3A_715, %mul3A_2, %dma_wait3A_722] : memref<16x2048x128xf32, #tpu.memory_space<hbm>> -> memref<1x64x128xf32, #tpu.memory_space<hbm>>
    %dma_wait3A_724 = tpu.memref_squeeze %dma_wait3A_723 : memref<1x64x128xf32, #tpu.memory_space<hbm>> -> memref<64x128xf32, #tpu.memory_space<hbm>>
    %dma_wait3A_725 = arith.constant 64 : i32
    %dma_wait3A_726 = arith.constant 0 : i32
    %dma_wait3A_727 = tpu.memref_slice %arg11[%dma_wait3A_725, %dma_wait3A_726] : memref<128x128xf32, #tpu.memory_space<vmem>> -> memref<64x128xf32, #tpu.memory_space<vmem>>
    tpu.wait_dma2 semaphore(%arg25 : memref<!tpu.dma_semaphore, #tpu.memory_space<semaphore_mem>>) src(%dma_wait3A_727 : memref<64x128xf32, #tpu.memory_space<vmem>>) dst(%dma_wait3A_724 : memref<64x128xf32, #tpu.memory_space<hbm>>)
    %dma_wait3A_728 = arith.constant 8 : i32
    %dma_wait3A_729 = arith.constant 0 : i32
    %dma_wait3A_730 = arith.constant 0 : i32
    %dma_wait3A_731 = tpu.memref_slice %arg12[%dma_wait3A_729, %dma_wait3A_730] : memref<128x128xf32, #tpu.memory_space<vmem>> -> memref<64x128xf32, #tpu.memory_space<vmem>>
    %dma_wait3A_732 = arith.constant 0 : i32
    %dma_wait3A_733 = tpu.memref_slice %arg5[%dma_wait3A_728, %mul3A_2, %dma_wait3A_732] : memref<16x2048x128xf32, #tpu.memory_space<hbm>> -> memref<1x64x128xf32, #tpu.memory_space<hbm>>
    %dma_wait3A_734 = tpu.memref_squeeze %dma_wait3A_733 : memref<1x64x128xf32, #tpu.memory_space<hbm>> -> memref<64x128xf32, #tpu.memory_space<hbm>>
    %dma_wait3A_735 = arith.constant 0 : i32
    %dma_wait3A_736 = tpu.memref_slice %arg5[%dma_wait3A_728, %mul3A_2, %dma_wait3A_735] : memref<16x2048x128xf32, #tpu.memory_space<hbm>> -> memref<1x64x128xf32, #tpu.memory_space<hbm>>
    %dma_wait3A_737 = tpu.memref_squeeze %dma_wait3A_736 : memref<1x64x128xf32, #tpu.memory_space<hbm>> -> memref<64x128xf32, #tpu.memory_space<hbm>>
    %dma_wait3A_738 = arith.constant 0 : i32
    %dma_wait3A_739 = arith.constant 0 : i32
    %dma_wait3A_740 = tpu.memref_slice %arg12[%dma_wait3A_738, %dma_wait3A_739] : memref<128x128xf32, #tpu.memory_space<vmem>> -> memref<64x128xf32, #tpu.memory_space<vmem>>
    tpu.wait_dma2 semaphore(%arg26 : memref<!tpu.dma_semaphore, #tpu.memory_space<semaphore_mem>>) src(%dma_wait3A_740 : memref<64x128xf32, #tpu.memory_space<vmem>>) dst(%dma_wait3A_737 : memref<64x128xf32, #tpu.memory_space<hbm>>)
    %dma_wait3A_741 = arith.constant 9 : i32
    %dma_wait3A_742 = arith.constant 64 : i32
    %dma_wait3A_743 = arith.constant 0 : i32
    %dma_wait3A_744 = tpu.memref_slice %arg12[%dma_wait3A_742, %dma_wait3A_743] : memref<128x128xf32, #tpu.memory_space<vmem>> -> memref<64x128xf32, #tpu.memory_space<vmem>>
    %dma_wait3A_745 = arith.constant 0 : i32
    %dma_wait3A_746 = tpu.memref_slice %arg5[%dma_wait3A_741, %mul3A_2, %dma_wait3A_745] : memref<16x2048x128xf32, #tpu.memory_space<hbm>> -> memref<1x64x128xf32, #tpu.memory_space<hbm>>
    %dma_wait3A_747 = tpu.memref_squeeze %dma_wait3A_746 : memref<1x64x128xf32, #tpu.memory_space<hbm>> -> memref<64x128xf32, #tpu.memory_space<hbm>>
    %dma_wait3A_748 = arith.constant 0 : i32
    %dma_wait3A_749 = tpu.memref_slice %arg5[%dma_wait3A_741, %mul3A_2, %dma_wait3A_748] : memref<16x2048x128xf32, #tpu.memory_space<hbm>> -> memref<1x64x128xf32, #tpu.memory_space<hbm>>
    %dma_wait3A_750 = tpu.memref_squeeze %dma_wait3A_749 : memref<1x64x128xf32, #tpu.memory_space<hbm>> -> memref<64x128xf32, #tpu.memory_space<hbm>>
    %dma_wait3A_751 = arith.constant 64 : i32
    %dma_wait3A_752 = arith.constant 0 : i32
    %dma_wait3A_753 = tpu.memref_slice %arg12[%dma_wait3A_751, %dma_wait3A_752] : memref<128x128xf32, #tpu.memory_space<vmem>> -> memref<64x128xf32, #tpu.memory_space<vmem>>
    tpu.wait_dma2 semaphore(%arg26 : memref<!tpu.dma_semaphore, #tpu.memory_space<semaphore_mem>>) src(%dma_wait3A_753 : memref<64x128xf32, #tpu.memory_space<vmem>>) dst(%dma_wait3A_750 : memref<64x128xf32, #tpu.memory_space<hbm>>)
    %dma_wait3A_754 = arith.constant 10 : i32
    %dma_wait3A_755 = arith.constant 0 : i32
    %dma_wait3A_756 = arith.constant 0 : i32
    %dma_wait3A_757 = tpu.memref_slice %arg13[%dma_wait3A_755, %dma_wait3A_756] : memref<128x128xf32, #tpu.memory_space<vmem>> -> memref<64x128xf32, #tpu.memory_space<vmem>>
    %dma_wait3A_758 = arith.constant 0 : i32
    %dma_wait3A_759 = tpu.memref_slice %arg5[%dma_wait3A_754, %mul3A_2, %dma_wait3A_758] : memref<16x2048x128xf32, #tpu.memory_space<hbm>> -> memref<1x64x128xf32, #tpu.memory_space<hbm>>
    %dma_wait3A_760 = tpu.memref_squeeze %dma_wait3A_759 : memref<1x64x128xf32, #tpu.memory_space<hbm>> -> memref<64x128xf32, #tpu.memory_space<hbm>>
    %dma_wait3A_761 = arith.constant 0 : i32
    %dma_wait3A_762 = tpu.memref_slice %arg5[%dma_wait3A_754, %mul3A_2, %dma_wait3A_761] : memref<16x2048x128xf32, #tpu.memory_space<hbm>> -> memref<1x64x128xf32, #tpu.memory_space<hbm>>
    %dma_wait3A_763 = tpu.memref_squeeze %dma_wait3A_762 : memref<1x64x128xf32, #tpu.memory_space<hbm>> -> memref<64x128xf32, #tpu.memory_space<hbm>>
    %dma_wait3A_764 = arith.constant 0 : i32
    %dma_wait3A_765 = arith.constant 0 : i32
    %dma_wait3A_766 = tpu.memref_slice %arg13[%dma_wait3A_764, %dma_wait3A_765] : memref<128x128xf32, #tpu.memory_space<vmem>> -> memref<64x128xf32, #tpu.memory_space<vmem>>
    tpu.wait_dma2 semaphore(%arg27 : memref<!tpu.dma_semaphore, #tpu.memory_space<semaphore_mem>>) src(%dma_wait3A_766 : memref<64x128xf32, #tpu.memory_space<vmem>>) dst(%dma_wait3A_763 : memref<64x128xf32, #tpu.memory_space<hbm>>)
    %dma_wait3A_767 = arith.constant 11 : i32
    %dma_wait3A_768 = arith.constant 64 : i32
    %dma_wait3A_769 = arith.constant 0 : i32
    %dma_wait3A_770 = tpu.memref_slice %arg13[%dma_wait3A_768, %dma_wait3A_769] : memref<128x128xf32, #tpu.memory_space<vmem>> -> memref<64x128xf32, #tpu.memory_space<vmem>>
    %dma_wait3A_771 = arith.constant 0 : i32
    %dma_wait3A_772 = tpu.memref_slice %arg5[%dma_wait3A_767, %mul3A_2, %dma_wait3A_771] : memref<16x2048x128xf32, #tpu.memory_space<hbm>> -> memref<1x64x128xf32, #tpu.memory_space<hbm>>
    %dma_wait3A_773 = tpu.memref_squeeze %dma_wait3A_772 : memref<1x64x128xf32, #tpu.memory_space<hbm>> -> memref<64x128xf32, #tpu.memory_space<hbm>>
    %dma_wait3A_774 = arith.constant 0 : i32
    %dma_wait3A_775 = tpu.memref_slice %arg5[%dma_wait3A_767, %mul3A_2, %dma_wait3A_774] : memref<16x2048x128xf32, #tpu.memory_space<hbm>> -> memref<1x64x128xf32, #tpu.memory_space<hbm>>
    %dma_wait3A_776 = tpu.memref_squeeze %dma_wait3A_775 : memref<1x64x128xf32, #tpu.memory_space<hbm>> -> memref<64x128xf32, #tpu.memory_space<hbm>>
    %dma_wait3A_777 = arith.constant 64 : i32
    %dma_wait3A_778 = arith.constant 0 : i32
    %dma_wait3A_779 = tpu.memref_slice %arg13[%dma_wait3A_777, %dma_wait3A_778] : memref<128x128xf32, #tpu.memory_space<vmem>> -> memref<64x128xf32, #tpu.memory_space<vmem>>
    tpu.wait_dma2 semaphore(%arg27 : memref<!tpu.dma_semaphore, #tpu.memory_space<semaphore_mem>>) src(%dma_wait3A_779 : memref<64x128xf32, #tpu.memory_space<vmem>>) dst(%dma_wait3A_776 : memref<64x128xf32, #tpu.memory_space<hbm>>)
    %dma_wait3A_780 = arith.constant 12 : i32
    %dma_wait3A_781 = arith.constant 0 : i32
    %dma_wait3A_782 = arith.constant 0 : i32
    %dma_wait3A_783 = tpu.memref_slice %arg14[%dma_wait3A_781, %dma_wait3A_782] : memref<128x128xf32, #tpu.memory_space<vmem>> -> memref<64x128xf32, #tpu.memory_space<vmem>>
    %dma_wait3A_784 = arith.constant 0 : i32
    %dma_wait3A_785 = tpu.memref_slice %arg5[%dma_wait3A_780, %mul3A_2, %dma_wait3A_784] : memref<16x2048x128xf32, #tpu.memory_space<hbm>> -> memref<1x64x128xf32, #tpu.memory_space<hbm>>
    %dma_wait3A_786 = tpu.memref_squeeze %dma_wait3A_785 : memref<1x64x128xf32, #tpu.memory_space<hbm>> -> memref<64x128xf32, #tpu.memory_space<hbm>>
    %dma_wait3A_787 = arith.constant 0 : i32
    %dma_wait3A_788 = tpu.memref_slice %arg5[%dma_wait3A_780, %mul3A_2, %dma_wait3A_787] : memref<16x2048x128xf32, #tpu.memory_space<hbm>> -> memref<1x64x128xf32, #tpu.memory_space<hbm>>
    %dma_wait3A_789 = tpu.memref_squeeze %dma_wait3A_788 : memref<1x64x128xf32, #tpu.memory_space<hbm>> -> memref<64x128xf32, #tpu.memory_space<hbm>>
    %dma_wait3A_790 = arith.constant 0 : i32
    %dma_wait3A_791 = arith.constant 0 : i32
    %dma_wait3A_792 = tpu.memref_slice %arg14[%dma_wait3A_790, %dma_wait3A_791] : memref<128x128xf32, #tpu.memory_space<vmem>> -> memref<64x128xf32, #tpu.memory_space<vmem>>
    tpu.wait_dma2 semaphore(%arg28 : memref<!tpu.dma_semaphore, #tpu.memory_space<semaphore_mem>>) src(%dma_wait3A_792 : memref<64x128xf32, #tpu.memory_space<vmem>>) dst(%dma_wait3A_789 : memref<64x128xf32, #tpu.memory_space<hbm>>)
    %dma_wait3A_793 = arith.constant 13 : i32
    %dma_wait3A_794 = arith.constant 64 : i32
    %dma_wait3A_795 = arith.constant 0 : i32
    %dma_wait3A_796 = tpu.memref_slice %arg14[%dma_wait3A_794, %dma_wait3A_795] : memref<128x128xf32, #tpu.memory_space<vmem>> -> memref<64x128xf32, #tpu.memory_space<vmem>>
    %dma_wait3A_797 = arith.constant 0 : i32
    %dma_wait3A_798 = tpu.memref_slice %arg5[%dma_wait3A_793, %mul3A_2, %dma_wait3A_797] : memref<16x2048x128xf32, #tpu.memory_space<hbm>> -> memref<1x64x128xf32, #tpu.memory_space<hbm>>
    %dma_wait3A_799 = tpu.memref_squeeze %dma_wait3A_798 : memref<1x64x128xf32, #tpu.memory_space<hbm>> -> memref<64x128xf32, #tpu.memory_space<hbm>>
    %dma_wait3A_800 = arith.constant 0 : i32
    %dma_wait3A_801 = tpu.memref_slice %arg5[%dma_wait3A_793, %mul3A_2, %dma_wait3A_800] : memref<16x2048x128xf32, #tpu.memory_space<hbm>> -> memref<1x64x128xf32, #tpu.memory_space<hbm>>
    %dma_wait3A_802 = tpu.memref_squeeze %dma_wait3A_801 : memref<1x64x128xf32, #tpu.memory_space<hbm>> -> memref<64x128xf32, #tpu.memory_space<hbm>>
    %dma_wait3A_803 = arith.constant 64 : i32
    %dma_wait3A_804 = arith.constant 0 : i32
    %dma_wait3A_805 = tpu.memref_slice %arg14[%dma_wait3A_803, %dma_wait3A_804] : memref<128x128xf32, #tpu.memory_space<vmem>> -> memref<64x128xf32, #tpu.memory_space<vmem>>
    tpu.wait_dma2 semaphore(%arg28 : memref<!tpu.dma_semaphore, #tpu.memory_space<semaphore_mem>>) src(%dma_wait3A_805 : memref<64x128xf32, #tpu.memory_space<vmem>>) dst(%dma_wait3A_802 : memref<64x128xf32, #tpu.memory_space<hbm>>)
    %dma_wait3A_806 = arith.constant 14 : i32
    %dma_wait3A_807 = arith.constant 0 : i32
    %dma_wait3A_808 = arith.constant 0 : i32
    %dma_wait3A_809 = tpu.memref_slice %arg8[%dma_wait3A_807, %dma_wait3A_808] : memref<128x128xf32, #tpu.memory_space<vmem>> -> memref<64x128xf32, #tpu.memory_space<vmem>>
    %dma_wait3A_810 = arith.constant 0 : i32
    %dma_wait3A_811 = tpu.memref_slice %arg5[%dma_wait3A_806, %mul3A_2, %dma_wait3A_810] : memref<16x2048x128xf32, #tpu.memory_space<hbm>> -> memref<1x64x128xf32, #tpu.memory_space<hbm>>
    %dma_wait3A_812 = tpu.memref_squeeze %dma_wait3A_811 : memref<1x64x128xf32, #tpu.memory_space<hbm>> -> memref<64x128xf32, #tpu.memory_space<hbm>>
    %dma_wait3A_813 = arith.constant 0 : i32
    %dma_wait3A_814 = tpu.memref_slice %arg5[%dma_wait3A_806, %mul3A_2, %dma_wait3A_813] : memref<16x2048x128xf32, #tpu.memory_space<hbm>> -> memref<1x64x128xf32, #tpu.memory_space<hbm>>
    %dma_wait3A_815 = tpu.memref_squeeze %dma_wait3A_814 : memref<1x64x128xf32, #tpu.memory_space<hbm>> -> memref<64x128xf32, #tpu.memory_space<hbm>>
    %dma_wait3A_816 = arith.constant 0 : i32
    %dma_wait3A_817 = arith.constant 0 : i32
    %dma_wait3A_818 = tpu.memref_slice %arg8[%dma_wait3A_816, %dma_wait3A_817] : memref<128x128xf32, #tpu.memory_space<vmem>> -> memref<64x128xf32, #tpu.memory_space<vmem>>
    tpu.wait_dma2 semaphore(%arg22 : memref<!tpu.dma_semaphore, #tpu.memory_space<semaphore_mem>>) src(%dma_wait3A_818 : memref<64x128xf32, #tpu.memory_space<vmem>>) dst(%dma_wait3A_815 : memref<64x128xf32, #tpu.memory_space<hbm>>)
    %dma_wait3A_819 = arith.constant 15 : i32
    %dma_wait3A_820 = arith.constant 64 : i32
    %dma_wait3A_821 = arith.constant 0 : i32
    %dma_wait3A_822 = tpu.memref_slice %arg8[%dma_wait3A_820, %dma_wait3A_821] : memref<128x128xf32, #tpu.memory_space<vmem>> -> memref<64x128xf32, #tpu.memory_space<vmem>>
    %dma_wait3A_823 = arith.constant 0 : i32
    %dma_wait3A_824 = tpu.memref_slice %arg5[%dma_wait3A_819, %mul3A_2, %dma_wait3A_823] : memref<16x2048x128xf32, #tpu.memory_space<hbm>> -> memref<1x64x128xf32, #tpu.memory_space<hbm>>
    %dma_wait3A_825 = tpu.memref_squeeze %dma_wait3A_824 : memref<1x64x128xf32, #tpu.memory_space<hbm>> -> memref<64x128xf32, #tpu.memory_space<hbm>>
    %dma_wait3A_826 = arith.constant 0 : i32
    %dma_wait3A_827 = tpu.memref_slice %arg5[%dma_wait3A_819, %mul3A_2, %dma_wait3A_826] : memref<16x2048x128xf32, #tpu.memory_space<hbm>> -> memref<1x64x128xf32, #tpu.memory_space<hbm>>
    %dma_wait3A_828 = tpu.memref_squeeze %dma_wait3A_827 : memref<1x64x128xf32, #tpu.memory_space<hbm>> -> memref<64x128xf32, #tpu.memory_space<hbm>>
    %dma_wait3A_829 = arith.constant 64 : i32
    %dma_wait3A_830 = arith.constant 0 : i32
    %dma_wait3A_831 = tpu.memref_slice %arg8[%dma_wait3A_829, %dma_wait3A_830] : memref<128x128xf32, #tpu.memory_space<vmem>> -> memref<64x128xf32, #tpu.memory_space<vmem>>
    tpu.wait_dma2 semaphore(%arg22 : memref<!tpu.dma_semaphore, #tpu.memory_space<semaphore_mem>>) src(%dma_wait3A_831 : memref<64x128xf32, #tpu.memory_space<vmem>>) dst(%dma_wait3A_828 : memref<64x128xf32, #tpu.memory_space<hbm>>)
    return
  }
}

</mosaic_0001>

<sc_bundles>
// kernel: kernel.3.cloned.1.call-start
scs
__scs_entry_jumppad:
0x0: {  	(pc) =	sbr.rel $0x88, $3  }
0x1: {  	(tag) =	ssettag $0x0;
	lr =	simm.s32 $0x1  }
0x2: {  	[smem:$0x3F9E] =	sst lr;
	_ =	strace $0xD0000000  }
0x3: {  	_ = 	snop  }
0x4: {  	_ = 	snop  }
0x5: {  	_ = 	snop  }
0x6: {  	_ = 	snop  }
0x7: {  	_ = 	snop  }
__scs_overlays_trampoline_lowered:
0x8: {  	[smem:$0x3FAD] =	sst s0  }
0x9: {  	[smem:$0x3FAE] =	sst s1  }
0xa: {  	[smem:$0x3FAF] =	sst s2  }
0xb: {  	[smem:$0x3FB0] =	sst s3  }
0xc: {  	[smem:$0x3FB1] =	sst s4  }
0xd: {  	[smem:$0x3FB2] =	sst s5  }
0xe: {  	[smem:$0x3FB3] =	sst s6  }
0xf: {  	[smem:$0x3FB4] =	sst s7  }
0x10: {  	[smem:$0x3FB5] =	sst s8  }
0x11: {  	[smem:$0x3FB6] =	sst s9;
	s0 =	simm.s32 @!p0 $0x0  }
0x12: {  	s1 =	sld [smem:$0x3F9C];
	s0 =	simm.s32 @p0 $0x1  }
0x13: {  	[smem:$0x3FB7] =	sst s0;
	s0 =	simm.s32 @!p1 $0x0  }
0x14: {  	s2 =	sld [smem:$0x3F9B];
	s0 =	simm.s32 @p1 $0x1  }
0x15: {  	[smem:$0x3FB8] =	sst s0;
	s0 =	simm.s32 @!p2 $0x0  }
0x16: {  	s3 =	sld [smem:$0x3FDB];
	s0 =	simm.s32 @p2 $0x1  }
0x17: {  	s4 =	simm.s32 $0x1BF5;
	[smem:$0x3FBA] =	sst s0  }
0x18: {  	s0 =	sld [smem:$0x3F9D];
	_ =	swait.ge [sflag:s4], $0x0  }
0x19: {  	s7 =	sld [smem:$0x3F9E]  }
0x1a: {  	s8 =	sadd.s32 $0xFFFFE003, lr  }
0x1b: {  	s9 =	sadd.s32 $0xFFFFFEF7, lr;
	s5 =	simm.s32 $0xFFFFFFFF;
	p2 =	slt.u32 s8, $0xFFFFF086  }
0x1c: {  	p1 =	slt.u32 s9, $0xF7A;
	s5 =	simm.s32 @!p2 $0x0  }
0x1d: {  	s5 =	simm.s32 @p1 $0x1;
	p0 =	seq.s32 s7, s2  }
0x1e: {  	s7 =	smul.u32 @!p0 $0xF7A, s2;
	p2 =	seq.s32 @!p0 s5, $0x0  }
0x1f: {  	s9 =	smul.u32 $0xF7A, s1;
	s8 =	simm.s32 @!p0 $0x1BF5;
	p2 =	por !p2, p0  }
0x20: {  	[sflag:s8] =	ssyncset.s32 @!p0 $0xFFFFF086;
	s6 =	sadd.s32 @!p0 s3, s7;
	s7 =	simm.s32 @!p0 $0x108  }
0x21: {  	s3 =	sadd.s32 s3, s9;
	s6 =	sadd.s32 @!p0 $0x88, s6;
	s7 =	simm.s32 @p2 $0x1082  }
0x22: {  	[simem:s7], [sflag:s8] =	dma.local @!p0 [hbm:s6], $0xF7A  }
0x23: {  	s9 =	sor.u32 $0xD0000000, s2;
	s6 =	simm.s32 $0x108;
	_ =	swait.ge @!p0 [sflag:s8], $0x0  }
0x24: {  	s3 =	sadd.s32 $0x88, s3;
	s6 =	simm.s32 @!p1 $0x1082;
	[sflag:s4] =	ssyncset.s32 $0xFFFFF086  }
0x25: {  	[simem:s6], [sflag:s4] =	dma.local [hbm:s3], $0xF7A  }
0x26: {  	[smem:$0x3F9E] =	sst s1;
	(tag) =	ssettag s2;
	_ =	strace s9  }
0x27: {  	s1 =	sld [smem:$0x3FAE]  }
0x28: {  	s2 =	sld [smem:$0x3FAF]  }
0x29: {  	s4 =	sld [smem:$0x3FB1]  }
0x2a: {  	p0 =	seq.s32 s5, $0x0;
	s5 =	sld [smem:$0x3FB2]  }
0x2b: {  	s6 =	sld [smem:$0x3FB3]  }
0x2c: {  	s7 =	sld [smem:$0x3FB4]  }
0x2d: {  	s3 =	simm.s32 $0x108;
	s8 =	sld [smem:$0x3FB5]  }
0x2e: {  	s3 =	simm.s32 @!p0 $0x1082;
	s9 =	sld [smem:$0x3FB6]  }
0x2f: {  	lr =	sadd.s32 s0, s3;
	s0 =	sld [smem:$0x3FAD]  }
0x30: {  	s3 =	sld [smem:$0x3FB0]  }
0x31: {  	[smem:$0x3FB9] =	sst s10  }
0x32: {  	s10 =	sld [smem:$0x3FB7];
	_ =	sdelay $0x3  }
0x33: {  	p0 =	seq.s32 s10, $0x1;
	s10 =	sld [smem:$0x3FB9];
	_ =	sdelay $0x3  }
0x34: {  	[smem:$0x3FB9] =	sst s10  }
0x35: {  	s10 =	sld [smem:$0x3FB8];
	_ =	sdelay $0x3  }
0x36: {  	p1 =	seq.s32 s10, $0x1;
	s10 =	sld [smem:$0x3FB9];
	_ =	sdelay $0x3  }
0x37: {  	[smem:$0x3FB9] =	sst s10  }
0x38: {  	s10 =	sld [smem:$0x3FBA]  }
0x39: {  	_ = 	snop;
	(pc) =	sbr.ind lr, $3  }
0x3a: {  	_ = 	snop  }
0x3b: {  	_ = 	snop  }
0x3c: {  	p2 =	seq.s32 s10, $0x1;
	s10 =	sld [smem:$0x3FB9]  }
0x3d: {  	_ =	shalt  }
0x3e: {  	_ =	shalt  }
0x3f: {  	_ =	shalt  }
0x40: {  	_ =	shalt  }
0x41: {  	_ =	shalt  }
0x42: {  	_ =	shalt  }
0x43: {  	_ =	shalt  }
0x44: {  	_ =	shalt  }
0x45: {  	_ =	shalt  }
0x46: {  	_ =	shalt  }
0x47: {  	_ =	shalt  }
0x48: {  	_ =	shalt  }
0x49: {  	_ =	shalt  }
0x4a: {  	_ =	shalt  }
0x4b: {  	_ =	shalt  }
0x4c: {  	_ =	shalt  }
0x4d: {  	_ =	shalt  }
0x4e: {  	_ =	shalt  }
0x4f: {  	_ =	shalt  }
0x50: {  	_ =	shalt  }
0x51: {  	_ =	shalt  }
0x52: {  	_ =	shalt  }
0x53: {  	_ =	shalt  }
0x54: {  	_ =	shalt  }
0x55: {  	_ =	shalt  }
0x56: {  	_ =	shalt  }
0x57: {  	_ =	shalt  }
0x58: {  	_ =	shalt  }
0x59: {  	_ =	shalt  }
0x5a: {  	_ =	shalt  }
0x5b: {  	_ =	shalt  }
0x5c: {  	_ =	shalt  }
0x5d: {  	_ =	shalt  }
0x5e: {  	_ =	shalt  }
0x5f: {  	_ =	shalt  }
0x60: {  	_ =	shalt  }
0x61: {  	_ =	shalt  }
0x62: {  	_ =	shalt  }
0x63: {  	_ =	shalt  }
0x64: {  	_ =	shalt  }
0x65: {  	_ =	shalt  }
0x66: {  	_ =	shalt  }
0x67: {  	_ =	shalt  }
0x68: {  	_ =	shalt  }
0x69: {  	_ =	shalt  }
0x6a: {  	_ =	shalt  }
0x6b: {  	_ =	shalt  }
0x6c: {  	_ =	shalt  }
0x6d: {  	_ =	shalt  }
0x6e: {  	_ =	shalt  }
0x6f: {  	_ =	shalt  }
0x70: {  	_ =	shalt  }
0x71: {  	_ =	shalt  }
0x72: {  	_ =	shalt  }
0x73: {  	_ =	shalt  }
0x74: {  	_ =	shalt  }
0x75: {  	_ =	shalt  }
0x76: {  	_ =	shalt  }
0x77: {  	_ =	shalt  }
0x78: {  	_ =	shalt  }
0x79: {  	_ =	shalt  }
0x7a: {  	_ =	shalt  }
0x7b: {  	_ =	shalt  }
0x7c: {  	_ =	shalt  }
0x7d: {  	_ =	shalt  }
0x7e: {  	_ =	shalt  }
0x7f: {  	_ =	shalt  }
0x80: {  	_ =	shalt  }
0x81: {  	_ =	shalt  }
0x82: {  	_ =	shalt  }
0x83: {  	_ =	shalt  }
0x84: {  	_ =	shalt  }
0x85: {  	_ =	shalt  }
0x86: {  	_ =	shalt  }
0x87: {  	_ =	shalt  }
.Lfunc_end0:
.L_simem_size_0:
called_computation_lowered:
.L_overlay_start_0:
0x88: {  	s2 =	sld [smem:$0x3FD9]  }
0x89: {  	s3 =	sld [smem:$0x3FFE];
	_ =	sdelay $0x1  }
0x8a: {  	s1 =	srdreg.scid  }
0x8b: {  	s0 =	sand.u32 $0x1, s1  }
0x8c: {  	s18 =	sshll.u32 s0, $0xA;
	s2 =	sadd.s32 s3, s2  }
0x8d: {  	s2 =	sadd.s32 s2, s18  }
0x8e: {  	[smem:$0x3FC5] =	sst s2  }
0x8f: {  	_ = 	snop  }
0x90: {  	s2 =	sld [smem:$0x3FC9]  }
0x91: {  	s19 =	sld [smem:$0x3FC8]  }
0x92: {  	s4 =	sld [smem:$0x3FC7]  }
0x93: {  	s5 =	sld [smem:$0x3FD0];
	(tm) =	ssettm $0x1  }
0x94: {  	s6 =	sld [smem:$0x3FFB];
	_ =	sdelay $0x3  }
0x95: {  	_ =	strace s6  }
0x96: {  	s6 =	sld [smem:$0x3FFC];
	_ =	sdelay $0x3  }
0x97: {  	_ =	strace s6  }
0x98: {  	s6 =	sld [smem:$0x3FFD];
	_ =	sdelay $0x3  }
0x99: {  	_ =	strace s6  }
0x9a: {  	_ =	strace $0x8FFFFFFF  }
0x9b: {  	s20 =	sld [smem:$0x3FDB];
	_ =	sdelay $0x1  }
0x9c: {  	s7 =	simm.s32 $_scs_section_size  }
0x9d: {  	s8 =	simm.s32 $_size__tile_overlayer_lowered;
	s9 =	simm.s32 $_tile_overlayer_lowered  }
0x9e: {  	s23 =	simm.s32 $0x1BFF;
	s22 =	sshll.u32 s9, $0x1;
	s6 =	sadd.s32 s7, s20  }
0x9f: {  	s10 =	simm.s32 $0x0;
	s21 =	sshll.u32 s8, $0x1;
	s8 =	sadd.s32 s22, s6  }
0xa0: {  	[timem:s10], [sflag:s23] =	dma.local [hbm:s8], s21  }
0xa1: {  	_ =	swait.ge [sflag:s23], s21  }
0xa2: {  	s7 =	ssub.s32 $0x0, s21;
	[sflag:s23] =	ssyncset.done $0x0  }
0xa3: {  	[sflag:s23] =	ssyncadd.s32 s7;
	_ =	sdelay $0x1  }
0xa4: {  	s24 =	simm.s32 $0x1B8B  }
0xa5: {  	_ =	swait.ge [sflag:s24], $0x1  }
0xa6: {  	[sflag:s24] =	ssyncset.done $0x0  }
0xa7: {  	s25 =	simm.s32 $0x1B8E;
	[sflag:s24] =	ssyncadd.s32 $0xFFFFFFFF  }
0xa8: {  	s26 =	simm.s32 $execute0_lowered;
	[smem:$0x3FD2] =	sst s25  }
0xa9: {  	s7 =	sshll.u32 s26, $0x1;
	_ =	strace $0x80000046;
	[dreg:$0x1] =	wrdreg $0xFFFFFFFF  }
0xaa: {  	s28 =	simm.s32 $_size_execute0_lowered;
	s6 =	sadd.s32 s6, s7;
	[dreg:$0x0] =	wrdreg $0x0  }
0xab: {  	s7 =	sshll.u32 s28, $0x1;
	[dreg:$0x2] =	wrdreg s6  }
0xac: {  	[dreg:$0x3] =	wrdreg s7  }
0xad: {  	[dreg:$0x4] =	wrdreg $0xC0  }
0xae: {  	_ =	task [dreg:s10], $0x5FFFF  }
0xaf: {  	[dreg:$0x1] =	wrdreg $0xFFFFFFFF  }
0xb0: {  	[dreg:$0x0] =	wrdreg $0x60  }
0xb1: {  	[dreg:$0x2] =	wrdreg s2  }
0xb2: {  	[dreg:$0x3] =	wrdreg s19  }
0xb3: {  	[dreg:$0x4] =	wrdreg s4  }
0xb4: {  	[dreg:$0x5] =	wrdreg s5  }
0xb5: {  	[dreg:$0x6] =	wrdreg $0x9  }
0xb6: {  	_ =	task.clear_ibuf [dreg:s10], $0x7FFFF;
	_ =	strace $0x90000046  }
0xb7: {  	s29 =	simm.s32 $0x9;
	_ =	strace $0x80000048  }
0xb8: {  	_ =	swait.ge [sflag:s29], $0x1  }
0xb9: {  	[sflag:s29] =	ssyncadd.s32 $0xFFFFFFFF  }
0xba: {  	_ =	strace $0x90000048  }
0xbb: {  	_ =	sfence  }
0xbc: {  	s30 =	sld [smem:$0x0];
	_ =	sdelay $0x2  }
0xbd: {  	s31 =	sshll.u32 s1, $0xD;
	s1 =	sshrl.u32 s1, $0x2  }
0xbe: {  	s3 =	sand.u32 $0x4000, s31;
	s1 =	sadd.s32 s1, s30  }
0xbf: {  	s0 =	sor.u32 s3, s0;
	s1 =	sshll.u32 s1, $0x11  }
0xc0: {  	s0 =	sor.u32 s1, s0  }
0xc1: {  	s0 =	sadd.s32 $0x8F2B, s0  }
0xc2: {  	[sflag:s0] =	ssyncadd.remote.s32 $0x1  }
0xc3: {  	_ =	sfence.sel $0xFFFF  }
0xc4: {  	[dreg:$0x0] =	wrdreg $0xFFFFFFFF;
	(pc) =	sbr.abs _section_cstart, $3  }
0xc5: {  	[dreg:$0x1] =	wrdreg $0xFFFFFFFF  }
0xc6: {  	_ =	task.clear_ibuf [dreg:s10], $0x2FFFF;
	_ =	strace $0x9FFFFFFF  }
0xc7: {  	(tm) =	ssettm $0x7FFFFFFF  }
tec
execute0_lowered:
.L_overlay_start_1:
0x0: {  	(tag) =	ssettag $0x1  }
0x1: {  	s0 =	rddreg [dreg:$0x0]  }
0x2: {  	s1 =	rddreg [dreg:$0x1]  }
0x3: {  	s2 =	rddreg [dreg:$0x2]  }
0x4: {  	s5 =	rddreg [dreg:$0x3];
	s3 =	simm.s32 $0x0;
	s4 =	srdreg.scid  }
0x5: {  	s10 =	stileid.u32;
	[smem:$0x7FF] =	sst s3;
	s4 =	sand.u32 $0x1, s4  }
0x6: {  	s8 =	sshll.u32 s10, $0xA;
	s6 =	ssub.s32 $0x2, s4;
	s7 =	sshll.u32 s4, $0x6  }
0x7: {  	s10 =	sshll.u32 s10, $0x7;
	s9 =	sshrl.u32 s6, $0x1;
	s8 =	sor.u32 s7, s8  }
0x8: {  	_ =	strace $0x80000047;
	s8 =	sshrl.u32 s8, $0x3;
	s6 =	ssub.s32 s6, s9  }
0x9: {  	s16 =	sshll.u32 s4, $0x3;
	s4 =	sadd.s32 s0, s8;
	s15 =	smax.u32 s6, $0x1  }
0xa: {  	s7 =	sor.u32 s7, s10;
	s18 =	sadd.s32 $0x10, s4;
	[dreg:$0x18] =	wrdreg s15  }
0xb: {  	s17 =	sor.u32 s16, s7;
	s19 =	sadd.s32 $0x20, s4;
	[dreg:$0x5] =	wrdreg s18  }
0xc: {  	s20 =	sor.u32 $0x40, s17;
	s21 =	sadd.s32 $0x30, s4;
	[dreg:$0x6] =	wrdreg s19  }
0xd: {  	s9 =	sadd.s32 s0, s20;
	[dreg:$0x7] =	wrdreg s21  }
0xe: {  	s24 =	sadd.s32 $0x800, s4;
	[dreg:$0x8] =	wrdreg s9  }
0xf: {  	s25 =	sadd.s32 $0x810, s4;
	[dreg:$0xc] =	wrdreg s24  }
0x10: {  	s26 =	sadd.s32 $0x820, s4;
	[dreg:$0xd] =	wrdreg s25  }
0x11: {  	s28 =	sadd.s32 $0x830, s4;
	[dreg:$0xe] =	wrdreg s26  }
0x12: {  	s29 =	sadd.s32 $0x840, s4;
	[dreg:$0xf] =	wrdreg s28  }
0x13: {  	s10 =	sadd.s32 $0x860, s4;
	[dreg:$0x10] =	wrdreg s29  }
0x14: {  	s22 =	sor.u32 $0x50, s17;
	s11 =	sadd.s32 $0x870, s4;
	[dreg:$0x12] =	wrdreg s10  }
0x15: {  	s23 =	sor.u32 $0x60, s17;
	s9 =	sadd.s32 s0, s22;
	[dreg:$0x13] =	wrdreg s11  }
0x16: {  	s8 =	sor.u32 $0x70, s17;
	[dreg:$0x9] =	wrdreg s9;
	s9 =	sadd.s32 s0, s23  }
0x17: {  	s0 =	sadd.s32 s0, s8;
	[dreg:$0xa] =	wrdreg s9  }
0x18: {  	s8 =	sadd.s32 $0x850, s4;
	[dreg:$0xb] =	wrdreg s0;
	s9 =	sshll.u32 s7, $0x4  }
0x19: {  	[dreg:$0x11] =	wrdreg s8;
	s20 =	sadd.s32 s5, s9;
	s0 =	sadd.s32 s2, s9  }
0x1a: {  	[dreg:$0x14] =	wrdreg s0;
	s12 =	sadd.s32 $0x8000, s20  }
0x1b: {  	s13 =	sadd.s32 $0x10000, s20;
	[dreg:$0x15] =	wrdreg s12  }
0x1c: {  	s14 =	sadd.s32 $0x18000, s20;
	[dreg:$0x16] =	wrdreg s13  }
0x1d: {  	s16 =	sadd.s32 $0x20000, s20;
	[dreg:$0x17] =	wrdreg s14  }
0x1e: {  	s17 =	sadd.s32 $0x28000, s20;
	[dreg:$0x19] =	wrdreg s16  }
0x1f: {  	s30 =	simm.s32 $0x3;
	s18 =	sadd.s32 $0x30000, s20;
	[dreg:$0x1a] =	wrdreg s17  }
0x20: {  	s31 =	simm.s32 $0x5;
	s19 =	sadd.s32 $0x38000, s20;
	[dreg:$0x1b] =	wrdreg s18  }
0x21: {  	s6 =	simm.s32 $0xC;
	s21 =	sadd.s32 $0x40000, s20;
	[dreg:$0x1c] =	wrdreg s19  }
0x22: {  	s15 =	simm.s32 $0xE;
	s22 =	sadd.s32 $0x48000, s20;
	[dreg:$0x1d] =	wrdreg s21  }
0x23: {  	s10 =	simm.s32 $0x80;
	s23 =	sadd.s32 $0x50000, s20;
	[dreg:$0x1e] =	wrdreg s22  }
0x24: {  	s11 =	simm.s32 $0x2;
	s24 =	sadd.s32 $0x58000, s20;
	[dreg:$0x1f] =	wrdreg s23  }
0x25: {  	s7 =	simm.s32 $0xD;
	s25 =	sadd.s32 $0x60000, s20;
	[smem:$0x7F9] =	sst s24  }
0x26: {  	s8 =	simm.s32 $0x0;
	s26 =	sadd.s32 $0x68000, s20;
	[smem:$0x7FA] =	sst s25  }
0x27: {  	s2 =	simm.s32 $0x9;
	s28 =	sadd.s32 $0x70000, s20;
	[smem:$0x7FB] =	sst s26  }
0x28: {  	s5 =	simm.s32 $0xA;
	s29 =	sadd.s32 $0x78000, s20;
	[smem:$0x7FC] =	sst s28  }
0x29: {  	s0 =	simm.s32 $0x6;
	[smem:$0x7FD] =	sst s29;
	s17 =	simm.s32 $0xF  }
0x2a: {  	s18 =	simm.s32 $0x8;
	s19 =	simm.s32 $0x2400;
	s25 =	simm.s32 $0x1  }
0x2b: {  	s12 =	simm.s32 $0x4;
	s13 =	simm.s32 $0x7;
	s14 =	simm.s32 $0xB  }
.LBB2_1:
0x2c: {  	[tilespmem:s3], [sflag:$0x8] =	stream.linear.gather [hbm4b:s4+s3], $0x40, $0x38;
	[tilespmem:$0x1E400] =	vst v63  }
0x2d: {  	s9 =	rddreg [dreg:$0x5];
	s16 =	simm.s32 $0x40  }
0x2e: {  	[tilespmem:s16], [sflag:$0x8] =	stream.linear.gather [hbm4b:s9+s3], $0x40, $0x38;
	[tilespmem:$0x1E400] =	vst v63  }
0x2f: {  	s22 =	rddreg [dreg:$0x6]  }
0x30: {  	[tilespmem:s10], [sflag:$0x8] =	stream.linear.gather [hbm4b:s22+s3], $0x40, $0x38;
	[tilespmem:$0x1E400] =	vst v63  }
0x31: {  	s23 =	rddreg [dreg:$0x7];
	s24 =	simm.s32 $0xC0  }
0x32: {  	[tilespmem:s24], [sflag:$0x8] =	stream.linear.gather [hbm4b:s23+s3], $0x40, $0x38;
	[tilespmem:$0x1E400] =	vst v63  }
0x33: {  	s26 =	rddreg [dreg:$0x8];
	s16 =	simm.s32 $0x100  }
0x34: {  	[tilespmem:s16], [sflag:$0x8] =	stream.linear.gather [hbm4b:s26+s3], $0x40, $0x38;
	[tilespmem:$0x1E400] =	vst v63  }
0x35: {  	s29 =	rddreg [dreg:$0x9];
	s21 =	simm.s32 $0x140  }
0x36: {  	[tilespmem:s21], [sflag:$0x8] =	stream.linear.gather [hbm4b:s29+s3], $0x40, $0x38;
	[tilespmem:$0x1E400] =	vst v63  }
0x37: {  	s22 =	rddreg [dreg:$0xa];
	s21 =	simm.s32 $0x180  }
0x38: {  	[tilespmem:s21], [sflag:$0x8] =	stream.linear.gather [hbm4b:s22+s3], $0x40, $0x38;
	[tilespmem:$0x1E400] =	vst v63  }
0x39: {  	s23 =	rddreg [dreg:$0xb];
	s22 =	simm.s32 $0x1C0  }
0x3a: {  	[tilespmem:s22], [sflag:$0x8] =	stream.linear.gather [hbm4b:s23+s3], $0x40, $0x38;
	[tilespmem:$0x1E400] =	vst v63  }
0x3b: {  	s24 =	rddreg [dreg:$0xc];
	s22 =	simm.s32 $0x200  }
0x3c: {  	[tilespmem:s22], [sflag:$0x8] =	stream.linear.gather [hbm4b:s24+s3], $0x40, $0x38;
	[tilespmem:$0x1E400] =	vst v63  }
0x3d: {  	s26 =	rddreg [dreg:$0xd];
	s23 =	simm.s32 $0x240  }
0x3e: {  	[tilespmem:s23], [sflag:$0x8] =	stream.linear.gather [hbm4b:s26+s3], $0x40, $0x38;
	[tilespmem:$0x1E400] =	vst v63  }
0x3f: {  	s24 =	rddreg [dreg:$0xe];
	s23 =	simm.s32 $0x280  }
0x40: {  	[tilespmem:s23], [sflag:$0x8] =	stream.linear.gather [hbm4b:s24+s3], $0x40, $0x38;
	[tilespmem:$0x1E400] =	vst v63  }
0x41: {  	s26 =	rddreg [dreg:$0xf];
	s24 =	simm.s32 $0x2C0  }
0x42: {  	[tilespmem:s24], [sflag:$0x8] =	stream.linear.gather [hbm4b:s26+s3], $0x40, $0x38;
	[tilespmem:$0x1E400] =	vst v63  }
0x43: {  	s24 =	simm.s32 $0x300;
	s26 =	rddreg [dreg:$0x10]  }
0x44: {  	[tilespmem:s24], [sflag:$0x8] =	stream.linear.gather [hbm4b:s26+s3], $0x40, $0x38;
	[tilespmem:$0x1E400] =	vst v63  }
0x45: {  	s9 =	rddreg [dreg:$0x11];
	s26 =	simm.s32 $0x340  }
0x46: {  	[tilespmem:s26], [sflag:$0x8] =	stream.linear.gather [hbm4b:s9+s3], $0x40, $0x38;
	[tilespmem:$0x1E400] =	vst v63  }
0x47: {  	s26 =	simm.s32 $0x380;
	s9 =	rddreg [dreg:$0x12]  }
0x48: {  	[tilespmem:s26], [sflag:$0x8] =	stream.linear.gather [hbm4b:s9+s3], $0x40, $0x38;
	[tilespmem:$0x1E400] =	vst v63  }
0x49: {  	s28 =	simm.s32 $0x3C0;
	s9 =	rddreg [dreg:$0x13]  }
0x4a: {  	[tilespmem:s28], [sflag:$0x8] =	stream.linear.gather [hbm4b:s9+s3], $0x40, $0x38;
	[tilespmem:$0x1E400] =	vst v63  }
0x4b: {  	s9 =	rddreg [dreg:$0x14];
	s28 =	simm.s32 $0x400  }
0x4c: {  	[tilespmem:s28], [sflag:$0xF] =	stream.linear.gather [hbm4b:s9+s3], $0x2000, $0x38;
	[tilespmem:$0x1E400] =	vst v63  }
0x4d: {  	_ =	swait.ge [sflag:s17], $0x2000  }
0x4e: {  	[sflag:s17] =	ssyncset.done $0x0  }
0x4f: {  	[sflag:s17] =	ssyncadd.s32 $0xFFFFE000  }
0x50: {  	_ =	swait.ge [sflag:s18], $0x40  }
0x51: {  	[sflag:s18] =	ssyncset.done $0x0  }
0x52: {  	[sflag:s18] =	ssyncadd.s32 $0xFFFFFFC0  }
0x53: {  	_ =	swait.ge [sflag:s18], $0x40  }
0x54: {  	[sflag:s18] =	ssyncset.done $0x0  }
0x55: {  	[sflag:s18] =	ssyncadd.s32 $0xFFFFFFC0  }
0x56: {  	_ =	swait.ge [sflag:s18], $0x40  }
0x57: {  	[sflag:s18] =	ssyncset.done $0x0  }
0x58: {  	[sflag:s18] =	ssyncadd.s32 $0xFFFFFFC0  }
0x59: {  	_ =	swait.ge [sflag:s18], $0x40  }
0x5a: {  	[sflag:s18] =	ssyncset.done $0x0  }
0x5b: {  	[sflag:s18] =	ssyncadd.s32 $0xFFFFFFC0  }
0x5c: {  	_ =	swait.ge [sflag:s18], $0x40  }
0x5d: {  	[sflag:s18] =	ssyncset.done $0x0  }
0x5e: {  	[sflag:s18] =	ssyncadd.s32 $0xFFFFFFC0  }
0x5f: {  	_ =	swait.ge [sflag:s18], $0x40  }
0x60: {  	[sflag:s18] =	ssyncset.done $0x0  }
0x61: {  	[sflag:s18] =	ssyncadd.s32 $0xFFFFFFC0  }
0x62: {  	_ =	swait.ge [sflag:s18], $0x40  }
0x63: {  	[sflag:s18] =	ssyncset.done $0x0  }
0x64: {  	[sflag:s18] =	ssyncadd.s32 $0xFFFFFFC0  }
0x65: {  	_ =	swait.ge [sflag:s18], $0x40  }
0x66: {  	[sflag:s18] =	ssyncset.done $0x0  }
0x67: {  	[sflag:s18] =	ssyncadd.s32 $0xFFFFFFC0  }
0x68: {  	_ =	swait.ge [sflag:s18], $0x40  }
0x69: {  	[sflag:s18] =	ssyncset.done $0x0  }
0x6a: {  	[sflag:s18] =	ssyncadd.s32 $0xFFFFFFC0  }
0x6b: {  	_ =	swait.ge [sflag:s18], $0x40  }
0x6c: {  	[sflag:s18] =	ssyncset.done $0x0  }
0x6d: {  	[sflag:s18] =	ssyncadd.s32 $0xFFFFFFC0  }
0x6e: {  	_ =	swait.ge [sflag:s18], $0x40  }
0x6f: {  	[sflag:s18] =	ssyncset.done $0x0  }
0x70: {  	[sflag:s18] =	ssyncadd.s32 $0xFFFFFFC0  }
0x71: {  	_ =	swait.ge [sflag:s18], $0x40  }
0x72: {  	[sflag:s18] =	ssyncset.done $0x0  }
0x73: {  	[sflag:s18] =	ssyncadd.s32 $0xFFFFFFC0  }
0x74: {  	_ =	swait.ge [sflag:s18], $0x40  }
0x75: {  	[sflag:s18] =	ssyncset.done $0x0  }
0x76: {  	[sflag:s18] =	ssyncadd.s32 $0xFFFFFFC0  }
0x77: {  	_ =	swait.ge [sflag:s18], $0x40  }
0x78: {  	[sflag:s18] =	ssyncset.done $0x0  }
0x79: {  	[sflag:s18] =	ssyncadd.s32 $0xFFFFFFC0  }
0x7a: {  	_ =	swait.ge [sflag:s18], $0x40  }
0x7b: {  	[sflag:s18] =	ssyncset.done $0x0  }
0x7c: {  	[sflag:s18] =	ssyncadd.s32 $0xFFFFFFC0  }
0x7d: {  	_ =	swait.ge [sflag:s18], $0x40  }
0x7e: {  	[sflag:s18] =	ssyncset.done $0x0  }
0x7f: {  	[sflag:s18] =	ssyncadd.s32 $0xFFFFFFC0  }
0x80: {  	[tilespmem:s19], [sflag:$0x1] =	stream.indirect.gather [hbm4b:s1+s10], $0x80, s3, s10, $0xb8;
	[tilespmem:$0x1E400] =	vst v63  }
0x81: {  	s28 =	simm.s32 $0x6400  }
0x82: {  	[tilespmem:s28], [sflag:$0x2] =	stream.indirect.gather [hbm4b:s1+s10], $0x80, s10, s10, $0xb8;
	[tilespmem:$0x1E400] =	vst v63  }
0x83: {  	s9 =	simm.s32 $0xA400  }
0x84: {  	[tilespmem:s9], [sflag:$0x3] =	stream.indirect.gather [hbm4b:s1+s10], $0x80, s16, s10, $0xb8;
	[tilespmem:$0x1E400] =	vst v63  }
0x85: {  	s16 =	simm.s32 $0xE400  }
0x86: {  	[tilespmem:s16], [sflag:$0x4] =	stream.indirect.gather [hbm4b:s1+s10], $0x80, s21, s10, $0xb8;
	[tilespmem:$0x1E400] =	vst v63  }
0x87: {  	s29 =	simm.s32 $0x12400  }
0x88: {  	[tilespmem:s29], [sflag:$0x5] =	stream.indirect.gather [hbm4b:s1+s10], $0x80, s22, s10, $0xb8;
	[tilespmem:$0x1E400] =	vst v63  }
0x89: {  	_ =	swait.ge [sflag:s25], $0x4000  }
0x8a: {  	s9 =	simm.s32 $0x0;
	[sflag:s25] =	ssyncset.done $0x0  }
0x8b: {  	s16 =	simm.s32 $0x200;
	s22 =	simm.s32 $0x12400;
	[sflag:s25] =	ssyncadd.s32 $0xFFFFC000  }
.LBB2_2:
0x8c: {  	p0 =	sne.s32 s16, $0x7E00;
	v0 =	vld [tilespmem:s9+$0x470]  }
0x8d: {  	v1 =	vld [tilespmem:s9+$0x400]  }
0x8e: {  	v2 =	vld [tilespmem:s9+$0x410]  }
0x8f: {  	v3 =	vld [tilespmem:s9+$0x420]  }
0x90: {  	v4 =	vld [tilespmem:s9+$0x430]  }
0x91: {  	[tilespmem:s9+$0x4470] =	vst.add.f32.msk $0xffff, v0  }
0x92: {  	v5 =	vld [tilespmem:s9+$0x440]  }
0x93: {  	v6 =	vld [tilespmem:s9+$0x450]  }
0x94: {  	v7 =	vld [tilespmem:s9+$0x460]  }
0x95: {  	[tilespmem:s9+$0x2400] =	vst.add.f32.msk $0xffff, v1  }
0x96: {  	[tilespmem:s9+$0x4400] =	vst.add.f32.msk $0xffff, v1  }
0x97: {  	[tilespmem:s9+$0x2410] =	vst.add.f32.msk $0xffff, v2  }
0x98: {  	[tilespmem:s9+$0x4410] =	vst.add.f32.msk $0xffff, v2  }
0x99: {  	[tilespmem:s9+$0x2420] =	vst.add.f32.msk $0xffff, v3  }
0x9a: {  	[tilespmem:s9+$0x4420] =	vst.add.f32.msk $0xffff, v3  }
0x9b: {  	[tilespmem:s9+$0x2430] =	vst.add.f32.msk $0xffff, v4  }
0x9c: {  	[tilespmem:s9+$0x4430] =	vst.add.f32.msk $0xffff, v4  }
0x9d: {  	[tilespmem:s9+$0x2440] =	vst.add.f32.msk $0xffff, v5  }
0x9e: {  	[tilespmem:s9+$0x4440] =	vst.add.f32.msk $0xffff, v5  }
.Ltmp0:
0x9f: {  	[tilespmem:s9+$0x2450] =	vst.add.f32.msk $0xffff, v6;
	(pc) =	sbr.rel @p0 .LBB2_2-.Ltmp0, $4  }
0xa0: {  	[tilespmem:s9+$0x4450] =	vst.add.f32.msk $0xffff, v6  }
0xa1: {  	[tilespmem:s9+$0x2460] =	vst.add.f32.msk $0xffff, v7  }
0xa2: {  	[tilespmem:s9+$0x4460] =	vst.add.f32.msk $0xffff, v7  }
0xa3: {  	[tilespmem:s9+$0x2470] =	vst.add.f32.msk $0xffff, v0;
	s9 =	sshra.s32 s16, $0x2;
	s16 =	sadd.s32 $0x200, s16  }
0xa4: {  	v0 =	vld [tilespmem:s9+$0x470]  }
0xa5: {  	v1 =	vld [tilespmem:s9+$0x400]  }
0xa6: {  	v2 =	vld [tilespmem:s9+$0x410]  }
0xa7: {  	v3 =	vld [tilespmem:s9+$0x420]  }
0xa8: {  	v4 =	vld [tilespmem:s9+$0x430]  }
0xa9: {  	v5 =	vld [tilespmem:s9+$0x440]  }
0xaa: {  	v6 =	vld [tilespmem:s9+$0x450]  }
0xab: {  	v7 =	vld [tilespmem:s9+$0x460]  }
0xac: {  	[tilespmem:s9+$0x4470] =	vst.add.f32.msk $0xffff, v0  }
0xad: {  	[tilespmem:s9+$0x2400] =	vst.add.f32.msk $0xffff, v1  }
0xae: {  	[tilespmem:s9+$0x4400] =	vst.add.f32.msk $0xffff, v1  }
0xaf: {  	[tilespmem:s9+$0x2410] =	vst.add.f32.msk $0xffff, v2  }
0xb0: {  	[tilespmem:s9+$0x4410] =	vst.add.f32.msk $0xffff, v2  }
0xb1: {  	[tilespmem:s9+$0x2420] =	vst.add.f32.msk $0xffff, v3  }
0xb2: {  	[tilespmem:s9+$0x4420] =	vst.add.f32.msk $0xffff, v3  }
0xb3: {  	[tilespmem:s9+$0x2430] =	vst.add.f32.msk $0xffff, v4  }
0xb4: {  	[tilespmem:s9+$0x4430] =	vst.add.f32.msk $0xffff, v4  }
0xb5: {  	[tilespmem:s9+$0x2440] =	vst.add.f32.msk $0xffff, v5  }
0xb6: {  	[tilespmem:s9+$0x4440] =	vst.add.f32.msk $0xffff, v5  }
0xb7: {  	[tilespmem:s9+$0x2450] =	vst.add.f32.msk $0xffff, v6  }
0xb8: {  	[tilespmem:s9+$0x4450] =	vst.add.f32.msk $0xffff, v6  }
0xb9: {  	[tilespmem:s9+$0x2460] =	vst.add.f32.msk $0xffff, v7  }
0xba: {  	[tilespmem:s9+$0x4460] =	vst.add.f32.msk $0xffff, v7  }
0xbb: {  	s21 =	simm.s32 $0x0;
	[tilespmem:s9+$0x2470] =	vst.add.f32.msk $0xffff, v0  }
0xbc: {  	[hbm4b:s20+s21] =	stream.linear.scatter [tilespmem:s19], [sflag:$0x8], $0x2000, $0x38;
	[tilespmem:$0x1E400] =	vst v63  }
0xbd: {  	s16 =	rddreg [dreg:$0x15];
	s29 =	simm.s32 $0x4400  }
0xbe: {  	[hbm4b:s16+s21] =	stream.linear.scatter [tilespmem:s29], [sflag:$0x8], $0x2000, $0x38;
	[tilespmem:$0x1E400] =	vst v63  }
0xbf: {  	s21 =	simm.s32 $0x16400  }
0xc0: {  	[tilespmem:s21], [sflag:$0x6] =	stream.indirect.gather [hbm4b:s1+s10], $0x80, s23, s10, $0xb8;
	[tilespmem:$0x1E400] =	vst v63  }
0xc1: {  	_ =	swait.ge [sflag:s11], $0x4000  }
0xc2: {  	s9 =	simm.s32 $0x0;
	[sflag:s11] =	ssyncset.done $0x0  }
0xc3: {  	s16 =	simm.s32 $0x200;
	s23 =	simm.s32 $0x16400;
	[sflag:s11] =	ssyncadd.s32 $0xFFFFC000  }
.LBB2_4:
0xc4: {  	p0 =	sne.s32 s16, $0x7E00;
	v0 =	vld [tilespmem:s9+$0x470]  }
0xc5: {  	v1 =	vld [tilespmem:s9+$0x400]  }
0xc6: {  	v2 =	vld [tilespmem:s9+$0x410]  }
0xc7: {  	v3 =	vld [tilespmem:s9+$0x420]  }
0xc8: {  	v4 =	vld [tilespmem:s9+$0x430]  }
0xc9: {  	[tilespmem:s9+$0x8470] =	vst.add.f32.msk $0xffff, v0  }
0xca: {  	v5 =	vld [tilespmem:s9+$0x440]  }
0xcb: {  	v6 =	vld [tilespmem:s9+$0x450]  }
0xcc: {  	v7 =	vld [tilespmem:s9+$0x460]  }
0xcd: {  	[tilespmem:s9+$0x6400] =	vst.add.f32.msk $0xffff, v1  }
0xce: {  	[tilespmem:s9+$0x8400] =	vst.add.f32.msk $0xffff, v1  }
0xcf: {  	[tilespmem:s9+$0x6410] =	vst.add.f32.msk $0xffff, v2  }
0xd0: {  	[tilespmem:s9+$0x8410] =	vst.add.f32.msk $0xffff, v2  }
0xd1: {  	[tilespmem:s9+$0x6420] =	vst.add.f32.msk $0xffff, v3  }
0xd2: {  	[tilespmem:s9+$0x8420] =	vst.add.f32.msk $0xffff, v3  }
0xd3: {  	[tilespmem:s9+$0x6430] =	vst.add.f32.msk $0xffff, v4  }
0xd4: {  	[tilespmem:s9+$0x8430] =	vst.add.f32.msk $0xffff, v4  }
0xd5: {  	[tilespmem:s9+$0x6440] =	vst.add.f32.msk $0xffff, v5  }
0xd6: {  	[tilespmem:s9+$0x8440] =	vst.add.f32.msk $0xffff, v5  }
.Ltmp1:
0xd7: {  	[tilespmem:s9+$0x6450] =	vst.add.f32.msk $0xffff, v6;
	(pc) =	sbr.rel @p0 .LBB2_4-.Ltmp1, $4  }
0xd8: {  	[tilespmem:s9+$0x8450] =	vst.add.f32.msk $0xffff, v6  }
0xd9: {  	[tilespmem:s9+$0x6460] =	vst.add.f32.msk $0xffff, v7  }
0xda: {  	[tilespmem:s9+$0x8460] =	vst.add.f32.msk $0xffff, v7  }
0xdb: {  	[tilespmem:s9+$0x6470] =	vst.add.f32.msk $0xffff, v0;
	s9 =	sshra.s32 s16, $0x2;
	s16 =	sadd.s32 $0x200, s16  }
0xdc: {  	v0 =	vld [tilespmem:s9+$0x470]  }
0xdd: {  	v1 =	vld [tilespmem:s9+$0x400]  }
0xde: {  	v2 =	vld [tilespmem:s9+$0x410]  }
0xdf: {  	v3 =	vld [tilespmem:s9+$0x420]  }
0xe0: {  	v4 =	vld [tilespmem:s9+$0x430]  }
0xe1: {  	v5 =	vld [tilespmem:s9+$0x440]  }
0xe2: {  	v6 =	vld [tilespmem:s9+$0x450]  }
0xe3: {  	v7 =	vld [tilespmem:s9+$0x460]  }
0xe4: {  	[tilespmem:s9+$0x8470] =	vst.add.f32.msk $0xffff, v0  }
0xe5: {  	[tilespmem:s9+$0x6400] =	vst.add.f32.msk $0xffff, v1  }
0xe6: {  	[tilespmem:s9+$0x8400] =	vst.add.f32.msk $0xffff, v1  }
0xe7: {  	[tilespmem:s9+$0x6410] =	vst.add.f32.msk $0xffff, v2  }
0xe8: {  	[tilespmem:s9+$0x8410] =	vst.add.f32.msk $0xffff, v2  }
0xe9: {  	[tilespmem:s9+$0x6420] =	vst.add.f32.msk $0xffff, v3  }
0xea: {  	[tilespmem:s9+$0x8420] =	vst.add.f32.msk $0xffff, v3  }
0xeb: {  	[tilespmem:s9+$0x6430] =	vst.add.f32.msk $0xffff, v4  }
0xec: {  	[tilespmem:s9+$0x8430] =	vst.add.f32.msk $0xffff, v4  }
0xed: {  	[tilespmem:s9+$0x6440] =	vst.add.f32.msk $0xffff, v5  }
0xee: {  	[tilespmem:s9+$0x8440] =	vst.add.f32.msk $0xffff, v5  }
0xef: {  	[tilespmem:s9+$0x6450] =	vst.add.f32.msk $0xffff, v6  }
0xf0: {  	[tilespmem:s9+$0x8450] =	vst.add.f32.msk $0xffff, v6  }
0xf1: {  	[tilespmem:s9+$0x6460] =	vst.add.f32.msk $0xffff, v7  }
0xf2: {  	[tilespmem:s9+$0x8460] =	vst.add.f32.msk $0xffff, v7  }
0xf3: {  	s16 =	rddreg [dreg:$0x16];
	[tilespmem:s9+$0x6470] =	vst.add.f32.msk $0xffff, v0;
	s9 =	simm.s32 $0x0  }
0xf4: {  	[hbm4b:s16+s9] =	stream.linear.scatter [tilespmem:s28], [sflag:$0x9], $0x2000, $0x38;
	[tilespmem:$0x1E400] =	vst v63  }
0xf5: {  	s21 =	simm.s32 $0x8400;
	s28 =	rddreg [dreg:$0x17]  }
0xf6: {  	[hbm4b:s28+s9] =	stream.linear.scatter [tilespmem:s21], [sflag:$0x9], $0x2000, $0x38;
	[tilespmem:$0x1E400] =	vst v63  }
0xf7: {  	s28 =	simm.s32 $0x1A400  }
0xf8: {  	[tilespmem:s28], [sflag:$0x7] =	stream.indirect.gather [hbm4b:s1+s10], $0x80, s24, s10, $0xb8;
	[tilespmem:$0x1E400] =	vst v63  }
0xf9: {  	_ =	swait.ge [sflag:s30], $0x4000  }
0xfa: {  	s16 =	simm.s32 $0x200;
	[sflag:s30] =	ssyncset.done $0x0  }
0xfb: {  	s9 =	simm.s32 $0x0;
	s24 =	simm.s32 $0x1A400;
	[sflag:s30] =	ssyncadd.s32 $0xFFFFC000  }
.LBB2_6:
0xfc: {  	p0 =	sne.s32 s16, $0x7E00;
	v0 =	vld [tilespmem:s9+$0x470]  }
0xfd: {  	v1 =	vld [tilespmem:s9+$0x400]  }
0xfe: {  	v2 =	vld [tilespmem:s9+$0x410]  }
0xff: {  	v3 =	vld [tilespmem:s9+$0x420]  }
0x100: {  	v4 =	vld [tilespmem:s9+$0x430]  }
0x101: {  	[tilespmem:s9+$0xC470] =	vst.add.f32.msk $0xffff, v0  }
0x102: {  	v5 =	vld [tilespmem:s9+$0x440]  }
0x103: {  	v6 =	vld [tilespmem:s9+$0x450]  }
0x104: {  	v7 =	vld [tilespmem:s9+$0x460]  }
0x105: {  	[tilespmem:s9+$0xA400] =	vst.add.f32.msk $0xffff, v1  }
0x106: {  	[tilespmem:s9+$0xC400] =	vst.add.f32.msk $0xffff, v1  }
0x107: {  	[tilespmem:s9+$0xA410] =	vst.add.f32.msk $0xffff, v2  }
0x108: {  	[tilespmem:s9+$0xC410] =	vst.add.f32.msk $0xffff, v2  }
0x109: {  	[tilespmem:s9+$0xA420] =	vst.add.f32.msk $0xffff, v3  }
0x10a: {  	[tilespmem:s9+$0xC420] =	vst.add.f32.msk $0xffff, v3  }
0x10b: {  	[tilespmem:s9+$0xA430] =	vst.add.f32.msk $0xffff, v4  }
0x10c: {  	[tilespmem:s9+$0xC430] =	vst.add.f32.msk $0xffff, v4  }
0x10d: {  	[tilespmem:s9+$0xA440] =	vst.add.f32.msk $0xffff, v5  }
0x10e: {  	[tilespmem:s9+$0xC440] =	vst.add.f32.msk $0xffff, v5  }
.Ltmp2:
0x10f: {  	[tilespmem:s9+$0xA450] =	vst.add.f32.msk $0xffff, v6;
	(pc) =	sbr.rel @p0 .LBB2_6-.Ltmp2, $4  }
0x110: {  	[tilespmem:s9+$0xC450] =	vst.add.f32.msk $0xffff, v6  }
0x111: {  	[tilespmem:s9+$0xA460] =	vst.add.f32.msk $0xffff, v7  }
0x112: {  	[tilespmem:s9+$0xC460] =	vst.add.f32.msk $0xffff, v7  }
0x113: {  	[tilespmem:s9+$0xA470] =	vst.add.f32.msk $0xffff, v0;
	s9 =	sshra.s32 s16, $0x2;
	s16 =	sadd.s32 $0x200, s16  }
0x114: {  	v0 =	vld [tilespmem:s9+$0x470]  }
0x115: {  	v1 =	vld [tilespmem:s9+$0x400]  }
0x116: {  	v2 =	vld [tilespmem:s9+$0x410]  }
0x117: {  	v3 =	vld [tilespmem:s9+$0x420]  }
0x118: {  	v4 =	vld [tilespmem:s9+$0x430]  }
0x119: {  	v5 =	vld [tilespmem:s9+$0x440]  }
0x11a: {  	v6 =	vld [tilespmem:s9+$0x450]  }
0x11b: {  	v7 =	vld [tilespmem:s9+$0x460]  }
0x11c: {  	[tilespmem:s9+$0xC470] =	vst.add.f32.msk $0xffff, v0  }
0x11d: {  	[tilespmem:s9+$0xA400] =	vst.add.f32.msk $0xffff, v1  }
0x11e: {  	[tilespmem:s9+$0xC400] =	vst.add.f32.msk $0xffff, v1  }
0x11f: {  	[tilespmem:s9+$0xA410] =	vst.add.f32.msk $0xffff, v2  }
0x120: {  	[tilespmem:s9+$0xC410] =	vst.add.f32.msk $0xffff, v2  }
0x121: {  	[tilespmem:s9+$0xA420] =	vst.add.f32.msk $0xffff, v3  }
0x122: {  	[tilespmem:s9+$0xC420] =	vst.add.f32.msk $0xffff, v3  }
0x123: {  	[tilespmem:s9+$0xA430] =	vst.add.f32.msk $0xffff, v4  }
0x124: {  	[tilespmem:s9+$0xC430] =	vst.add.f32.msk $0xffff, v4  }
0x125: {  	[tilespmem:s9+$0xA440] =	vst.add.f32.msk $0xffff, v5  }
0x126: {  	[tilespmem:s9+$0xC440] =	vst.add.f32.msk $0xffff, v5  }
0x127: {  	[tilespmem:s9+$0xA450] =	vst.add.f32.msk $0xffff, v6  }
0x128: {  	[tilespmem:s9+$0xC450] =	vst.add.f32.msk $0xffff, v6  }
0x129: {  	[tilespmem:s9+$0xA460] =	vst.add.f32.msk $0xffff, v7  }
0x12a: {  	[tilespmem:s9+$0xC460] =	vst.add.f32.msk $0xffff, v7  }
0x12b: {  	s16 =	rddreg [dreg:$0x19];
	s21 =	simm.s32 $0xA400;
	[tilespmem:s9+$0xA470] =	vst.add.f32.msk $0xffff, v0;
	s9 =	simm.s32 $0x0  }
0x12c: {  	[hbm4b:s16+s9] =	stream.linear.scatter [tilespmem:s21], [sflag:$0xA], $0x2000, $0x38;
	[tilespmem:$0x1E400] =	vst v63  }
0x12d: {  	s28 =	simm.s32 $0xC400;
	s21 =	rddreg [dreg:$0x1a]  }
0x12e: {  	[hbm4b:s21+s9] =	stream.linear.scatter [tilespmem:s28], [sflag:$0xA], $0x2000, $0x38;
	[tilespmem:$0x1E400] =	vst v63  }
0x12f: {  	_ =	swait.ge [sflag:s18], $0x2000  }
0x130: {  	[sflag:s18] =	ssyncset.done $0x0  }
0x131: {  	[sflag:s18] =	ssyncadd.s32 $0xFFFFE000  }
0x132: {  	_ =	swait.ge [sflag:s18], $0x2000  }
0x133: {  	[sflag:s18] =	ssyncset.done $0x0  }
0x134: {  	[sflag:s18] =	ssyncadd.s32 $0xFFFFE000  }
0x135: {  	[tilespmem:s19], [sflag:$0x1] =	stream.indirect.gather [hbm4b:s1+s10], $0x80, s26, s10, $0xb8;
	[tilespmem:$0x1E400] =	vst v63  }
0x136: {  	_ =	swait.ge [sflag:s12], $0x4000  }
0x137: {  	[sflag:s12] =	ssyncset.done $0x0  }
0x138: {  	s16 =	simm.s32 $0x200;
	s9 =	simm.s32 $0x0;
	[sflag:s12] =	ssyncadd.s32 $0xFFFFC000  }
.LBB2_8:
0x139: {  	p0 =	sne.s32 s16, $0x7E00;
	v0 =	vld [tilespmem:s9+$0x470]  }
0x13a: {  	v1 =	vld [tilespmem:s9+$0x400]  }
0x13b: {  	v2 =	vld [tilespmem:s9+$0x410]  }
0x13c: {  	v3 =	vld [tilespmem:s9+$0x420]  }
0x13d: {  	v4 =	vld [tilespmem:s9+$0x430]  }
0x13e: {  	[tilespmem:s9+$0x10470] =	vst.add.f32.msk $0xffff, v0  }
0x13f: {  	v5 =	vld [tilespmem:s9+$0x440]  }
0x140: {  	v6 =	vld [tilespmem:s9+$0x450]  }
0x141: {  	v7 =	vld [tilespmem:s9+$0x460]  }
0x142: {  	[tilespmem:s9+$0xE400] =	vst.add.f32.msk $0xffff, v1  }
0x143: {  	[tilespmem:s9+$0x10400] =	vst.add.f32.msk $0xffff, v1  }
0x144: {  	[tilespmem:s9+$0xE410] =	vst.add.f32.msk $0xffff, v2  }
0x145: {  	[tilespmem:s9+$0x10410] =	vst.add.f32.msk $0xffff, v2  }
0x146: {  	[tilespmem:s9+$0xE420] =	vst.add.f32.msk $0xffff, v3  }
0x147: {  	[tilespmem:s9+$0x10420] =	vst.add.f32.msk $0xffff, v3  }
0x148: {  	[tilespmem:s9+$0xE430] =	vst.add.f32.msk $0xffff, v4  }
0x149: {  	[tilespmem:s9+$0x10430] =	vst.add.f32.msk $0xffff, v4  }
0x14a: {  	[tilespmem:s9+$0xE440] =	vst.add.f32.msk $0xffff, v5  }
0x14b: {  	[tilespmem:s9+$0x10440] =	vst.add.f32.msk $0xffff, v5  }
.Ltmp3:
0x14c: {  	[tilespmem:s9+$0xE450] =	vst.add.f32.msk $0xffff, v6;
	(pc) =	sbr.rel @p0 .LBB2_8-.Ltmp3, $4  }
0x14d: {  	[tilespmem:s9+$0x10450] =	vst.add.f32.msk $0xffff, v6  }
0x14e: {  	[tilespmem:s9+$0xE460] =	vst.add.f32.msk $0xffff, v7  }
0x14f: {  	[tilespmem:s9+$0x10460] =	vst.add.f32.msk $0xffff, v7  }
0x150: {  	[tilespmem:s9+$0xE470] =	vst.add.f32.msk $0xffff, v0;
	s9 =	sshra.s32 s16, $0x2;
	s16 =	sadd.s32 $0x200, s16  }
0x151: {  	v0 =	vld [tilespmem:s9+$0x470]  }
0x152: {  	v1 =	vld [tilespmem:s9+$0x400]  }
0x153: {  	v2 =	vld [tilespmem:s9+$0x410]  }
0x154: {  	v3 =	vld [tilespmem:s9+$0x420]  }
0x155: {  	v4 =	vld [tilespmem:s9+$0x430]  }
0x156: {  	v5 =	vld [tilespmem:s9+$0x440]  }
0x157: {  	v6 =	vld [tilespmem:s9+$0x450]  }
0x158: {  	v7 =	vld [tilespmem:s9+$0x460]  }
0x159: {  	[tilespmem:s9+$0x10470] =	vst.add.f32.msk $0xffff, v0  }
0x15a: {  	[tilespmem:s9+$0xE400] =	vst.add.f32.msk $0xffff, v1  }
0x15b: {  	[tilespmem:s9+$0x10400] =	vst.add.f32.msk $0xffff, v1  }
0x15c: {  	[tilespmem:s9+$0xE410] =	vst.add.f32.msk $0xffff, v2  }
0x15d: {  	[tilespmem:s9+$0x10410] =	vst.add.f32.msk $0xffff, v2  }
0x15e: {  	[tilespmem:s9+$0xE420] =	vst.add.f32.msk $0xffff, v3  }
0x15f: {  	[tilespmem:s9+$0x10420] =	vst.add.f32.msk $0xffff, v3  }
0x160: {  	[tilespmem:s9+$0xE430] =	vst.add.f32.msk $0xffff, v4  }
0x161: {  	[tilespmem:s9+$0x10430] =	vst.add.f32.msk $0xffff, v4  }
0x162: {  	[tilespmem:s9+$0xE440] =	vst.add.f32.msk $0xffff, v5  }
0x163: {  	[tilespmem:s9+$0x10440] =	vst.add.f32.msk $0xffff, v5  }
0x164: {  	[tilespmem:s9+$0xE450] =	vst.add.f32.msk $0xffff, v6  }
0x165: {  	[tilespmem:s9+$0x10450] =	vst.add.f32.msk $0xffff, v6  }
0x166: {  	[tilespmem:s9+$0xE460] =	vst.add.f32.msk $0xffff, v7  }
0x167: {  	[tilespmem:s9+$0x10460] =	vst.add.f32.msk $0xffff, v7  }
0x168: {  	s16 =	rddreg [dreg:$0x1b];
	s21 =	simm.s32 $0xE400;
	[tilespmem:s9+$0xE470] =	vst.add.f32.msk $0xffff, v0;
	s9 =	simm.s32 $0x0  }
0x169: {  	[hbm4b:s16+s9] =	stream.linear.scatter [tilespmem:s21], [sflag:$0xB], $0x2000, $0x38;
	[tilespmem:$0x1E400] =	vst v63  }
0x16a: {  	s26 =	rddreg [dreg:$0x1c];
	s28 =	simm.s32 $0x10400  }
0x16b: {  	[hbm4b:s26+s9] =	stream.linear.scatter [tilespmem:s28], [sflag:$0xB], $0x2000, $0x38;
	[tilespmem:$0x1E400] =	vst v63  }
0x16c: {  	_ =	swait.ge [sflag:s31], $0x4000  }
0x16d: {  	[sflag:s31] =	ssyncset.done $0x0  }
0x16e: {  	s16 =	simm.s32 $0x200;
	s9 =	simm.s32 $0x0;
	[sflag:s31] =	ssyncadd.s32 $0xFFFFC000  }
.LBB2_10:
0x16f: {  	p0 =	sne.s32 s16, $0x7E00;
	v0 =	vld [tilespmem:s9+$0x470]  }
0x170: {  	v1 =	vld [tilespmem:s9+$0x400]  }
0x171: {  	v2 =	vld [tilespmem:s9+$0x410]  }
0x172: {  	v3 =	vld [tilespmem:s9+$0x420]  }
0x173: {  	v4 =	vld [tilespmem:s9+$0x430]  }
0x174: {  	[tilespmem:s9+$0x14470] =	vst.add.f32.msk $0xffff, v0  }
0x175: {  	v5 =	vld [tilespmem:s9+$0x440]  }
0x176: {  	v6 =	vld [tilespmem:s9+$0x450]  }
0x177: {  	v7 =	vld [tilespmem:s9+$0x460]  }
0x178: {  	[tilespmem:s9+$0x12400] =	vst.add.f32.msk $0xffff, v1  }
0x179: {  	[tilespmem:s9+$0x14400] =	vst.add.f32.msk $0xffff, v1  }
0x17a: {  	[tilespmem:s9+$0x12410] =	vst.add.f32.msk $0xffff, v2  }
0x17b: {  	[tilespmem:s9+$0x14410] =	vst.add.f32.msk $0xffff, v2  }
0x17c: {  	[tilespmem:s9+$0x12420] =	vst.add.f32.msk $0xffff, v3  }
0x17d: {  	[tilespmem:s9+$0x14420] =	vst.add.f32.msk $0xffff, v3  }
0x17e: {  	[tilespmem:s9+$0x12430] =	vst.add.f32.msk $0xffff, v4  }
0x17f: {  	[tilespmem:s9+$0x14430] =	vst.add.f32.msk $0xffff, v4  }
0x180: {  	[tilespmem:s9+$0x12440] =	vst.add.f32.msk $0xffff, v5  }
0x181: {  	[tilespmem:s9+$0x14440] =	vst.add.f32.msk $0xffff, v5  }
.Ltmp4:
0x182: {  	[tilespmem:s9+$0x12450] =	vst.add.f32.msk $0xffff, v6;
	(pc) =	sbr.rel @p0 .LBB2_10-.Ltmp4, $4  }
0x183: {  	[tilespmem:s9+$0x14450] =	vst.add.f32.msk $0xffff, v6  }
0x184: {  	[tilespmem:s9+$0x12460] =	vst.add.f32.msk $0xffff, v7  }
0x185: {  	[tilespmem:s9+$0x14460] =	vst.add.f32.msk $0xffff, v7  }
0x186: {  	[tilespmem:s9+$0x12470] =	vst.add.f32.msk $0xffff, v0;
	s9 =	sshra.s32 s16, $0x2;
	s16 =	sadd.s32 $0x200, s16  }
0x187: {  	v0 =	vld [tilespmem:s9+$0x470]  }
0x188: {  	v1 =	vld [tilespmem:s9+$0x400]  }
0x189: {  	v2 =	vld [tilespmem:s9+$0x410]  }
0x18a: {  	v3 =	vld [tilespmem:s9+$0x420]  }
0x18b: {  	v4 =	vld [tilespmem:s9+$0x430]  }
0x18c: {  	v5 =	vld [tilespmem:s9+$0x440]  }
0x18d: {  	v6 =	vld [tilespmem:s9+$0x450]  }
0x18e: {  	v7 =	vld [tilespmem:s9+$0x460]  }
0x18f: {  	[tilespmem:s9+$0x14470] =	vst.add.f32.msk $0xffff, v0  }
0x190: {  	[tilespmem:s9+$0x12400] =	vst.add.f32.msk $0xffff, v1  }
0x191: {  	[tilespmem:s9+$0x14400] =	vst.add.f32.msk $0xffff, v1  }
0x192: {  	[tilespmem:s9+$0x12410] =	vst.add.f32.msk $0xffff, v2  }
0x193: {  	[tilespmem:s9+$0x14410] =	vst.add.f32.msk $0xffff, v2  }
0x194: {  	[tilespmem:s9+$0x12420] =	vst.add.f32.msk $0xffff, v3  }
0x195: {  	[tilespmem:s9+$0x14420] =	vst.add.f32.msk $0xffff, v3  }
0x196: {  	[tilespmem:s9+$0x12430] =	vst.add.f32.msk $0xffff, v4  }
0x197: {  	[tilespmem:s9+$0x14430] =	vst.add.f32.msk $0xffff, v4  }
0x198: {  	[tilespmem:s9+$0x12440] =	vst.add.f32.msk $0xffff, v5  }
0x199: {  	[tilespmem:s9+$0x14440] =	vst.add.f32.msk $0xffff, v5  }
0x19a: {  	[tilespmem:s9+$0x12450] =	vst.add.f32.msk $0xffff, v6  }
0x19b: {  	[tilespmem:s9+$0x14450] =	vst.add.f32.msk $0xffff, v6  }
0x19c: {  	[tilespmem:s9+$0x12460] =	vst.add.f32.msk $0xffff, v7  }
0x19d: {  	[tilespmem:s9+$0x14460] =	vst.add.f32.msk $0xffff, v7  }
0x19e: {  	s26 =	simm.s32 $0x0;
	s16 =	rddreg [dreg:$0x1d];
	[tilespmem:s9+$0x12470] =	vst.add.f32.msk $0xffff, v0  }
0x19f: {  	[hbm4b:s16+s26] =	stream.linear.scatter [tilespmem:s22], [sflag:$0xC], $0x2000, $0x38;
	[tilespmem:$0x1E400] =	vst v63  }
0x1a0: {  	s28 =	rddreg [dreg:$0x1e];
	s21 =	simm.s32 $0x14400  }
0x1a1: {  	[hbm4b:s28+s26] =	stream.linear.scatter [tilespmem:s21], [sflag:$0xC], $0x2000, $0x38;
	[tilespmem:$0x1E400] =	vst v63  }
0x1a2: {  	_ =	swait.ge [sflag:s0], $0x4000  }
0x1a3: {  	[sflag:s0] =	ssyncset.done $0x0  }
0x1a4: {  	s9 =	simm.s32 $0x0;
	s16 =	simm.s32 $0x200;
	[sflag:s0] =	ssyncadd.s32 $0xFFFFC000  }
.LBB2_12:
0x1a5: {  	p0 =	sne.s32 s16, $0x7E00;
	v0 =	vld [tilespmem:s9+$0x470]  }
0x1a6: {  	v1 =	vld [tilespmem:s9+$0x400]  }
0x1a7: {  	v2 =	vld [tilespmem:s9+$0x410]  }
0x1a8: {  	v3 =	vld [tilespmem:s9+$0x420]  }
0x1a9: {  	v4 =	vld [tilespmem:s9+$0x430]  }
0x1aa: {  	[tilespmem:s9+$0x18470] =	vst.add.f32.msk $0xffff, v0  }
0x1ab: {  	v5 =	vld [tilespmem:s9+$0x440]  }
0x1ac: {  	v6 =	vld [tilespmem:s9+$0x450]  }
0x1ad: {  	v7 =	vld [tilespmem:s9+$0x460]  }
0x1ae: {  	[tilespmem:s9+$0x16400] =	vst.add.f32.msk $0xffff, v1  }
0x1af: {  	[tilespmem:s9+$0x18400] =	vst.add.f32.msk $0xffff, v1  }
0x1b0: {  	[tilespmem:s9+$0x16410] =	vst.add.f32.msk $0xffff, v2  }
0x1b1: {  	[tilespmem:s9+$0x18410] =	vst.add.f32.msk $0xffff, v2  }
0x1b2: {  	[tilespmem:s9+$0x16420] =	vst.add.f32.msk $0xffff, v3  }
0x1b3: {  	[tilespmem:s9+$0x18420] =	vst.add.f32.msk $0xffff, v3  }
0x1b4: {  	[tilespmem:s9+$0x16430] =	vst.add.f32.msk $0xffff, v4  }
0x1b5: {  	[tilespmem:s9+$0x18430] =	vst.add.f32.msk $0xffff, v4  }
0x1b6: {  	[tilespmem:s9+$0x16440] =	vst.add.f32.msk $0xffff, v5  }
0x1b7: {  	[tilespmem:s9+$0x18440] =	vst.add.f32.msk $0xffff, v5  }
.Ltmp5:
0x1b8: {  	[tilespmem:s9+$0x16450] =	vst.add.f32.msk $0xffff, v6;
	(pc) =	sbr.rel @p0 .LBB2_12-.Ltmp5, $4  }
0x1b9: {  	[tilespmem:s9+$0x18450] =	vst.add.f32.msk $0xffff, v6  }
0x1ba: {  	[tilespmem:s9+$0x16460] =	vst.add.f32.msk $0xffff, v7  }
0x1bb: {  	[tilespmem:s9+$0x18460] =	vst.add.f32.msk $0xffff, v7  }
0x1bc: {  	[tilespmem:s9+$0x16470] =	vst.add.f32.msk $0xffff, v0;
	s9 =	sshra.s32 s16, $0x2;
	s16 =	sadd.s32 $0x200, s16  }
0x1bd: {  	v0 =	vld [tilespmem:s9+$0x470]  }
0x1be: {  	v1 =	vld [tilespmem:s9+$0x400]  }
0x1bf: {  	v2 =	vld [tilespmem:s9+$0x410]  }
0x1c0: {  	v3 =	vld [tilespmem:s9+$0x420]  }
0x1c1: {  	v4 =	vld [tilespmem:s9+$0x430]  }
0x1c2: {  	v5 =	vld [tilespmem:s9+$0x440]  }
0x1c3: {  	v6 =	vld [tilespmem:s9+$0x450]  }
0x1c4: {  	v7 =	vld [tilespmem:s9+$0x460]  }
0x1c5: {  	[tilespmem:s9+$0x18470] =	vst.add.f32.msk $0xffff, v0  }
0x1c6: {  	[tilespmem:s9+$0x16400] =	vst.add.f32.msk $0xffff, v1  }
0x1c7: {  	[tilespmem:s9+$0x18400] =	vst.add.f32.msk $0xffff, v1  }
0x1c8: {  	[tilespmem:s9+$0x16410] =	vst.add.f32.msk $0xffff, v2  }
0x1c9: {  	[tilespmem:s9+$0x18410] =	vst.add.f32.msk $0xffff, v2  }
0x1ca: {  	[tilespmem:s9+$0x16420] =	vst.add.f32.msk $0xffff, v3  }
0x1cb: {  	[tilespmem:s9+$0x18420] =	vst.add.f32.msk $0xffff, v3  }
0x1cc: {  	[tilespmem:s9+$0x16430] =	vst.add.f32.msk $0xffff, v4  }
0x1cd: {  	[tilespmem:s9+$0x18430] =	vst.add.f32.msk $0xffff, v4  }
0x1ce: {  	[tilespmem:s9+$0x16440] =	vst.add.f32.msk $0xffff, v5  }
0x1cf: {  	[tilespmem:s9+$0x18440] =	vst.add.f32.msk $0xffff, v5  }
0x1d0: {  	[tilespmem:s9+$0x16450] =	vst.add.f32.msk $0xffff, v6  }
0x1d1: {  	[tilespmem:s9+$0x18450] =	vst.add.f32.msk $0xffff, v6  }
0x1d2: {  	[tilespmem:s9+$0x16460] =	vst.add.f32.msk $0xffff, v7  }
0x1d3: {  	s16 =	rddreg [dreg:$0x1f];
	[tilespmem:s9+$0x18460] =	vst.add.f32.msk $0xffff, v7  }
0x1d4: {  	s26 =	simm.s32 $0x0;
	s28 =	sld [smem:$0x7F9];
	[tilespmem:s9+$0x16470] =	vst.add.f32.msk $0xffff, v0  }
0x1d5: {  	[hbm4b:s16+s26] =	stream.linear.scatter [tilespmem:s23], [sflag:$0xD], $0x2000, $0x38;
	[tilespmem:$0x1E400] =	vst v63  }
0x1d6: {  	s21 =	simm.s32 $0x18400  }
0x1d7: {  	[hbm4b:s28+s26] =	stream.linear.scatter [tilespmem:s21], [sflag:$0xD], $0x2000, $0x38;
	[tilespmem:$0x1E400] =	vst v63  }
0x1d8: {  	_ =	swait.ge [sflag:s13], $0x4000  }
0x1d9: {  	[sflag:s13] =	ssyncset.done $0x0  }
0x1da: {  	s9 =	simm.s32 $0x0;
	s16 =	simm.s32 $0x200;
	[sflag:s13] =	ssyncadd.s32 $0xFFFFC000  }
.LBB2_14:
0x1db: {  	p0 =	sne.s32 s16, $0x7E00;
	v0 =	vld [tilespmem:s9+$0x470]  }
0x1dc: {  	v1 =	vld [tilespmem:s9+$0x400]  }
0x1dd: {  	v2 =	vld [tilespmem:s9+$0x410]  }
0x1de: {  	v3 =	vld [tilespmem:s9+$0x420]  }
0x1df: {  	v4 =	vld [tilespmem:s9+$0x430]  }
0x1e0: {  	[tilespmem:s9+$0x1C470] =	vst.add.f32.msk $0xffff, v0  }
0x1e1: {  	v5 =	vld [tilespmem:s9+$0x440]  }
0x1e2: {  	v6 =	vld [tilespmem:s9+$0x450]  }
0x1e3: {  	v7 =	vld [tilespmem:s9+$0x460]  }
0x1e4: {  	[tilespmem:s9+$0x1A400] =	vst.add.f32.msk $0xffff, v1  }
0x1e5: {  	[tilespmem:s9+$0x1C400] =	vst.add.f32.msk $0xffff, v1  }
0x1e6: {  	[tilespmem:s9+$0x1A410] =	vst.add.f32.msk $0xffff, v2  }
0x1e7: {  	[tilespmem:s9+$0x1C410] =	vst.add.f32.msk $0xffff, v2  }
0x1e8: {  	[tilespmem:s9+$0x1A420] =	vst.add.f32.msk $0xffff, v3  }
0x1e9: {  	[tilespmem:s9+$0x1C420] =	vst.add.f32.msk $0xffff, v3  }
0x1ea: {  	[tilespmem:s9+$0x1A430] =	vst.add.f32.msk $0xffff, v4  }
0x1eb: {  	[tilespmem:s9+$0x1C430] =	vst.add.f32.msk $0xffff, v4  }
0x1ec: {  	[tilespmem:s9+$0x1A440] =	vst.add.f32.msk $0xffff, v5  }
0x1ed: {  	[tilespmem:s9+$0x1C440] =	vst.add.f32.msk $0xffff, v5  }
.Ltmp6:
0x1ee: {  	[tilespmem:s9+$0x1A450] =	vst.add.f32.msk $0xffff, v6;
	(pc) =	sbr.rel @p0 .LBB2_14-.Ltmp6, $4  }
0x1ef: {  	[tilespmem:s9+$0x1C450] =	vst.add.f32.msk $0xffff, v6  }
0x1f0: {  	[tilespmem:s9+$0x1A460] =	vst.add.f32.msk $0xffff, v7  }
0x1f1: {  	[tilespmem:s9+$0x1C460] =	vst.add.f32.msk $0xffff, v7  }
0x1f2: {  	[tilespmem:s9+$0x1A470] =	vst.add.f32.msk $0xffff, v0;
	s9 =	sshra.s32 s16, $0x2;
	s16 =	sadd.s32 $0x200, s16  }
0x1f3: {  	v0 =	vld [tilespmem:s9+$0x470]  }
0x1f4: {  	v1 =	vld [tilespmem:s9+$0x400]  }
0x1f5: {  	v2 =	vld [tilespmem:s9+$0x410]  }
0x1f6: {  	v3 =	vld [tilespmem:s9+$0x420]  }
0x1f7: {  	v4 =	vld [tilespmem:s9+$0x430]  }
0x1f8: {  	v5 =	vld [tilespmem:s9+$0x440]  }
0x1f9: {  	v6 =	vld [tilespmem:s9+$0x450]  }
0x1fa: {  	v7 =	vld [tilespmem:s9+$0x460]  }
0x1fb: {  	[tilespmem:s9+$0x1C470] =	vst.add.f32.msk $0xffff, v0  }
0x1fc: {  	[tilespmem:s9+$0x1A400] =	vst.add.f32.msk $0xffff, v1  }
0x1fd: {  	[tilespmem:s9+$0x1C400] =	vst.add.f32.msk $0xffff, v1  }
0x1fe: {  	[tilespmem:s9+$0x1A410] =	vst.add.f32.msk $0xffff, v2  }
0x1ff: {  	[tilespmem:s9+$0x1C410] =	vst.add.f32.msk $0xffff, v2  }
0x200: {  	[tilespmem:s9+$0x1A420] =	vst.add.f32.msk $0xffff, v3  }
0x201: {  	[tilespmem:s9+$0x1C420] =	vst.add.f32.msk $0xffff, v3  }
0x202: {  	[tilespmem:s9+$0x1A430] =	vst.add.f32.msk $0xffff, v4  }
0x203: {  	[tilespmem:s9+$0x1C430] =	vst.add.f32.msk $0xffff, v4  }
0x204: {  	[tilespmem:s9+$0x1A440] =	vst.add.f32.msk $0xffff, v5  }
0x205: {  	[tilespmem:s9+$0x1C440] =	vst.add.f32.msk $0xffff, v5  }
0x206: {  	[tilespmem:s9+$0x1A450] =	vst.add.f32.msk $0xffff, v6  }
0x207: {  	[tilespmem:s9+$0x1C450] =	vst.add.f32.msk $0xffff, v6  }
0x208: {  	s16 =	sld [smem:$0x7FA];
	[tilespmem:s9+$0x1A460] =	vst.add.f32.msk $0xffff, v7  }
0x209: {  	[tilespmem:s9+$0x1C460] =	vst.add.f32.msk $0xffff, v7  }
0x20a: {  	s26 =	simm.s32 $0x0;
	s28 =	sld [smem:$0x7FB];
	[tilespmem:s9+$0x1A470] =	vst.add.f32.msk $0xffff, v0  }
0x20b: {  	[hbm4b:s16+s26] =	stream.linear.scatter [tilespmem:s24], [sflag:$0xE], $0x2000, $0x38;
	[tilespmem:$0x1E400] =	vst v63  }
0x20c: {  	s21 =	simm.s32 $0x1C400  }
0x20d: {  	[hbm4b:s28+s26] =	stream.linear.scatter [tilespmem:s21], [sflag:$0xE], $0x2000, $0x38;
	[tilespmem:$0x1E400] =	vst v63  }
0x20e: {  	_ =	swait.ge [sflag:s25], $0x4000  }
0x20f: {  	[sflag:s25] =	ssyncset.done $0x0  }
0x210: {  	s9 =	simm.s32 $0x0;
	s16 =	simm.s32 $0x200;
	[sflag:s25] =	ssyncadd.s32 $0xFFFFC000  }
.LBB2_16:
0x211: {  	p0 =	sne.s32 s16, $0x7E00;
	v0 =	vld [tilespmem:s9+$0x470]  }
0x212: {  	v1 =	vld [tilespmem:s9+$0x400]  }
0x213: {  	v2 =	vld [tilespmem:s9+$0x410]  }
0x214: {  	v3 =	vld [tilespmem:s9+$0x420]  }
0x215: {  	v4 =	vld [tilespmem:s9+$0x430]  }
0x216: {  	[tilespmem:s9+$0x4470] =	vst.add.f32.msk $0xffff, v0  }
0x217: {  	v5 =	vld [tilespmem:s9+$0x440]  }
0x218: {  	v6 =	vld [tilespmem:s9+$0x450]  }
0x219: {  	v7 =	vld [tilespmem:s9+$0x460]  }
0x21a: {  	[tilespmem:s9+$0x2400] =	vst.add.f32.msk $0xffff, v1  }
0x21b: {  	[tilespmem:s9+$0x4400] =	vst.add.f32.msk $0xffff, v1  }
0x21c: {  	[tilespmem:s9+$0x2410] =	vst.add.f32.msk $0xffff, v2  }
0x21d: {  	[tilespmem:s9+$0x4410] =	vst.add.f32.msk $0xffff, v2  }
0x21e: {  	[tilespmem:s9+$0x2420] =	vst.add.f32.msk $0xffff, v3  }
0x21f: {  	[tilespmem:s9+$0x4420] =	vst.add.f32.msk $0xffff, v3  }
0x220: {  	[tilespmem:s9+$0x2430] =	vst.add.f32.msk $0xffff, v4  }
0x221: {  	[tilespmem:s9+$0x4430] =	vst.add.f32.msk $0xffff, v4  }
0x222: {  	[tilespmem:s9+$0x2440] =	vst.add.f32.msk $0xffff, v5  }
0x223: {  	[tilespmem:s9+$0x4440] =	vst.add.f32.msk $0xffff, v5  }
.Ltmp7:
0x224: {  	[tilespmem:s9+$0x2450] =	vst.add.f32.msk $0xffff, v6;
	(pc) =	sbr.rel @p0 .LBB2_16-.Ltmp7, $4  }
0x225: {  	[tilespmem:s9+$0x4450] =	vst.add.f32.msk $0xffff, v6  }
0x226: {  	[tilespmem:s9+$0x2460] =	vst.add.f32.msk $0xffff, v7  }
0x227: {  	[tilespmem:s9+$0x4460] =	vst.add.f32.msk $0xffff, v7  }
0x228: {  	[tilespmem:s9+$0x2470] =	vst.add.f32.msk $0xffff, v0;
	s9 =	sshra.s32 s16, $0x2;
	s16 =	sadd.s32 $0x200, s16  }
0x229: {  	v0 =	vld [tilespmem:s9+$0x470]  }
0x22a: {  	v1 =	vld [tilespmem:s9+$0x400]  }
0x22b: {  	v2 =	vld [tilespmem:s9+$0x410]  }
0x22c: {  	v3 =	vld [tilespmem:s9+$0x420]  }
0x22d: {  	v4 =	vld [tilespmem:s9+$0x430]  }
0x22e: {  	v5 =	vld [tilespmem:s9+$0x440]  }
0x22f: {  	v6 =	vld [tilespmem:s9+$0x450]  }
0x230: {  	v7 =	vld [tilespmem:s9+$0x460]  }
0x231: {  	[tilespmem:s9+$0x4470] =	vst.add.f32.msk $0xffff, v0  }
0x232: {  	[tilespmem:s9+$0x2400] =	vst.add.f32.msk $0xffff, v1  }
0x233: {  	[tilespmem:s9+$0x4400] =	vst.add.f32.msk $0xffff, v1  }
0x234: {  	[tilespmem:s9+$0x2410] =	vst.add.f32.msk $0xffff, v2  }
0x235: {  	[tilespmem:s9+$0x4410] =	vst.add.f32.msk $0xffff, v2  }
0x236: {  	[tilespmem:s9+$0x2420] =	vst.add.f32.msk $0xffff, v3  }
0x237: {  	[tilespmem:s9+$0x4420] =	vst.add.f32.msk $0xffff, v3  }
0x238: {  	[tilespmem:s9+$0x2430] =	vst.add.f32.msk $0xffff, v4  }
0x239: {  	[tilespmem:s9+$0x4430] =	vst.add.f32.msk $0xffff, v4  }
0x23a: {  	[tilespmem:s9+$0x2440] =	vst.add.f32.msk $0xffff, v5  }
0x23b: {  	[tilespmem:s9+$0x4440] =	vst.add.f32.msk $0xffff, v5  }
0x23c: {  	[tilespmem:s9+$0x2450] =	vst.add.f32.msk $0xffff, v6  }
0x23d: {  	[tilespmem:s9+$0x4450] =	vst.add.f32.msk $0xffff, v6  }
0x23e: {  	s26 =	sld [smem:$0x7FC];
	[tilespmem:s9+$0x2460] =	vst.add.f32.msk $0xffff, v7  }
0x23f: {  	[tilespmem:s9+$0x4460] =	vst.add.f32.msk $0xffff, v7  }
0x240: {  	s28 =	sld [smem:$0x7FD];
	[tilespmem:s9+$0x2470] =	vst.add.f32.msk $0xffff, v0  }
0x241: {  	[hbm4b:s26+s3] =	stream.linear.scatter [tilespmem:s19], [sflag:$0x8], $0x2000, $0x38;
	[tilespmem:$0x1E400] =	vst v63  }
0x242: {  	_ = 	snop  }
0x243: {  	[hbm4b:s28+s3] =	stream.linear.scatter [tilespmem:s29], [sflag:$0x8], $0x2000, $0x38;
	[tilespmem:$0x1E400] =	vst v63  }
0x244: {  	_ =	swait.ge [sflag:s2], $0x2000  }
0x245: {  	[sflag:s2] =	ssyncset.done $0x0  }
0x246: {  	[sflag:s2] =	ssyncadd.s32 $0xFFFFE000  }
0x247: {  	_ =	swait.ge [sflag:s2], $0x2000  }
0x248: {  	[sflag:s2] =	ssyncset.done $0x0  }
0x249: {  	[sflag:s2] =	ssyncadd.s32 $0xFFFFE000  }
0x24a: {  	_ =	swait.ge [sflag:s5], $0x2000  }
0x24b: {  	[sflag:s5] =	ssyncset.done $0x0  }
0x24c: {  	[sflag:s5] =	ssyncadd.s32 $0xFFFFE000  }
0x24d: {  	_ =	swait.ge [sflag:s5], $0x2000  }
0x24e: {  	[sflag:s5] =	ssyncset.done $0x0  }
0x24f: {  	[sflag:s5] =	ssyncadd.s32 $0xFFFFE000  }
0x250: {  	_ =	swait.ge [sflag:s14], $0x2000  }
0x251: {  	[sflag:s14] =	ssyncset.done $0x0  }
0x252: {  	[sflag:s14] =	ssyncadd.s32 $0xFFFFE000  }
0x253: {  	_ =	swait.ge [sflag:s14], $0x2000  }
0x254: {  	[sflag:s14] =	ssyncset.done $0x0  }
0x255: {  	[sflag:s14] =	ssyncadd.s32 $0xFFFFE000  }
0x256: {  	_ =	swait.ge [sflag:s6], $0x2000  }
0x257: {  	[sflag:s6] =	ssyncset.done $0x0  }
0x258: {  	[sflag:s6] =	ssyncadd.s32 $0xFFFFE000  }
0x259: {  	_ =	swait.ge [sflag:s6], $0x2000  }
0x25a: {  	[sflag:s6] =	ssyncset.done $0x0  }
0x25b: {  	[sflag:s6] =	ssyncadd.s32 $0xFFFFE000  }
0x25c: {  	_ =	swait.ge [sflag:s7], $0x2000  }
0x25d: {  	[sflag:s7] =	ssyncset.done $0x0  }
0x25e: {  	[sflag:s7] =	ssyncadd.s32 $0xFFFFE000  }
0x25f: {  	_ =	swait.ge [sflag:s7], $0x2000  }
0x260: {  	[sflag:s7] =	ssyncset.done $0x0  }
0x261: {  	[sflag:s7] =	ssyncadd.s32 $0xFFFFE000  }
0x262: {  	_ =	swait.ge [sflag:s15], $0x2000  }
0x263: {  	[sflag:s15] =	ssyncset.done $0x0  }
0x264: {  	[sflag:s15] =	ssyncadd.s32 $0xFFFFE000  }
0x265: {  	_ =	swait.ge [sflag:s15], $0x2000  }
0x266: {  	[sflag:s15] =	ssyncset.done $0x0  }
0x267: {  	[sflag:s15] =	ssyncadd.s32 $0xFFFFE000  }
0x268: {  	_ =	swait.ge [sflag:s18], $0x2000  }
0x269: {  	[sflag:s18] =	ssyncset.done $0x0  }
0x26a: {  	[sflag:s18] =	ssyncadd.s32 $0xFFFFE000  }
0x26b: {  	_ =	swait.ge [sflag:s18], $0x2000  }
0x26c: {  	s8 =	sadd.s32 $0x1, s8;
	s29 =	rddreg [dreg:$0x18]  }
0x26d: {  	p0 =	sne.s32 s8, s29  }
.Ltmp8:
0x26e: {  	_ = 	snop;
	(pc) =	sbr.rel @p0 .LBB2_1-.Ltmp8, $3  }
0x26f: {  	_ =	sdelay $0x1  }
0x270: {  	[sflag:s18] =	ssyncset.done $0x0  }
0x271: {  	[sflag:s18] =	ssyncadd.s32 $0xFFFFE000  }
0x272: {  	_ =	sfence.sel $0x180000  }
0x273: {  	[bflag:$0x0] =	sbarrier.arrive $0xFFFF  }
0x274: {  	_ =	strace $0x90000047  }
0x275: {  	s0 =	stileid.u32;
	[bflag:$0x2] =	sbarrier.arrive $0xFFFF  }
0x276: {  	p0 =	sne.s32 s0, $0x0;
	s0 =	rddreg [dreg:$0x4]  }
0x277: {  	s0 =	sadd.s32 @!p0 $0x100000, s0  }
0x278: {  	[sflag:s0] =	ssyncadd.tile.s32 @!p0 $0x1;
	_ =	shalt  }
.Lfunc_end2:
_tile_overlayer_lowered:
.L_overlay_start_2:
0x279: {  	(tag) =	ssettag $0x2  }
0x27a: {  	s0 =	rddreg [dreg:$0x0];
	s2 =	stileid.u32  }
0x27b: {  	s1 =	rddreg [dreg:$0x1];
	p0 =	sne.s32 s2, $0x0  }
0x27c: {  	s3 =	rddreg [dreg:$0x2];
	[bflag:$0x3] =	sbarrier.arrive $0xFFFF;
	s2 =	simm.s32 @!p0 $0x1C0F  }
0x27d: {  	[timem:s3], [sflag:s2] =	dma.local @!p0 [hbm:s0], s1  }
0x27e: {  	s0 =	simm.s32 @!p0 $0xF  }
0x27f: {  	_ =	swait.ge @!p0 [sflag:s0], s1  }
0x280: {  	s1 =	ssub.s32 @!p0 $0x0, s1;
	[sflag:s0] =	ssyncset.done @!p0 $0x0  }
0x281: {  	[sflag:s0] =	ssyncadd.s32 @!p0 s1  }
0x282: {  	[bflag:$0x3] =	sbarrier.arrive $0xFFFF  }
0x283: {  	_ =	shalt  }

</sc_bundles>
